<compile_context>
chip_gen: v7x
topology: tpu7x:2x2x1
jax: 0.10.2.dev20260603
libtpu: 0.0.44.dev20260713+nightly
codegen_flags: <defaults>
</compile_context>

<pallas_src>
import functools

import jax
import jax.numpy as jnp
from jax import lax
from jax.experimental import pallas as pl
from jax.experimental.pallas import tpu as pltpu
from jax.experimental.pallas import tpu_sc as plsc

_B = 1024
_S = 4096
_K = 4
_E = 16
_L = 16
_NW = 32
_BPW = _B // _NW
_CH = 2048
_NCH = _S // _CH


def _sc_kernel(x_hbm, ebc_hbm, p_hbm, o_hbm, p_v, x_v, o_v, e_v, sem):
    wid = lax.axis_index("s") * 2 + lax.axis_index("c")
    pltpu.sync_copy(ebc_hbm, e_v)
    for c in range(_NCH):
        pltpu.sync_copy(p_hbm.at[:, pl.ds(c * _CH, _CH)], p_v)

        def run_batch(i, carry):
            b = wid * _BPW + i
            pltpu.sync_copy(x_hbm.at[b, :, pl.ds(c * _CH, _CH)], x_v)
            for eh in range(2):
                ek = [[e_v[k, eh * 8 + e] for k in range(_K)] for e in range(8)]

                def inner(j, carry2):
                    xv = [x_v[k, pl.ds(j * _L, _L)] for k in range(_K)]
                    for e in range(8):
                        acc = p_v[eh * 8 + e, pl.ds(j * _L, _L)]
                        for k in range(_K):
                            acc = acc + xv[k] * ek[e][k]
                        o_v[eh * 8 + e, pl.ds(j * _L, _L)] = acc
                    return carry2

                lax.fori_loop(0, _CH // _L, inner, 0)
            pltpu.sync_copy(o_v, o_hbm.at[b, :, pl.ds(c * _CH, _CH)])
            return carry

        lax.fori_loop(0, _BPW, run_batch, 0)


def kernel(inputs, embedding, pos_table):
    xt = jnp.transpose(inputs, (0, 2, 1))
    pt = jnp.transpose(pos_table, (1, 0))
    ebc = jnp.broadcast_to(embedding[:, :, None], (_K, _E, _L))

    mesh = plsc.VectorSubcoreMesh(core_axis_name="c", subcore_axis_name="s")
    run = functools.partial(
        pl.kernel,
        mesh=mesh,
        out_type=jax.ShapeDtypeStruct((_B, _E, _S), jnp.float32),
        scratch_types=[
            pltpu.VMEM((_E, _CH), jnp.float32),
            pltpu.VMEM((_K, _CH), jnp.float32),
            pltpu.VMEM((_E, _CH), jnp.float32),
            pltpu.VMEM((_K, _E, _L), jnp.float32),
            pltpu.SemaphoreType.DMA,
        ],
    )(_sc_kernel)
    out_t = run(xt, ebc, pt)
    return jnp.transpose(out_t, (0, 2, 1))

# --- scband reference (transcript-rebuilt; emitter-appended) ---
"""Pipeline reference for scband-geno-embeddings-36636071035469 (READ-ONLY COPY).

The authoritative reference and input builder live on the scoring server;
editing this copy changes nothing except your own understanding.
"""

import jax, jax.numpy as jnp
import numpy as np

B = 1024
N_SNPS = 4096
N_ALLELES = 4
EMBED_DIM = 16


def setup_inputs(seed: int = 0) -> dict:
    key = jax.random.key(seed)
    k1, k2, k3 = jax.random.split(key, 3)
    inputs = jax.random.uniform(k1, (B, N_SNPS, N_ALLELES), dtype=jnp.float32)
    # glorot_uniform-ish init for the allele embedding matrix
    limit = float(np.sqrt(6.0 / (N_ALLELES + EMBED_DIM)))
    embedding = jax.random.uniform(k2, (N_ALLELES, EMBED_DIM), dtype=jnp.float32, minval=-limit, maxval=limit)
    # keras Embedding default init is uniform(-0.05, 0.05)
    pos_table = jax.random.uniform(k3, (N_SNPS, EMBED_DIM), dtype=jnp.float32, minval=-0.05, maxval=0.05)
    return {"inputs": inputs, "embedding": embedding, "pos_table": pos_table}


def reference(inputs, embedding, pos_table):
    # einsum('ijk,kl->ijl', inputs, embedding): project one-hot-ish allele dim to embed dim
    immediate = jnp.einsum('ijk,kl->ijl', inputs, embedding)
    # position embedding lookup over tf.range(n_snps) -> gather of the full table
    positions = jnp.arange(N_SNPS, dtype=jnp.int32)
    pos_emb = jnp.take(pos_table, positions, axis=0)  # [N_SNPS, EMBED_DIM]
    return immediate + pos_emb[None, :, :]

if __name__ == "__main__":
    import jax
    _d = setup_inputs()
    print(jax.jit(kernel)(*tuple(_d.values())))

</pallas_src>

<mosaic_0001>
#map = affine_map<(d0, d1) -> (0, 0, 0)>
#map1 = affine_map<(d0, d1) -> (0, 0)>
module attributes {stable_mosaic.version = 14 : i64} {
  func.func @_sc_kernel(%arg0: i32, %arg1: i32, %arg2: memref<1024x4x4096xf32, #tpu.memory_space<hbm>>, %arg3: memref<4x16x16xf32, #tpu.memory_space<hbm>>, %arg4: memref<16x4096xf32, #tpu.memory_space<hbm>>, %arg5: memref<1024x16x4096xf32, #tpu.memory_space<hbm>>, %arg6: memref<16x2048xf32, #tpu.memory_space<vmem>>, %arg7: memref<4x2048xf32, #tpu.memory_space<vmem>>, %arg8: memref<16x2048xf32, #tpu.memory_space<vmem>>, %arg9: memref<4x16x16xf32, #tpu.memory_space<vmem>>, %arg10: memref<!tpu.dma_semaphore, #tpu.memory_space<semaphore_mem>>) attributes {dimension_semantics = [#tpu.dimension_semantics<core_parallel>, #tpu.dimension_semantics<subcore_parallel>], iteration_bounds = array<i64: 2, 16>, scalar_prefetch = 0 : i64, scratch_operands = 5 : i64, tpu.core_type = #tpu.core_type<sc_vector_subcore>, window_params = [{transform_indices = #map}, {transform_indices = #map}, {transform_indices = #map1}, {transform_indices = #map}]} {
    %mul3A = arith.constant 2 : i32
    %mul3A_0 = arith.muli %arg1, %mul3A : i32
    %add3A = arith.addi %mul3A_0, %arg0 : i32
    "tpu.region"() ({
      %run_scoped3A = tpu.sem_alloc : memref<!tpu.dma_semaphore, #tpu.memory_space<semaphore_mem>>
      tpu.enqueue_dma source(%arg3 : memref<4x16x16xf32, #tpu.memory_space<hbm>>) target(%arg9 : memref<4x16x16xf32, #tpu.memory_space<vmem>>) target_semaphore(%run_scoped3A : memref<!tpu.dma_semaphore, #tpu.memory_space<semaphore_mem>>)
      tpu.wait_dma2 semaphore(%run_scoped3A : memref<!tpu.dma_semaphore, #tpu.memory_space<semaphore_mem>>) src(%arg3 : memref<4x16x16xf32, #tpu.memory_space<hbm>>) dst(%arg9 : memref<4x16x16xf32, #tpu.memory_space<vmem>>)
      tpu.yield
    }) : () -> ()
    "tpu.region"() ({
      %run_scoped3A = tpu.sem_alloc : memref<!tpu.dma_semaphore, #tpu.memory_space<semaphore_mem>>
      %dma_start3A = arith.constant 0 : i32
      %dma_start3A_12 = arith.constant 0 : i32
      %dma_start3A_13 = tpu.memref_slice %arg4[%dma_start3A, %dma_start3A_12] : memref<16x4096xf32, #tpu.memory_space<hbm>> -> memref<16x2048xf32, #tpu.memory_space<hbm>>
      %dma_start3A_14 = arith.constant 0 : i32
      %dma_start3A_15 = arith.constant 0 : i32
      %dma_start3A_16 = tpu.memref_slice %arg4[%dma_start3A_14, %dma_start3A_15] : memref<16x4096xf32, #tpu.memory_space<hbm>> -> memref<16x2048xf32, #tpu.memory_space<hbm>>
      tpu.enqueue_dma source(%dma_start3A_16 : memref<16x2048xf32, #tpu.memory_space<hbm>>) target(%arg6 : memref<16x2048xf32, #tpu.memory_space<vmem>>) target_semaphore(%run_scoped3A : memref<!tpu.dma_semaphore, #tpu.memory_space<semaphore_mem>>)
      %dma_wait3A = arith.constant 0 : i32
      %dma_wait3A_17 = arith.constant 0 : i32
      %dma_wait3A_18 = tpu.memref_slice %arg4[%dma_wait3A, %dma_wait3A_17] : memref<16x4096xf32, #tpu.memory_space<hbm>> -> memref<16x2048xf32, #tpu.memory_space<hbm>>
      %dma_wait3A_19 = arith.constant 0 : i32
      %dma_wait3A_20 = arith.constant 0 : i32
      %dma_wait3A_21 = tpu.memref_slice %arg4[%dma_wait3A_19, %dma_wait3A_20] : memref<16x4096xf32, #tpu.memory_space<hbm>> -> memref<16x2048xf32, #tpu.memory_space<hbm>>
      tpu.wait_dma2 semaphore(%run_scoped3A : memref<!tpu.dma_semaphore, #tpu.memory_space<semaphore_mem>>) src(%dma_wait3A_21 : memref<16x2048xf32, #tpu.memory_space<hbm>>) dst(%arg6 : memref<16x2048xf32, #tpu.memory_space<vmem>>)
      tpu.yield
    }) : () -> ()
    %scan3A = arith.constant 0 : i32
    %scan3A_1 = arith.constant 0 : i32
    %scan3A_2 = arith.constant 32 : i32
    %scan3A_3 = arith.addi %scan3A_1, %scan3A_2 : i32
    %scan3A_4 = arith.constant 1 : i32
    scf.for %scan3A_12 = %scan3A_1 to %scan3A_3 step %scan3A_4  : i32 {
      %mul3A_13 = arith.constant 32 : i32
      %mul3A_14 = arith.muli %add3A, %mul3A_13 : i32
      %add3A_15 = arith.addi %mul3A_14, %scan3A_12 : i32
      "tpu.region"() ({
        %run_scoped3A = tpu.sem_alloc : memref<!tpu.dma_semaphore, #tpu.memory_space<semaphore_mem>>
        %dma_start3A = arith.constant 0 : i32
        %dma_start3A_475 = arith.constant 0 : i32
        %dma_start3A_476 = tpu.memref_slice %arg2[%add3A_15, %dma_start3A, %dma_start3A_475] : memref<1024x4x4096xf32, #tpu.memory_space<hbm>> -> memref<1x4x2048xf32, #tpu.memory_space<hbm>>
        %dma_start3A_477 = tpu.memref_squeeze %dma_start3A_476 : memref<1x4x2048xf32, #tpu.memory_space<hbm>> -> memref<4x2048xf32, #tpu.memory_space<hbm>>
        %dma_start3A_478 = arith.constant 0 : i32
        %dma_start3A_479 = arith.constant 0 : i32
        %dma_start3A_480 = tpu.memref_slice %arg2[%add3A_15, %dma_start3A_478, %dma_start3A_479] : memref<1024x4x4096xf32, #tpu.memory_space<hbm>> -> memref<1x4x2048xf32, #tpu.memory_space<hbm>>
        %dma_start3A_481 = tpu.memref_squeeze %dma_start3A_480 : memref<1x4x2048xf32, #tpu.memory_space<hbm>> -> memref<4x2048xf32, #tpu.memory_space<hbm>>
        tpu.enqueue_dma source(%dma_start3A_481 : memref<4x2048xf32, #tpu.memory_space<hbm>>) target(%arg7 : memref<4x2048xf32, #tpu.memory_space<vmem>>) target_semaphore(%run_scoped3A : memref<!tpu.dma_semaphore, #tpu.memory_space<semaphore_mem>>)
        %dma_wait3A = arith.constant 0 : i32
        %dma_wait3A_482 = arith.constant 0 : i32
        %dma_wait3A_483 = tpu.memref_slice %arg2[%add3A_15, %dma_wait3A, %dma_wait3A_482] : memref<1024x4x4096xf32, #tpu.memory_space<hbm>> -> memref<1x4x2048xf32, #tpu.memory_space<hbm>>
        %dma_wait3A_484 = tpu.memref_squeeze %dma_wait3A_483 : memref<1x4x2048xf32, #tpu.memory_space<hbm>> -> memref<4x2048xf32, #tpu.memory_space<hbm>>
        %dma_wait3A_485 = arith.constant 0 : i32
        %dma_wait3A_486 = arith.constant 0 : i32
        %dma_wait3A_487 = tpu.memref_slice %arg2[%add3A_15, %dma_wait3A_485, %dma_wait3A_486] : memref<1024x4x4096xf32, #tpu.memory_space<hbm>> -> memref<1x4x2048xf32, #tpu.memory_space<hbm>>
        %dma_wait3A_488 = tpu.memref_squeeze %dma_wait3A_487 : memref<1x4x2048xf32, #tpu.memory_space<hbm>> -> memref<4x2048xf32, #tpu.memory_space<hbm>>
        tpu.wait_dma2 semaphore(%run_scoped3A : memref<!tpu.dma_semaphore, #tpu.memory_space<semaphore_mem>>) src(%dma_wait3A_488 : memref<4x2048xf32, #tpu.memory_space<hbm>>) dst(%arg7 : memref<4x2048xf32, #tpu.memory_space<vmem>>)
        tpu.yield
      }) : () -> ()
      %get3A = arith.constant 0 : i32
      %get3A_16 = arith.constant 0 : i32
      %get3A_17 = arith.index_cast %get3A : i32 to index
      %get3A_18 = arith.index_cast %get3A_16 : i32 to index
      %get3A_19 = arith.constant 0 : index
      %get3A_20 = tpu.vector_load %arg9[%get3A_17, %get3A_18, %get3A_19] {strides = array<i32>} : memref<4x16x16xf32, #tpu.memory_space<vmem>>, vector<1x1x16xf32>,
      %get3A_21 = vector.shape_cast %get3A_20 : vector<1x1x16xf32> to vector<16xf32>
      %get3A_22 = arith.constant 1 : i32
      %get3A_23 = arith.constant 0 : i32
      %get3A_24 = arith.index_cast %get3A_22 : i32 to index
      %get3A_25 = arith.index_cast %get3A_23 : i32 to index
      %get3A_26 = arith.constant 0 : index
      %get3A_27 = tpu.vector_load %arg9[%get3A_24, %get3A_25, %get3A_26] {strides = array<i32>} : memref<4x16x16xf32, #tpu.memory_space<vmem>>, vector<1x1x16xf32>,
      %get3A_28 = vector.shape_cast %get3A_27 : vector<1x1x16xf32> to vector<16xf32>
      %get3A_29 = arith.constant 2 : i32
      %get3A_30 = arith.constant 0 : i32
      %get3A_31 = arith.index_cast %get3A_29 : i32 to index
      %get3A_32 = arith.index_cast %get3A_30 : i32 to index
      %get3A_33 = arith.constant 0 : index
      %get3A_34 = tpu.vector_load %arg9[%get3A_31, %get3A_32, %get3A_33] {strides = array<i32>} : memref<4x16x16xf32, #tpu.memory_space<vmem>>, vector<1x1x16xf32>,
      %get3A_35 = vector.shape_cast %get3A_34 : vector<1x1x16xf32> to vector<16xf32>
      %get3A_36 = arith.constant 3 : i32
      %get3A_37 = arith.constant 0 : i32
      %get3A_38 = arith.index_cast %get3A_36 : i32 to index
      %get3A_39 = arith.index_cast %get3A_37 : i32 to index
      %get3A_40 = arith.constant 0 : index
      %get3A_41 = tpu.vector_load %arg9[%get3A_38, %get3A_39, %get3A_40] {strides = array<i32>} : memref<4x16x16xf32, #tpu.memory_space<vmem>>, vector<1x1x16xf32>,
      %get3A_42 = vector.shape_cast %get3A_41 : vector<1x1x16xf32> to vector<16xf32>
      %get3A_43 = arith.constant 0 : i32
      %get3A_44 = arith.constant 1 : i32
      %get3A_45 = arith.index_cast %get3A_43 : i32 to index
      %get3A_46 = arith.index_cast %get3A_44 : i32 to index
      %get3A_47 = arith.constant 0 : index
      %get3A_48 = tpu.vector_load %arg9[%get3A_45, %get3A_46, %get3A_47] {strides = array<i32>} : memref<4x16x16xf32, #tpu.memory_space<vmem>>, vector<1x1x16xf32>,
      %get3A_49 = vector.shape_cast %get3A_48 : vector<1x1x16xf32> to vector<16xf32>
      %get3A_50 = arith.constant 1 : i32
      %get3A_51 = arith.constant 1 : i32
      %get3A_52 = arith.index_cast %get3A_50 : i32 to index
      %get3A_53 = arith.index_cast %get3A_51 : i32 to index
      %get3A_54 = arith.constant 0 : index
      %get3A_55 = tpu.vector_load %arg9[%get3A_52, %get3A_53, %get3A_54] {strides = array<i32>} : memref<4x16x16xf32, #tpu.memory_space<vmem>>, vector<1x1x16xf32>,
      %get3A_56 = vector.shape_cast %get3A_55 : vector<1x1x16xf32> to vector<16xf32>
      %get3A_57 = arith.constant 2 : i32
      %get3A_58 = arith.constant 1 : i32
      %get3A_59 = arith.index_cast %get3A_57 : i32 to index
      %get3A_60 = arith.index_cast %get3A_58 : i32 to index
      %get3A_61 = arith.constant 0 : index
      %get3A_62 = tpu.vector_load %arg9[%get3A_59, %get3A_60, %get3A_61] {strides = array<i32>} : memref<4x16x16xf32, #tpu.memory_space<vmem>>, vector<1x1x16xf32>,
      %get3A_63 = vector.shape_cast %get3A_62 : vector<1x1x16xf32> to vector<16xf32>
      %get3A_64 = arith.constant 3 : i32
      %get3A_65 = arith.constant 1 : i32
      %get3A_66 = arith.index_cast %get3A_64 : i32 to index
      %get3A_67 = arith.index_cast %get3A_65 : i32 to index
      %get3A_68 = arith.constant 0 : index
      %get3A_69 = tpu.vector_load %arg9[%get3A_66, %get3A_67, %get3A_68] {strides = array<i32>} : memref<4x16x16xf32, #tpu.memory_space<vmem>>, vector<1x1x16xf32>,
      %get3A_70 = vector.shape_cast %get3A_69 : vector<1x1x16xf32> to vector<16xf32>
      %get3A_71 = arith.constant 0 : i32
      %get3A_72 = arith.constant 2 : i32
      %get3A_73 = arith.index_cast %get3A_71 : i32 to index
      %get3A_74 = arith.index_cast %get3A_72 : i32 to index
      %get3A_75 = arith.constant 0 : index
      %get3A_76 = tpu.vector_load %arg9[%get3A_73, %get3A_74, %get3A_75] {strides = array<i32>} : memref<4x16x16xf32, #tpu.memory_space<vmem>>, vector<1x1x16xf32>,
      %get3A_77 = vector.shape_cast %get3A_76 : vector<1x1x16xf32> to vector<16xf32>
      %get3A_78 = arith.constant 1 : i32
      %get3A_79 = arith.constant 2 : i32
      %get3A_80 = arith.index_cast %get3A_78 : i32 to index
      %get3A_81 = arith.index_cast %get3A_79 : i32 to index
      %get3A_82 = arith.constant 0 : index
      %get3A_83 = tpu.vector_load %arg9[%get3A_80, %get3A_81, %get3A_82] {strides = array<i32>} : memref<4x16x16xf32, #tpu.memory_space<vmem>>, vector<1x1x16xf32>,
      %get3A_84 = vector.shape_cast %get3A_83 : vector<1x1x16xf32> to vector<16xf32>
      %get3A_85 = arith.constant 2 : i32
      %get3A_86 = arith.constant 2 : i32
      %get3A_87 = arith.index_cast %get3A_85 : i32 to index
      %get3A_88 = arith.index_cast %get3A_86 : i32 to index
      %get3A_89 = arith.constant 0 : index
      %get3A_90 = tpu.vector_load %arg9[%get3A_87, %get3A_88, %get3A_89] {strides = array<i32>} : memref<4x16x16xf32, #tpu.memory_space<vmem>>, vector<1x1x16xf32>,
      %get3A_91 = vector.shape_cast %get3A_90 : vector<1x1x16xf32> to vector<16xf32>
      %get3A_92 = arith.constant 3 : i32
      %get3A_93 = arith.constant 2 : i32
      %get3A_94 = arith.index_cast %get3A_92 : i32 to index
      %get3A_95 = arith.index_cast %get3A_93 : i32 to index
      %get3A_96 = arith.constant 0 : index
      %get3A_97 = tpu.vector_load %arg9[%get3A_94, %get3A_95, %get3A_96] {strides = array<i32>} : memref<4x16x16xf32, #tpu.memory_space<vmem>>, vector<1x1x16xf32>,
      %get3A_98 = vector.shape_cast %get3A_97 : vector<1x1x16xf32> to vector<16xf32>
      %get3A_99 = arith.constant 0 : i32
      %get3A_100 = arith.constant 3 : i32
      %get3A_101 = arith.index_cast %get3A_99 : i32 to index
      %get3A_102 = arith.index_cast %get3A_100 : i32 to index
      %get3A_103 = arith.constant 0 : index
      %get3A_104 = tpu.vector_load %arg9[%get3A_101, %get3A_102, %get3A_103] {strides = array<i32>} : memref<4x16x16xf32, #tpu.memory_space<vmem>>, vector<1x1x16xf32>,
      %get3A_105 = vector.shape_cast %get3A_104 : vector<1x1x16xf32> to vector<16xf32>
      %get3A_106 = arith.constant 1 : i32
      %get3A_107 = arith.constant 3 : i32
      %get3A_108 = arith.index_cast %get3A_106 : i32 to index
      %get3A_109 = arith.index_cast %get3A_107 : i32 to index
      %get3A_110 = arith.constant 0 : index
      %get3A_111 = tpu.vector_load %arg9[%get3A_108, %get3A_109, %get3A_110] {strides = array<i32>} : memref<4x16x16xf32, #tpu.memory_space<vmem>>, vector<1x1x16xf32>,
      %get3A_112 = vector.shape_cast %get3A_111 : vector<1x1x16xf32> to vector<16xf32>
      %get3A_113 = arith.constant 2 : i32
      %get3A_114 = arith.constant 3 : i32
      %get3A_115 = arith.index_cast %get3A_113 : i32 to index
      %get3A_116 = arith.index_cast %get3A_114 : i32 to index
      %get3A_117 = arith.constant 0 : index
      %get3A_118 = tpu.vector_load %arg9[%get3A_115, %get3A_116, %get3A_117] {strides = array<i32>} : memref<4x16x16xf32, #tpu.memory_space<vmem>>, vector<1x1x16xf32>,
      %get3A_119 = vector.shape_cast %get3A_118 : vector<1x1x16xf32> to vector<16xf32>
      %get3A_120 = arith.constant 3 : i32
      %get3A_121 = arith.constant 3 : i32
      %get3A_122 = arith.index_cast %get3A_120 : i32 to index
      %get3A_123 = arith.index_cast %get3A_121 : i32 to index
      %get3A_124 = arith.constant 0 : index
      %get3A_125 = tpu.vector_load %arg9[%get3A_122, %get3A_123, %get3A_124] {strides = array<i32>} : memref<4x16x16xf32, #tpu.memory_space<vmem>>, vector<1x1x16xf32>,
      %get3A_126 = vector.shape_cast %get3A_125 : vector<1x1x16xf32> to vector<16xf32>
      %get3A_127 = arith.constant 0 : i32
      %get3A_128 = arith.constant 4 : i32
      %get3A_129 = arith.index_cast %get3A_127 : i32 to index
      %get3A_130 = arith.index_cast %get3A_128 : i32 to index
      %get3A_131 = arith.constant 0 : index
      %get3A_132 = tpu.vector_load %arg9[%get3A_129, %get3A_130, %get3A_131] {strides = array<i32>} : memref<4x16x16xf32, #tpu.memory_space<vmem>>, vector<1x1x16xf32>,
      %get3A_133 = vector.shape_cast %get3A_132 : vector<1x1x16xf32> to vector<16xf32>
      %get3A_134 = arith.constant 1 : i32
      %get3A_135 = arith.constant 4 : i32
      %get3A_136 = arith.index_cast %get3A_134 : i32 to index
      %get3A_137 = arith.index_cast %get3A_135 : i32 to index
      %get3A_138 = arith.constant 0 : index
      %get3A_139 = tpu.vector_load %arg9[%get3A_136, %get3A_137, %get3A_138] {strides = array<i32>} : memref<4x16x16xf32, #tpu.memory_space<vmem>>, vector<1x1x16xf32>,
      %get3A_140 = vector.shape_cast %get3A_139 : vector<1x1x16xf32> to vector<16xf32>
      %get3A_141 = arith.constant 2 : i32
      %get3A_142 = arith.constant 4 : i32
      %get3A_143 = arith.index_cast %get3A_141 : i32 to index
      %get3A_144 = arith.index_cast %get3A_142 : i32 to index
      %get3A_145 = arith.constant 0 : index
      %get3A_146 = tpu.vector_load %arg9[%get3A_143, %get3A_144, %get3A_145] {strides = array<i32>} : memref<4x16x16xf32, #tpu.memory_space<vmem>>, vector<1x1x16xf32>,
      %get3A_147 = vector.shape_cast %get3A_146 : vector<1x1x16xf32> to vector<16xf32>
      %get3A_148 = arith.constant 3 : i32
      %get3A_149 = arith.constant 4 : i32
      %get3A_150 = arith.index_cast %get3A_148 : i32 to index
      %get3A_151 = arith.index_cast %get3A_149 : i32 to index
      %get3A_152 = arith.constant 0 : index
      %get3A_153 = tpu.vector_load %arg9[%get3A_150, %get3A_151, %get3A_152] {strides = array<i32>} : memref<4x16x16xf32, #tpu.memory_space<vmem>>, vector<1x1x16xf32>,
      %get3A_154 = vector.shape_cast %get3A_153 : vector<1x1x16xf32> to vector<16xf32>
      %get3A_155 = arith.constant 0 : i32
      %get3A_156 = arith.constant 5 : i32
      %get3A_157 = arith.index_cast %get3A_155 : i32 to index
      %get3A_158 = arith.index_cast %get3A_156 : i32 to index
      %get3A_159 = arith.constant 0 : index
      %get3A_160 = tpu.vector_load %arg9[%get3A_157, %get3A_158, %get3A_159] {strides = array<i32>} : memref<4x16x16xf32, #tpu.memory_space<vmem>>, vector<1x1x16xf32>,
      %get3A_161 = vector.shape_cast %get3A_160 : vector<1x1x16xf32> to vector<16xf32>
      %get3A_162 = arith.constant 1 : i32
      %get3A_163 = arith.constant 5 : i32
      %get3A_164 = arith.index_cast %get3A_162 : i32 to index
      %get3A_165 = arith.index_cast %get3A_163 : i32 to index
      %get3A_166 = arith.constant 0 : index
      %get3A_167 = tpu.vector_load %arg9[%get3A_164, %get3A_165, %get3A_166] {strides = array<i32>} : memref<4x16x16xf32, #tpu.memory_space<vmem>>, vector<1x1x16xf32>,
      %get3A_168 = vector.shape_cast %get3A_167 : vector<1x1x16xf32> to vector<16xf32>
      %get3A_169 = arith.constant 2 : i32
      %get3A_170 = arith.constant 5 : i32
      %get3A_171 = arith.index_cast %get3A_169 : i32 to index
      %get3A_172 = arith.index_cast %get3A_170 : i32 to index
      %get3A_173 = arith.constant 0 : index
      %get3A_174 = tpu.vector_load %arg9[%get3A_171, %get3A_172, %get3A_173] {strides = array<i32>} : memref<4x16x16xf32, #tpu.memory_space<vmem>>, vector<1x1x16xf32>,
      %get3A_175 = vector.shape_cast %get3A_174 : vector<1x1x16xf32> to vector<16xf32>
      %get3A_176 = arith.constant 3 : i32
      %get3A_177 = arith.constant 5 : i32
      %get3A_178 = arith.index_cast %get3A_176 : i32 to index
      %get3A_179 = arith.index_cast %get3A_177 : i32 to index
      %get3A_180 = arith.constant 0 : index
      %get3A_181 = tpu.vector_load %arg9[%get3A_178, %get3A_179, %get3A_180] {strides = array<i32>} : memref<4x16x16xf32, #tpu.memory_space<vmem>>, vector<1x1x16xf32>,
      %get3A_182 = vector.shape_cast %get3A_181 : vector<1x1x16xf32> to vector<16xf32>
      %get3A_183 = arith.constant 0 : i32
      %get3A_184 = arith.constant 6 : i32
      %get3A_185 = arith.index_cast %get3A_183 : i32 to index
      %get3A_186 = arith.index_cast %get3A_184 : i32 to index
      %get3A_187 = arith.constant 0 : index
      %get3A_188 = tpu.vector_load %arg9[%get3A_185, %get3A_186, %get3A_187] {strides = array<i32>} : memref<4x16x16xf32, #tpu.memory_space<vmem>>, vector<1x1x16xf32>,
      %get3A_189 = vector.shape_cast %get3A_188 : vector<1x1x16xf32> to vector<16xf32>
      %get3A_190 = arith.constant 1 : i32
      %get3A_191 = arith.constant 6 : i32
      %get3A_192 = arith.index_cast %get3A_190 : i32 to index
      %get3A_193 = arith.index_cast %get3A_191 : i32 to index
      %get3A_194 = arith.constant 0 : index
      %get3A_195 = tpu.vector_load %arg9[%get3A_192, %get3A_193, %get3A_194] {strides = array<i32>} : memref<4x16x16xf32, #tpu.memory_space<vmem>>, vector<1x1x16xf32>,
      %get3A_196 = vector.shape_cast %get3A_195 : vector<1x1x16xf32> to vector<16xf32>
      %get3A_197 = arith.constant 2 : i32
      %get3A_198 = arith.constant 6 : i32
      %get3A_199 = arith.index_cast %get3A_197 : i32 to index
      %get3A_200 = arith.index_cast %get3A_198 : i32 to index
      %get3A_201 = arith.constant 0 : index
      %get3A_202 = tpu.vector_load %arg9[%get3A_199, %get3A_200, %get3A_201] {strides = array<i32>} : memref<4x16x16xf32, #tpu.memory_space<vmem>>, vector<1x1x16xf32>,
      %get3A_203 = vector.shape_cast %get3A_202 : vector<1x1x16xf32> to vector<16xf32>
      %get3A_204 = arith.constant 3 : i32
      %get3A_205 = arith.constant 6 : i32
      %get3A_206 = arith.index_cast %get3A_204 : i32 to index
      %get3A_207 = arith.index_cast %get3A_205 : i32 to index
      %get3A_208 = arith.constant 0 : index
      %get3A_209 = tpu.vector_load %arg9[%get3A_206, %get3A_207, %get3A_208] {strides = array<i32>} : memref<4x16x16xf32, #tpu.memory_space<vmem>>, vector<1x1x16xf32>,
      %get3A_210 = vector.shape_cast %get3A_209 : vector<1x1x16xf32> to vector<16xf32>
      %get3A_211 = arith.constant 0 : i32
      %get3A_212 = arith.constant 7 : i32
      %get3A_213 = arith.index_cast %get3A_211 : i32 to index
      %get3A_214 = arith.index_cast %get3A_212 : i32 to index
      %get3A_215 = arith.constant 0 : index
      %get3A_216 = tpu.vector_load %arg9[%get3A_213, %get3A_214, %get3A_215] {strides = array<i32>} : memref<4x16x16xf32, #tpu.memory_space<vmem>>, vector<1x1x16xf32>,
      %get3A_217 = vector.shape_cast %get3A_216 : vector<1x1x16xf32> to vector<16xf32>
      %get3A_218 = arith.constant 1 : i32
      %get3A_219 = arith.constant 7 : i32
      %get3A_220 = arith.index_cast %get3A_218 : i32 to index
      %get3A_221 = arith.index_cast %get3A_219 : i32 to index
      %get3A_222 = arith.constant 0 : index
      %get3A_223 = tpu.vector_load %arg9[%get3A_220, %get3A_221, %get3A_222] {strides = array<i32>} : memref<4x16x16xf32, #tpu.memory_space<vmem>>, vector<1x1x16xf32>,
      %get3A_224 = vector.shape_cast %get3A_223 : vector<1x1x16xf32> to vector<16xf32>
      %get3A_225 = arith.constant 2 : i32
      %get3A_226 = arith.constant 7 : i32
      %get3A_227 = arith.index_cast %get3A_225 : i32 to index
      %get3A_228 = arith.index_cast %get3A_226 : i32 to index
      %get3A_229 = arith.constant 0 : index
      %get3A_230 = tpu.vector_load %arg9[%get3A_227, %get3A_228, %get3A_229] {strides = array<i32>} : memref<4x16x16xf32, #tpu.memory_space<vmem>>, vector<1x1x16xf32>,
      %get3A_231 = vector.shape_cast %get3A_230 : vector<1x1x16xf32> to vector<16xf32>
      %get3A_232 = arith.constant 3 : i32
      %get3A_233 = arith.constant 7 : i32
      %get3A_234 = arith.index_cast %get3A_232 : i32 to index
      %get3A_235 = arith.index_cast %get3A_233 : i32 to index
      %get3A_236 = arith.constant 0 : index
      %get3A_237 = tpu.vector_load %arg9[%get3A_234, %get3A_235, %get3A_236] {strides = array<i32>} : memref<4x16x16xf32, #tpu.memory_space<vmem>>, vector<1x1x16xf32>,
      %get3A_238 = vector.shape_cast %get3A_237 : vector<1x1x16xf32> to vector<16xf32>
      %scan3A_239 = arith.constant 0 : i32
      %scan3A_240 = arith.constant 0 : i32
      %scan3A_241 = arith.constant 128 : i32
      %scan3A_242 = arith.addi %scan3A_240, %scan3A_241 : i32
      %scan3A_243 = arith.constant 1 : i32
      scf.for %scan3A_475 = %scan3A_240 to %scan3A_242 step %scan3A_243  : i32 {
        %mul3A_476 = arith.constant 16 : i32
        %mul3A_477 = arith.muli %scan3A_475, %mul3A_476 : i32
        %get3A_478 = arith.constant 0 : i32
        %get3A_479 = arith.index_cast %get3A_478 : i32 to index
        %get3A_480 = arith.index_cast %mul3A_477 : i32 to index
        %get3A_481 = tpu.vector_load %arg7[%get3A_479, %get3A_480] {strides = array<i32>} : memref<4x2048xf32, #tpu.memory_space<vmem>>, vector<1x16xf32>,
        %get3A_482 = vector.shape_cast %get3A_481 : vector<1x16xf32> to vector<16xf32>
        %mul3A_483 = arith.constant 16 : i32
        %mul3A_484 = arith.muli %scan3A_475, %mul3A_483 : i32
        %get3A_485 = arith.constant 1 : i32
        %get3A_486 = arith.index_cast %get3A_485 : i32 to index
        %get3A_487 = arith.index_cast %mul3A_484 : i32 to index
        %get3A_488 = tpu.vector_load %arg7[%get3A_486, %get3A_487] {strides = array<i32>} : memref<4x2048xf32, #tpu.memory_space<vmem>>, vector<1x16xf32>,
        %get3A_489 = vector.shape_cast %get3A_488 : vector<1x16xf32> to vector<16xf32>
        %mul3A_490 = arith.constant 16 : i32
        %mul3A_491 = arith.muli %scan3A_475, %mul3A_490 : i32
        %get3A_492 = arith.constant 2 : i32
        %get3A_493 = arith.index_cast %get3A_492 : i32 to index
        %get3A_494 = arith.index_cast %mul3A_491 : i32 to index
        %get3A_495 = tpu.vector_load %arg7[%get3A_493, %get3A_494] {strides = array<i32>} : memref<4x2048xf32, #tpu.memory_space<vmem>>, vector<1x16xf32>,
        %get3A_496 = vector.shape_cast %get3A_495 : vector<1x16xf32> to vector<16xf32>
        %mul3A_497 = arith.constant 16 : i32
        %mul3A_498 = arith.muli %scan3A_475, %mul3A_497 : i32
        %get3A_499 = arith.constant 3 : i32
        %get3A_500 = arith.index_cast %get3A_499 : i32 to index
        %get3A_501 = arith.index_cast %mul3A_498 : i32 to index
        %get3A_502 = tpu.vector_load %arg7[%get3A_500, %get3A_501] {strides = array<i32>} : memref<4x2048xf32, #tpu.memory_space<vmem>>, vector<1x16xf32>,
        %get3A_503 = vector.shape_cast %get3A_502 : vector<1x16xf32> to vector<16xf32>
        %mul3A_504 = arith.constant 16 : i32
        %mul3A_505 = arith.muli %scan3A_475, %mul3A_504 : i32
        %get3A_506 = arith.constant 0 : i32
        %get3A_507 = arith.index_cast %get3A_506 : i32 to index
        %get3A_508 = arith.index_cast %mul3A_505 : i32 to index
        %get3A_509 = tpu.vector_load %arg6[%get3A_507, %get3A_508] {strides = array<i32>} : memref<16x2048xf32, #tpu.memory_space<vmem>>, vector<1x16xf32>,
        %get3A_510 = vector.shape_cast %get3A_509 : vector<1x16xf32> to vector<16xf32>
        %mul3A_511 = arith.mulf %get3A_482, %get3A_21 : vector<16xf32>
        %add3A_512 = arith.addf %get3A_510, %mul3A_511 : vector<16xf32>
        %mul3A_513 = arith.mulf %get3A_489, %get3A_28 : vector<16xf32>
        %add3A_514 = arith.addf %add3A_512, %mul3A_513 : vector<16xf32>
        %mul3A_515 = arith.mulf %get3A_496, %get3A_35 : vector<16xf32>
        %add3A_516 = arith.addf %add3A_514, %mul3A_515 : vector<16xf32>
        %mul3A_517 = arith.mulf %get3A_503, %get3A_42 : vector<16xf32>
        %add3A_518 = arith.addf %add3A_516, %mul3A_517 : vector<16xf32>
        %mul3A_519 = arith.constant 16 : i32
        %mul3A_520 = arith.muli %scan3A_475, %mul3A_519 : i32
        %swap3A = arith.constant 0 : i32
        %swap3A_521 = arith.index_cast %swap3A : i32 to index
        %swap3A_522 = arith.index_cast %mul3A_520 : i32 to index
        %swap3A_523 = tpu.vector_load %arg8[%swap3A_521, %swap3A_522] {strides = array<i32>} : memref<16x2048xf32, #tpu.memory_space<vmem>>, vector<1x16xf32>,
        %swap3A_524 = vector.shape_cast %swap3A_523 : vector<1x16xf32> to vector<16xf32>
        %swap3A_525 = vector.shape_cast %add3A_518 : vector<16xf32> to vector<1x16xf32>
        tpu.vector_store %arg8[%swap3A_521, %swap3A_522], %swap3A_525 {strides = array<i32>} : memref<16x2048xf32, #tpu.memory_space<vmem>>, vector<1x16xf32>,
        %mul3A_526 = arith.constant 16 : i32
        %mul3A_527 = arith.muli %scan3A_475, %mul3A_526 : i32
        %get3A_528 = arith.constant 1 : i32
        %get3A_529 = arith.index_cast %get3A_528 : i32 to index
        %get3A_530 = arith.index_cast %mul3A_527 : i32 to index
        %get3A_531 = tpu.vector_load %arg6[%get3A_529, %get3A_530] {strides = array<i32>} : memref<16x2048xf32, #tpu.memory_space<vmem>>, vector<1x16xf32>,
        %get3A_532 = vector.shape_cast %get3A_531 : vector<1x16xf32> to vector<16xf32>
        %mul3A_533 = arith.mulf %get3A_482, %get3A_49 : vector<16xf32>
        %add3A_534 = arith.addf %get3A_532, %mul3A_533 : vector<16xf32>
        %mul3A_535 = arith.mulf %get3A_489, %get3A_56 : vector<16xf32>
        %add3A_536 = arith.addf %add3A_534, %mul3A_535 : vector<16xf32>
        %mul3A_537 = arith.mulf %get3A_496, %get3A_63 : vector<16xf32>
        %add3A_538 = arith.addf %add3A_536, %mul3A_537 : vector<16xf32>
        %mul3A_539 = arith.mulf %get3A_503, %get3A_70 : vector<16xf32>
        %add3A_540 = arith.addf %add3A_538, %mul3A_539 : vector<16xf32>
        %mul3A_541 = arith.constant 16 : i32
        %mul3A_542 = arith.muli %scan3A_475, %mul3A_541 : i32
        %swap3A_543 = arith.constant 1 : i32
        %swap3A_544 = arith.index_cast %swap3A_543 : i32 to index
        %swap3A_545 = arith.index_cast %mul3A_542 : i32 to index
        %swap3A_546 = tpu.vector_load %arg8[%swap3A_544, %swap3A_545] {strides = array<i32>} : memref<16x2048xf32, #tpu.memory_space<vmem>>, vector<1x16xf32>,
        %swap3A_547 = vector.shape_cast %swap3A_546 : vector<1x16xf32> to vector<16xf32>
        %swap3A_548 = vector.shape_cast %add3A_540 : vector<16xf32> to vector<1x16xf32>
        tpu.vector_store %arg8[%swap3A_544, %swap3A_545], %swap3A_548 {strides = array<i32>} : memref<16x2048xf32, #tpu.memory_space<vmem>>, vector<1x16xf32>,
        %mul3A_549 = arith.constant 16 : i32
        %mul3A_550 = arith.muli %scan3A_475, %mul3A_549 : i32
        %get3A_551 = arith.constant 2 : i32
        %get3A_552 = arith.index_cast %get3A_551 : i32 to index
        %get3A_553 = arith.index_cast %mul3A_550 : i32 to index
        %get3A_554 = tpu.vector_load %arg6[%get3A_552, %get3A_553] {strides = array<i32>} : memref<16x2048xf32, #tpu.memory_space<vmem>>, vector<1x16xf32>,
        %get3A_555 = vector.shape_cast %get3A_554 : vector<1x16xf32> to vector<16xf32>
        %mul3A_556 = arith.mulf %get3A_482, %get3A_77 : vector<16xf32>
        %add3A_557 = arith.addf %get3A_555, %mul3A_556 : vector<16xf32>
        %mul3A_558 = arith.mulf %get3A_489, %get3A_84 : vector<16xf32>
        %add3A_559 = arith.addf %add3A_557, %mul3A_558 : vector<16xf32>
        %mul3A_560 = arith.mulf %get3A_496, %get3A_91 : vector<16xf32>
        %add3A_561 = arith.addf %add3A_559, %mul3A_560 : vector<16xf32>
        %mul3A_562 = arith.mulf %get3A_503, %get3A_98 : vector<16xf32>
        %add3A_563 = arith.addf %add3A_561, %mul3A_562 : vector<16xf32>
        %mul3A_564 = arith.constant 16 : i32
        %mul3A_565 = arith.muli %scan3A_475, %mul3A_564 : i32
        %swap3A_566 = arith.constant 2 : i32
        %swap3A_567 = arith.index_cast %swap3A_566 : i32 to index
        %swap3A_568 = arith.index_cast %mul3A_565 : i32 to index
        %swap3A_569 = tpu.vector_load %arg8[%swap3A_567, %swap3A_568] {strides = array<i32>} : memref<16x2048xf32, #tpu.memory_space<vmem>>, vector<1x16xf32>,
        %swap3A_570 = vector.shape_cast %swap3A_569 : vector<1x16xf32> to vector<16xf32>
        %swap3A_571 = vector.shape_cast %add3A_563 : vector<16xf32> to vector<1x16xf32>
        tpu.vector_store %arg8[%swap3A_567, %swap3A_568], %swap3A_571 {strides = array<i32>} : memref<16x2048xf32, #tpu.memory_space<vmem>>, vector<1x16xf32>,
        %mul3A_572 = arith.constant 16 : i32
        %mul3A_573 = arith.muli %scan3A_475, %mul3A_572 : i32
        %get3A_574 = arith.constant 3 : i32
        %get3A_575 = arith.index_cast %get3A_574 : i32 to index
        %get3A_576 = arith.index_cast %mul3A_573 : i32 to index
        %get3A_577 = tpu.vector_load %arg6[%get3A_575, %get3A_576] {strides = array<i32>} : memref<16x2048xf32, #tpu.memory_space<vmem>>, vector<1x16xf32>,
        %get3A_578 = vector.shape_cast %get3A_577 : vector<1x16xf32> to vector<16xf32>
        %mul3A_579 = arith.mulf %get3A_482, %get3A_105 : vector<16xf32>
        %add3A_580 = arith.addf %get3A_578, %mul3A_579 : vector<16xf32>
        %mul3A_581 = arith.mulf %get3A_489, %get3A_112 : vector<16xf32>
        %add3A_582 = arith.addf %add3A_580, %mul3A_581 : vector<16xf32>
        %mul3A_583 = arith.mulf %get3A_496, %get3A_119 : vector<16xf32>
        %add3A_584 = arith.addf %add3A_582, %mul3A_583 : vector<16xf32>
        %mul3A_585 = arith.mulf %get3A_503, %get3A_126 : vector<16xf32>
        %add3A_586 = arith.addf %add3A_584, %mul3A_585 : vector<16xf32>
        %mul3A_587 = arith.constant 16 : i32
        %mul3A_588 = arith.muli %scan3A_475, %mul3A_587 : i32
        %swap3A_589 = arith.constant 3 : i32
        %swap3A_590 = arith.index_cast %swap3A_589 : i32 to index
        %swap3A_591 = arith.index_cast %mul3A_588 : i32 to index
        %swap3A_592 = tpu.vector_load %arg8[%swap3A_590, %swap3A_591] {strides = array<i32>} : memref<16x2048xf32, #tpu.memory_space<vmem>>, vector<1x16xf32>,
        %swap3A_593 = vector.shape_cast %swap3A_592 : vector<1x16xf32> to vector<16xf32>
        %swap3A_594 = vector.shape_cast %add3A_586 : vector<16xf32> to vector<1x16xf32>
        tpu.vector_store %arg8[%swap3A_590, %swap3A_591], %swap3A_594 {strides = array<i32>} : memref<16x2048xf32, #tpu.memory_space<vmem>>, vector<1x16xf32>,
        %mul3A_595 = arith.constant 16 : i32
        %mul3A_596 = arith.muli %scan3A_475, %mul3A_595 : i32
        %get3A_597 = arith.constant 4 : i32
        %get3A_598 = arith.index_cast %get3A_597 : i32 to index
        %get3A_599 = arith.index_cast %mul3A_596 : i32 to index
        %get3A_600 = tpu.vector_load %arg6[%get3A_598, %get3A_599] {strides = array<i32>} : memref<16x2048xf32, #tpu.memory_space<vmem>>, vector<1x16xf32>,
        %get3A_601 = vector.shape_cast %get3A_600 : vector<1x16xf32> to vector<16xf32>
        %mul3A_602 = arith.mulf %get3A_482, %get3A_133 : vector<16xf32>
        %add3A_603 = arith.addf %get3A_601, %mul3A_602 : vector<16xf32>
        %mul3A_604 = arith.mulf %get3A_489, %get3A_140 : vector<16xf32>
        %add3A_605 = arith.addf %add3A_603, %mul3A_604 : vector<16xf32>
        %mul3A_606 = arith.mulf %get3A_496, %get3A_147 : vector<16xf32>
        %add3A_607 = arith.addf %add3A_605, %mul3A_606 : vector<16xf32>
        %mul3A_608 = arith.mulf %get3A_503, %get3A_154 : vector<16xf32>
        %add3A_609 = arith.addf %add3A_607, %mul3A_608 : vector<16xf32>
        %mul3A_610 = arith.constant 16 : i32
        %mul3A_611 = arith.muli %scan3A_475, %mul3A_610 : i32
        %swap3A_612 = arith.constant 4 : i32
        %swap3A_613 = arith.index_cast %swap3A_612 : i32 to index
        %swap3A_614 = arith.index_cast %mul3A_611 : i32 to index
        %swap3A_615 = tpu.vector_load %arg8[%swap3A_613, %swap3A_614] {strides = array<i32>} : memref<16x2048xf32, #tpu.memory_space<vmem>>, vector<1x16xf32>,
        %swap3A_616 = vector.shape_cast %swap3A_615 : vector<1x16xf32> to vector<16xf32>
        %swap3A_617 = vector.shape_cast %add3A_609 : vector<16xf32> to vector<1x16xf32>
        tpu.vector_store %arg8[%swap3A_613, %swap3A_614], %swap3A_617 {strides = array<i32>} : memref<16x2048xf32, #tpu.memory_space<vmem>>, vector<1x16xf32>,
        %mul3A_618 = arith.constant 16 : i32
        %mul3A_619 = arith.muli %scan3A_475, %mul3A_618 : i32
        %get3A_620 = arith.constant 5 : i32
        %get3A_621 = arith.index_cast %get3A_620 : i32 to index
        %get3A_622 = arith.index_cast %mul3A_619 : i32 to index
        %get3A_623 = tpu.vector_load %arg6[%get3A_621, %get3A_622] {strides = array<i32>} : memref<16x2048xf32, #tpu.memory_space<vmem>>, vector<1x16xf32>,
        %get3A_624 = vector.shape_cast %get3A_623 : vector<1x16xf32> to vector<16xf32>
        %mul3A_625 = arith.mulf %get3A_482, %get3A_161 : vector<16xf32>
        %add3A_626 = arith.addf %get3A_624, %mul3A_625 : vector<16xf32>
        %mul3A_627 = arith.mulf %get3A_489, %get3A_168 : vector<16xf32>
        %add3A_628 = arith.addf %add3A_626, %mul3A_627 : vector<16xf32>
        %mul3A_629 = arith.mulf %get3A_496, %get3A_175 : vector<16xf32>
        %add3A_630 = arith.addf %add3A_628, %mul3A_629 : vector<16xf32>
        %mul3A_631 = arith.mulf %get3A_503, %get3A_182 : vector<16xf32>
        %add3A_632 = arith.addf %add3A_630, %mul3A_631 : vector<16xf32>
        %mul3A_633 = arith.constant 16 : i32
        %mul3A_634 = arith.muli %scan3A_475, %mul3A_633 : i32
        %swap3A_635 = arith.constant 5 : i32
        %swap3A_636 = arith.index_cast %swap3A_635 : i32 to index
        %swap3A_637 = arith.index_cast %mul3A_634 : i32 to index
        %swap3A_638 = tpu.vector_load %arg8[%swap3A_636, %swap3A_637] {strides = array<i32>} : memref<16x2048xf32, #tpu.memory_space<vmem>>, vector<1x16xf32>,
        %swap3A_639 = vector.shape_cast %swap3A_638 : vector<1x16xf32> to vector<16xf32>
        %swap3A_640 = vector.shape_cast %add3A_632 : vector<16xf32> to vector<1x16xf32>
        tpu.vector_store %arg8[%swap3A_636, %swap3A_637], %swap3A_640 {strides = array<i32>} : memref<16x2048xf32, #tpu.memory_space<vmem>>, vector<1x16xf32>,
        %mul3A_641 = arith.constant 16 : i32
        %mul3A_642 = arith.muli %scan3A_475, %mul3A_641 : i32
        %get3A_643 = arith.constant 6 : i32
        %get3A_644 = arith.index_cast %get3A_643 : i32 to index
        %get3A_645 = arith.index_cast %mul3A_642 : i32 to index
        %get3A_646 = tpu.vector_load %arg6[%get3A_644, %get3A_645] {strides = array<i32>} : memref<16x2048xf32, #tpu.memory_space<vmem>>, vector<1x16xf32>,
        %get3A_647 = vector.shape_cast %get3A_646 : vector<1x16xf32> to vector<16xf32>
        %mul3A_648 = arith.mulf %get3A_482, %get3A_189 : vector<16xf32>
        %add3A_649 = arith.addf %get3A_647, %mul3A_648 : vector<16xf32>
        %mul3A_650 = arith.mulf %get3A_489, %get3A_196 : vector<16xf32>
        %add3A_651 = arith.addf %add3A_649, %mul3A_650 : vector<16xf32>
        %mul3A_652 = arith.mulf %get3A_496, %get3A_203 : vector<16xf32>
        %add3A_653 = arith.addf %add3A_651, %mul3A_652 : vector<16xf32>
        %mul3A_654 = arith.mulf %get3A_503, %get3A_210 : vector<16xf32>
        %add3A_655 = arith.addf %add3A_653, %mul3A_654 : vector<16xf32>
        %mul3A_656 = arith.constant 16 : i32
        %mul3A_657 = arith.muli %scan3A_475, %mul3A_656 : i32
        %swap3A_658 = arith.constant 6 : i32
        %swap3A_659 = arith.index_cast %swap3A_658 : i32 to index
        %swap3A_660 = arith.index_cast %mul3A_657 : i32 to index
        %swap3A_661 = tpu.vector_load %arg8[%swap3A_659, %swap3A_660] {strides = array<i32>} : memref<16x2048xf32, #tpu.memory_space<vmem>>, vector<1x16xf32>,
        %swap3A_662 = vector.shape_cast %swap3A_661 : vector<1x16xf32> to vector<16xf32>
        %swap3A_663 = vector.shape_cast %add3A_655 : vector<16xf32> to vector<1x16xf32>
        tpu.vector_store %arg8[%swap3A_659, %swap3A_660], %swap3A_663 {strides = array<i32>} : memref<16x2048xf32, #tpu.memory_space<vmem>>, vector<1x16xf32>,
        %mul3A_664 = arith.constant 16 : i32
        %mul3A_665 = arith.muli %scan3A_475, %mul3A_664 : i32
        %get3A_666 = arith.constant 7 : i32
        %get3A_667 = arith.index_cast %get3A_666 : i32 to index
        %get3A_668 = arith.index_cast %mul3A_665 : i32 to index
        %get3A_669 = tpu.vector_load %arg6[%get3A_667, %get3A_668] {strides = array<i32>} : memref<16x2048xf32, #tpu.memory_space<vmem>>, vector<1x16xf32>,
        %get3A_670 = vector.shape_cast %get3A_669 : vector<1x16xf32> to vector<16xf32>
        %mul3A_671 = arith.mulf %get3A_482, %get3A_217 : vector<16xf32>
        %add3A_672 = arith.addf %get3A_670, %mul3A_671 : vector<16xf32>
        %mul3A_673 = arith.mulf %get3A_489, %get3A_224 : vector<16xf32>
        %add3A_674 = arith.addf %add3A_672, %mul3A_673 : vector<16xf32>
        %mul3A_675 = arith.mulf %get3A_496, %get3A_231 : vector<16xf32>
        %add3A_676 = arith.addf %add3A_674, %mul3A_675 : vector<16xf32>
        %mul3A_677 = arith.mulf %get3A_503, %get3A_238 : vector<16xf32>
        %add3A_678 = arith.addf %add3A_676, %mul3A_677 : vector<16xf32>
        %mul3A_679 = arith.constant 16 : i32
        %mul3A_680 = arith.muli %scan3A_475, %mul3A_679 : i32
        %swap3A_681 = arith.constant 7 : i32
        %swap3A_682 = arith.index_cast %swap3A_681 : i32 to index
        %swap3A_683 = arith.index_cast %mul3A_680 : i32 to index
        %swap3A_684 = tpu.vector_load %arg8[%swap3A_682, %swap3A_683] {strides = array<i32>} : memref<16x2048xf32, #tpu.memory_space<vmem>>, vector<1x16xf32>,
        %swap3A_685 = vector.shape_cast %swap3A_684 : vector<1x16xf32> to vector<16xf32>
        %swap3A_686 = vector.shape_cast %add3A_678 : vector<16xf32> to vector<1x16xf32>
        tpu.vector_store %arg8[%swap3A_682, %swap3A_683], %swap3A_686 {strides = array<i32>} : memref<16x2048xf32, #tpu.memory_space<vmem>>, vector<1x16xf32>,
      }
      %scan3A_244 = arith.constant 128 : i32
      %get3A_245 = arith.constant 0 : i32
      %get3A_246 = arith.constant 8 : i32
      %get3A_247 = arith.index_cast %get3A_245 : i32 to index
      %get3A_248 = arith.index_cast %get3A_246 : i32 to index
      %get3A_249 = arith.constant 0 : index
      %get3A_250 = tpu.vector_load %arg9[%get3A_247, %get3A_248, %get3A_249] {strides = array<i32>} : memref<4x16x16xf32, #tpu.memory_space<vmem>>, vector<1x1x16xf32>,
      %get3A_251 = vector.shape_cast %get3A_250 : vector<1x1x16xf32> to vector<16xf32>
      %get3A_252 = arith.constant 1 : i32
      %get3A_253 = arith.constant 8 : i32
      %get3A_254 = arith.index_cast %get3A_252 : i32 to index
      %get3A_255 = arith.index_cast %get3A_253 : i32 to index
      %get3A_256 = arith.constant 0 : index
      %get3A_257 = tpu.vector_load %arg9[%get3A_254, %get3A_255, %get3A_256] {strides = array<i32>} : memref<4x16x16xf32, #tpu.memory_space<vmem>>, vector<1x1x16xf32>,
      %get3A_258 = vector.shape_cast %get3A_257 : vector<1x1x16xf32> to vector<16xf32>
      %get3A_259 = arith.constant 2 : i32
      %get3A_260 = arith.constant 8 : i32
      %get3A_261 = arith.index_cast %get3A_259 : i32 to index
      %get3A_262 = arith.index_cast %get3A_260 : i32 to index
      %get3A_263 = arith.constant 0 : index
      %get3A_264 = tpu.vector_load %arg9[%get3A_261, %get3A_262, %get3A_263] {strides = array<i32>} : memref<4x16x16xf32, #tpu.memory_space<vmem>>, vector<1x1x16xf32>,
      %get3A_265 = vector.shape_cast %get3A_264 : vector<1x1x16xf32> to vector<16xf32>
      %get3A_266 = arith.constant 3 : i32
      %get3A_267 = arith.constant 8 : i32
      %get3A_268 = arith.index_cast %get3A_266 : i32 to index
      %get3A_269 = arith.index_cast %get3A_267 : i32 to index
      %get3A_270 = arith.constant 0 : index
      %get3A_271 = tpu.vector_load %arg9[%get3A_268, %get3A_269, %get3A_270] {strides = array<i32>} : memref<4x16x16xf32, #tpu.memory_space<vmem>>, vector<1x1x16xf32>,
      %get3A_272 = vector.shape_cast %get3A_271 : vector<1x1x16xf32> to vector<16xf32>
      %get3A_273 = arith.constant 0 : i32
      %get3A_274 = arith.constant 9 : i32
      %get3A_275 = arith.index_cast %get3A_273 : i32 to index
      %get3A_276 = arith.index_cast %get3A_274 : i32 to index
      %get3A_277 = arith.constant 0 : index
      %get3A_278 = tpu.vector_load %arg9[%get3A_275, %get3A_276, %get3A_277] {strides = array<i32>} : memref<4x16x16xf32, #tpu.memory_space<vmem>>, vector<1x1x16xf32>,
      %get3A_279 = vector.shape_cast %get3A_278 : vector<1x1x16xf32> to vector<16xf32>
      %get3A_280 = arith.constant 1 : i32
      %get3A_281 = arith.constant 9 : i32
      %get3A_282 = arith.index_cast %get3A_280 : i32 to index
      %get3A_283 = arith.index_cast %get3A_281 : i32 to index
      %get3A_284 = arith.constant 0 : index
      %get3A_285 = tpu.vector_load %arg9[%get3A_282, %get3A_283, %get3A_284] {strides = array<i32>} : memref<4x16x16xf32, #tpu.memory_space<vmem>>, vector<1x1x16xf32>,
      %get3A_286 = vector.shape_cast %get3A_285 : vector<1x1x16xf32> to vector<16xf32>
      %get3A_287 = arith.constant 2 : i32
      %get3A_288 = arith.constant 9 : i32
      %get3A_289 = arith.index_cast %get3A_287 : i32 to index
      %get3A_290 = arith.index_cast %get3A_288 : i32 to index
      %get3A_291 = arith.constant 0 : index
      %get3A_292 = tpu.vector_load %arg9[%get3A_289, %get3A_290, %get3A_291] {strides = array<i32>} : memref<4x16x16xf32, #tpu.memory_space<vmem>>, vector<1x1x16xf32>,
      %get3A_293 = vector.shape_cast %get3A_292 : vector<1x1x16xf32> to vector<16xf32>
      %get3A_294 = arith.constant 3 : i32
      %get3A_295 = arith.constant 9 : i32
      %get3A_296 = arith.index_cast %get3A_294 : i32 to index
      %get3A_297 = arith.index_cast %get3A_295 : i32 to index
      %get3A_298 = arith.constant 0 : index
      %get3A_299 = tpu.vector_load %arg9[%get3A_296, %get3A_297, %get3A_298] {strides = array<i32>} : memref<4x16x16xf32, #tpu.memory_space<vmem>>, vector<1x1x16xf32>,
      %get3A_300 = vector.shape_cast %get3A_299 : vector<1x1x16xf32> to vector<16xf32>
      %get3A_301 = arith.constant 0 : i32
      %get3A_302 = arith.constant 10 : i32
      %get3A_303 = arith.index_cast %get3A_301 : i32 to index
      %get3A_304 = arith.index_cast %get3A_302 : i32 to index
      %get3A_305 = arith.constant 0 : index
      %get3A_306 = tpu.vector_load %arg9[%get3A_303, %get3A_304, %get3A_305] {strides = array<i32>} : memref<4x16x16xf32, #tpu.memory_space<vmem>>, vector<1x1x16xf32>,
      %get3A_307 = vector.shape_cast %get3A_306 : vector<1x1x16xf32> to vector<16xf32>
      %get3A_308 = arith.constant 1 : i32
      %get3A_309 = arith.constant 10 : i32
      %get3A_310 = arith.index_cast %get3A_308 : i32 to index
      %get3A_311 = arith.index_cast %get3A_309 : i32 to index
      %get3A_312 = arith.constant 0 : index
      %get3A_313 = tpu.vector_load %arg9[%get3A_310, %get3A_311, %get3A_312] {strides = array<i32>} : memref<4x16x16xf32, #tpu.memory_space<vmem>>, vector<1x1x16xf32>,
      %get3A_314 = vector.shape_cast %get3A_313 : vector<1x1x16xf32> to vector<16xf32>
      %get3A_315 = arith.constant 2 : i32
      %get3A_316 = arith.constant 10 : i32
      %get3A_317 = arith.index_cast %get3A_315 : i32 to index
      %get3A_318 = arith.index_cast %get3A_316 : i32 to index
      %get3A_319 = arith.constant 0 : index
      %get3A_320 = tpu.vector_load %arg9[%get3A_317, %get3A_318, %get3A_319] {strides = array<i32>} : memref<4x16x16xf32, #tpu.memory_space<vmem>>, vector<1x1x16xf32>,
      %get3A_321 = vector.shape_cast %get3A_320 : vector<1x1x16xf32> to vector<16xf32>
      %get3A_322 = arith.constant 3 : i32
      %get3A_323 = arith.constant 10 : i32
      %get3A_324 = arith.index_cast %get3A_322 : i32 to index
      %get3A_325 = arith.index_cast %get3A_323 : i32 to index
      %get3A_326 = arith.constant 0 : index
      %get3A_327 = tpu.vector_load %arg9[%get3A_324, %get3A_325, %get3A_326] {strides = array<i32>} : memref<4x16x16xf32, #tpu.memory_space<vmem>>, vector<1x1x16xf32>,
      %get3A_328 = vector.shape_cast %get3A_327 : vector<1x1x16xf32> to vector<16xf32>
      %get3A_329 = arith.constant 0 : i32
      %get3A_330 = arith.constant 11 : i32
      %get3A_331 = arith.index_cast %get3A_329 : i32 to index
      %get3A_332 = arith.index_cast %get3A_330 : i32 to index
      %get3A_333 = arith.constant 0 : index
      %get3A_334 = tpu.vector_load %arg9[%get3A_331, %get3A_332, %get3A_333] {strides = array<i32>} : memref<4x16x16xf32, #tpu.memory_space<vmem>>, vector<1x1x16xf32>,
      %get3A_335 = vector.shape_cast %get3A_334 : vector<1x1x16xf32> to vector<16xf32>
      %get3A_336 = arith.constant 1 : i32
      %get3A_337 = arith.constant 11 : i32
      %get3A_338 = arith.index_cast %get3A_336 : i32 to index
      %get3A_339 = arith.index_cast %get3A_337 : i32 to index
      %get3A_340 = arith.constant 0 : index
      %get3A_341 = tpu.vector_load %arg9[%get3A_338, %get3A_339, %get3A_340] {strides = array<i32>} : memref<4x16x16xf32, #tpu.memory_space<vmem>>, vector<1x1x16xf32>,
      %get3A_342 = vector.shape_cast %get3A_341 : vector<1x1x16xf32> to vector<16xf32>
      %get3A_343 = arith.constant 2 : i32
      %get3A_344 = arith.constant 11 : i32
      %get3A_345 = arith.index_cast %get3A_343 : i32 to index
      %get3A_346 = arith.index_cast %get3A_344 : i32 to index
      %get3A_347 = arith.constant 0 : index
      %get3A_348 = tpu.vector_load %arg9[%get3A_345, %get3A_346, %get3A_347] {strides = array<i32>} : memref<4x16x16xf32, #tpu.memory_space<vmem>>, vector<1x1x16xf32>,
      %get3A_349 = vector.shape_cast %get3A_348 : vector<1x1x16xf32> to vector<16xf32>
      %get3A_350 = arith.constant 3 : i32
      %get3A_351 = arith.constant 11 : i32
      %get3A_352 = arith.index_cast %get3A_350 : i32 to index
      %get3A_353 = arith.index_cast %get3A_351 : i32 to index
      %get3A_354 = arith.constant 0 : index
      %get3A_355 = tpu.vector_load %arg9[%get3A_352, %get3A_353, %get3A_354] {strides = array<i32>} : memref<4x16x16xf32, #tpu.memory_space<vmem>>, vector<1x1x16xf32>,
      %get3A_356 = vector.shape_cast %get3A_355 : vector<1x1x16xf32> to vector<16xf32>
      %get3A_357 = arith.constant 0 : i32
      %get3A_358 = arith.constant 12 : i32
      %get3A_359 = arith.index_cast %get3A_357 : i32 to index
      %get3A_360 = arith.index_cast %get3A_358 : i32 to index
      %get3A_361 = arith.constant 0 : index
      %get3A_362 = tpu.vector_load %arg9[%get3A_359, %get3A_360, %get3A_361] {strides = array<i32>} : memref<4x16x16xf32, #tpu.memory_space<vmem>>, vector<1x1x16xf32>,
      %get3A_363 = vector.shape_cast %get3A_362 : vector<1x1x16xf32> to vector<16xf32>
      %get3A_364 = arith.constant 1 : i32
      %get3A_365 = arith.constant 12 : i32
      %get3A_366 = arith.index_cast %get3A_364 : i32 to index
      %get3A_367 = arith.index_cast %get3A_365 : i32 to index
      %get3A_368 = arith.constant 0 : index
      %get3A_369 = tpu.vector_load %arg9[%get3A_366, %get3A_367, %get3A_368] {strides = array<i32>} : memref<4x16x16xf32, #tpu.memory_space<vmem>>, vector<1x1x16xf32>,
      %get3A_370 = vector.shape_cast %get3A_369 : vector<1x1x16xf32> to vector<16xf32>
      %get3A_371 = arith.constant 2 : i32
      %get3A_372 = arith.constant 12 : i32
      %get3A_373 = arith.index_cast %get3A_371 : i32 to index
      %get3A_374 = arith.index_cast %get3A_372 : i32 to index
      %get3A_375 = arith.constant 0 : index
      %get3A_376 = tpu.vector_load %arg9[%get3A_373, %get3A_374, %get3A_375] {strides = array<i32>} : memref<4x16x16xf32, #tpu.memory_space<vmem>>, vector<1x1x16xf32>,
      %get3A_377 = vector.shape_cast %get3A_376 : vector<1x1x16xf32> to vector<16xf32>
      %get3A_378 = arith.constant 3 : i32
      %get3A_379 = arith.constant 12 : i32
      %get3A_380 = arith.index_cast %get3A_378 : i32 to index
      %get3A_381 = arith.index_cast %get3A_379 : i32 to index
      %get3A_382 = arith.constant 0 : index
      %get3A_383 = tpu.vector_load %arg9[%get3A_380, %get3A_381, %get3A_382] {strides = array<i32>} : memref<4x16x16xf32, #tpu.memory_space<vmem>>, vector<1x1x16xf32>,
      %get3A_384 = vector.shape_cast %get3A_383 : vector<1x1x16xf32> to vector<16xf32>
      %get3A_385 = arith.constant 0 : i32
      %get3A_386 = arith.constant 13 : i32
      %get3A_387 = arith.index_cast %get3A_385 : i32 to index
      %get3A_388 = arith.index_cast %get3A_386 : i32 to index
      %get3A_389 = arith.constant 0 : index
      %get3A_390 = tpu.vector_load %arg9[%get3A_387, %get3A_388, %get3A_389] {strides = array<i32>} : memref<4x16x16xf32, #tpu.memory_space<vmem>>, vector<1x1x16xf32>,
      %get3A_391 = vector.shape_cast %get3A_390 : vector<1x1x16xf32> to vector<16xf32>
      %get3A_392 = arith.constant 1 : i32
      %get3A_393 = arith.constant 13 : i32
      %get3A_394 = arith.index_cast %get3A_392 : i32 to index
      %get3A_395 = arith.index_cast %get3A_393 : i32 to index
      %get3A_396 = arith.constant 0 : index
      %get3A_397 = tpu.vector_load %arg9[%get3A_394, %get3A_395, %get3A_396] {strides = array<i32>} : memref<4x16x16xf32, #tpu.memory_space<vmem>>, vector<1x1x16xf32>,
      %get3A_398 = vector.shape_cast %get3A_397 : vector<1x1x16xf32> to vector<16xf32>
      %get3A_399 = arith.constant 2 : i32
      %get3A_400 = arith.constant 13 : i32
      %get3A_401 = arith.index_cast %get3A_399 : i32 to index
      %get3A_402 = arith.index_cast %get3A_400 : i32 to index
      %get3A_403 = arith.constant 0 : index
      %get3A_404 = tpu.vector_load %arg9[%get3A_401, %get3A_402, %get3A_403] {strides = array<i32>} : memref<4x16x16xf32, #tpu.memory_space<vmem>>, vector<1x1x16xf32>,
      %get3A_405 = vector.shape_cast %get3A_404 : vector<1x1x16xf32> to vector<16xf32>
      %get3A_406 = arith.constant 3 : i32
      %get3A_407 = arith.constant 13 : i32
      %get3A_408 = arith.index_cast %get3A_406 : i32 to index
      %get3A_409 = arith.index_cast %get3A_407 : i32 to index
      %get3A_410 = arith.constant 0 : index
      %get3A_411 = tpu.vector_load %arg9[%get3A_408, %get3A_409, %get3A_410] {strides = array<i32>} : memref<4x16x16xf32, #tpu.memory_space<vmem>>, vector<1x1x16xf32>,
      %get3A_412 = vector.shape_cast %get3A_411 : vector<1x1x16xf32> to vector<16xf32>
      %get3A_413 = arith.constant 0 : i32
      %get3A_414 = arith.constant 14 : i32
      %get3A_415 = arith.index_cast %get3A_413 : i32 to index
      %get3A_416 = arith.index_cast %get3A_414 : i32 to index
      %get3A_417 = arith.constant 0 : index
      %get3A_418 = tpu.vector_load %arg9[%get3A_415, %get3A_416, %get3A_417] {strides = array<i32>} : memref<4x16x16xf32, #tpu.memory_space<vmem>>, vector<1x1x16xf32>,
      %get3A_419 = vector.shape_cast %get3A_418 : vector<1x1x16xf32> to vector<16xf32>
      %get3A_420 = arith.constant 1 : i32
      %get3A_421 = arith.constant 14 : i32
      %get3A_422 = arith.index_cast %get3A_420 : i32 to index
      %get3A_423 = arith.index_cast %get3A_421 : i32 to index
      %get3A_424 = arith.constant 0 : index
      %get3A_425 = tpu.vector_load %arg9[%get3A_422, %get3A_423, %get3A_424] {strides = array<i32>} : memref<4x16x16xf32, #tpu.memory_space<vmem>>, vector<1x1x16xf32>,
      %get3A_426 = vector.shape_cast %get3A_425 : vector<1x1x16xf32> to vector<16xf32>
      %get3A_427 = arith.constant 2 : i32
      %get3A_428 = arith.constant 14 : i32
      %get3A_429 = arith.index_cast %get3A_427 : i32 to index
      %get3A_430 = arith.index_cast %get3A_428 : i32 to index
      %get3A_431 = arith.constant 0 : index
      %get3A_432 = tpu.vector_load %arg9[%get3A_429, %get3A_430, %get3A_431] {strides = array<i32>} : memref<4x16x16xf32, #tpu.memory_space<vmem>>, vector<1x1x16xf32>,
      %get3A_433 = vector.shape_cast %get3A_432 : vector<1x1x16xf32> to vector<16xf32>
      %get3A_434 = arith.constant 3 : i32
      %get3A_435 = arith.constant 14 : i32
      %get3A_436 = arith.index_cast %get3A_434 : i32 to index
      %get3A_437 = arith.index_cast %get3A_435 : i32 to index
      %get3A_438 = arith.constant 0 : index
      %get3A_439 = tpu.vector_load %arg9[%get3A_436, %get3A_437, %get3A_438] {strides = array<i32>} : memref<4x16x16xf32, #tpu.memory_space<vmem>>, vector<1x1x16xf32>,
      %get3A_440 = vector.shape_cast %get3A_439 : vector<1x1x16xf32> to vector<16xf32>
      %get3A_441 = arith.constant 0 : i32
      %get3A_442 = arith.constant 15 : i32
      %get3A_443 = arith.index_cast %get3A_441 : i32 to index
      %get3A_444 = arith.index_cast %get3A_442 : i32 to index
      %get3A_445 = arith.constant 0 : index
      %get3A_446 = tpu.vector_load %arg9[%get3A_443, %get3A_444, %get3A_445] {strides = array<i32>} : memref<4x16x16xf32, #tpu.memory_space<vmem>>, vector<1x1x16xf32>,
      %get3A_447 = vector.shape_cast %get3A_446 : vector<1x1x16xf32> to vector<16xf32>
      %get3A_448 = arith.constant 1 : i32
      %get3A_449 = arith.constant 15 : i32
      %get3A_450 = arith.index_cast %get3A_448 : i32 to index
      %get3A_451 = arith.index_cast %get3A_449 : i32 to index
      %get3A_452 = arith.constant 0 : index
      %get3A_453 = tpu.vector_load %arg9[%get3A_450, %get3A_451, %get3A_452] {strides = array<i32>} : memref<4x16x16xf32, #tpu.memory_space<vmem>>, vector<1x1x16xf32>,
      %get3A_454 = vector.shape_cast %get3A_453 : vector<1x1x16xf32> to vector<16xf32>
      %get3A_455 = arith.constant 2 : i32
      %get3A_456 = arith.constant 15 : i32
      %get3A_457 = arith.index_cast %get3A_455 : i32 to index
      %get3A_458 = arith.index_cast %get3A_456 : i32 to index
      %get3A_459 = arith.constant 0 : index
      %get3A_460 = tpu.vector_load %arg9[%get3A_457, %get3A_458, %get3A_459] {strides = array<i32>} : memref<4x16x16xf32, #tpu.memory_space<vmem>>, vector<1x1x16xf32>,
      %get3A_461 = vector.shape_cast %get3A_460 : vector<1x1x16xf32> to vector<16xf32>
      %get3A_462 = arith.constant 3 : i32
      %get3A_463 = arith.constant 15 : i32
      %get3A_464 = arith.index_cast %get3A_462 : i32 to index
      %get3A_465 = arith.index_cast %get3A_463 : i32 to index
      %get3A_466 = arith.constant 0 : index
      %get3A_467 = tpu.vector_load %arg9[%get3A_464, %get3A_465, %get3A_466] {strides = array<i32>} : memref<4x16x16xf32, #tpu.memory_space<vmem>>, vector<1x1x16xf32>,
      %get3A_468 = vector.shape_cast %get3A_467 : vector<1x1x16xf32> to vector<16xf32>
      %scan3A_469 = arith.constant 0 : i32
      %scan3A_470 = arith.constant 0 : i32
      %scan3A_471 = arith.constant 128 : i32
      %scan3A_472 = arith.addi %scan3A_470, %scan3A_471 : i32
      %scan3A_473 = arith.constant 1 : i32
      scf.for %scan3A_475 = %scan3A_470 to %scan3A_472 step %scan3A_473  : i32 {
        %mul3A_476 = arith.constant 16 : i32
        %mul3A_477 = arith.muli %scan3A_475, %mul3A_476 : i32
        %get3A_478 = arith.constant 0 : i32
        %get3A_479 = arith.index_cast %get3A_478 : i32 to index
        %get3A_480 = arith.index_cast %mul3A_477 : i32 to index
        %get3A_481 = tpu.vector_load %arg7[%get3A_479, %get3A_480] {strides = array<i32>} : memref<4x2048xf32, #tpu.memory_space<vmem>>, vector<1x16xf32>,
        %get3A_482 = vector.shape_cast %get3A_481 : vector<1x16xf32> to vector<16xf32>
        %mul3A_483 = arith.constant 16 : i32
        %mul3A_484 = arith.muli %scan3A_475, %mul3A_483 : i32
        %get3A_485 = arith.constant 1 : i32
        %get3A_486 = arith.index_cast %get3A_485 : i32 to index
        %get3A_487 = arith.index_cast %mul3A_484 : i32 to index
        %get3A_488 = tpu.vector_load %arg7[%get3A_486, %get3A_487] {strides = array<i32>} : memref<4x2048xf32, #tpu.memory_space<vmem>>, vector<1x16xf32>,
        %get3A_489 = vector.shape_cast %get3A_488 : vector<1x16xf32> to vector<16xf32>
        %mul3A_490 = arith.constant 16 : i32
        %mul3A_491 = arith.muli %scan3A_475, %mul3A_490 : i32
        %get3A_492 = arith.constant 2 : i32
        %get3A_493 = arith.index_cast %get3A_492 : i32 to index
        %get3A_494 = arith.index_cast %mul3A_491 : i32 to index
        %get3A_495 = tpu.vector_load %arg7[%get3A_493, %get3A_494] {strides = array<i32>} : memref<4x2048xf32, #tpu.memory_space<vmem>>, vector<1x16xf32>,
        %get3A_496 = vector.shape_cast %get3A_495 : vector<1x16xf32> to vector<16xf32>
        %mul3A_497 = arith.constant 16 : i32
        %mul3A_498 = arith.muli %scan3A_475, %mul3A_497 : i32
        %get3A_499 = arith.constant 3 : i32
        %get3A_500 = arith.index_cast %get3A_499 : i32 to index
        %get3A_501 = arith.index_cast %mul3A_498 : i32 to index
        %get3A_502 = tpu.vector_load %arg7[%get3A_500, %get3A_501] {strides = array<i32>} : memref<4x2048xf32, #tpu.memory_space<vmem>>, vector<1x16xf32>,
        %get3A_503 = vector.shape_cast %get3A_502 : vector<1x16xf32> to vector<16xf32>
        %mul3A_504 = arith.constant 16 : i32
        %mul3A_505 = arith.muli %scan3A_475, %mul3A_504 : i32
        %get3A_506 = arith.constant 8 : i32
        %get3A_507 = arith.index_cast %get3A_506 : i32 to index
        %get3A_508 = arith.index_cast %mul3A_505 : i32 to index
        %get3A_509 = tpu.vector_load %arg6[%get3A_507, %get3A_508] {strides = array<i32>} : memref<16x2048xf32, #tpu.memory_space<vmem>>, vector<1x16xf32>,
        %get3A_510 = vector.shape_cast %get3A_509 : vector<1x16xf32> to vector<16xf32>
        %mul3A_511 = arith.mulf %get3A_482, %get3A_251 : vector<16xf32>
        %add3A_512 = arith.addf %get3A_510, %mul3A_511 : vector<16xf32>
        %mul3A_513 = arith.mulf %get3A_489, %get3A_258 : vector<16xf32>
        %add3A_514 = arith.addf %add3A_512, %mul3A_513 : vector<16xf32>
        %mul3A_515 = arith.mulf %get3A_496, %get3A_265 : vector<16xf32>
        %add3A_516 = arith.addf %add3A_514, %mul3A_515 : vector<16xf32>
        %mul3A_517 = arith.mulf %get3A_503, %get3A_272 : vector<16xf32>
        %add3A_518 = arith.addf %add3A_516, %mul3A_517 : vector<16xf32>
        %mul3A_519 = arith.constant 16 : i32
        %mul3A_520 = arith.muli %scan3A_475, %mul3A_519 : i32
        %swap3A = arith.constant 8 : i32
        %swap3A_521 = arith.index_cast %swap3A : i32 to index
        %swap3A_522 = arith.index_cast %mul3A_520 : i32 to index
        %swap3A_523 = tpu.vector_load %arg8[%swap3A_521, %swap3A_522] {strides = array<i32>} : memref<16x2048xf32, #tpu.memory_space<vmem>>, vector<1x16xf32>,
        %swap3A_524 = vector.shape_cast %swap3A_523 : vector<1x16xf32> to vector<16xf32>
        %swap3A_525 = vector.shape_cast %add3A_518 : vector<16xf32> to vector<1x16xf32>
        tpu.vector_store %arg8[%swap3A_521, %swap3A_522], %swap3A_525 {strides = array<i32>} : memref<16x2048xf32, #tpu.memory_space<vmem>>, vector<1x16xf32>,
        %mul3A_526 = arith.constant 16 : i32
        %mul3A_527 = arith.muli %scan3A_475, %mul3A_526 : i32
        %get3A_528 = arith.constant 9 : i32
        %get3A_529 = arith.index_cast %get3A_528 : i32 to index
        %get3A_530 = arith.index_cast %mul3A_527 : i32 to index
        %get3A_531 = tpu.vector_load %arg6[%get3A_529, %get3A_530] {strides = array<i32>} : memref<16x2048xf32, #tpu.memory_space<vmem>>, vector<1x16xf32>,
        %get3A_532 = vector.shape_cast %get3A_531 : vector<1x16xf32> to vector<16xf32>
        %mul3A_533 = arith.mulf %get3A_482, %get3A_279 : vector<16xf32>
        %add3A_534 = arith.addf %get3A_532, %mul3A_533 : vector<16xf32>
        %mul3A_535 = arith.mulf %get3A_489, %get3A_286 : vector<16xf32>
        %add3A_536 = arith.addf %add3A_534, %mul3A_535 : vector<16xf32>
        %mul3A_537 = arith.mulf %get3A_496, %get3A_293 : vector<16xf32>
        %add3A_538 = arith.addf %add3A_536, %mul3A_537 : vector<16xf32>
        %mul3A_539 = arith.mulf %get3A_503, %get3A_300 : vector<16xf32>
        %add3A_540 = arith.addf %add3A_538, %mul3A_539 : vector<16xf32>
        %mul3A_541 = arith.constant 16 : i32
        %mul3A_542 = arith.muli %scan3A_475, %mul3A_541 : i32
        %swap3A_543 = arith.constant 9 : i32
        %swap3A_544 = arith.index_cast %swap3A_543 : i32 to index
        %swap3A_545 = arith.index_cast %mul3A_542 : i32 to index
        %swap3A_546 = tpu.vector_load %arg8[%swap3A_544, %swap3A_545] {strides = array<i32>} : memref<16x2048xf32, #tpu.memory_space<vmem>>, vector<1x16xf32>,
        %swap3A_547 = vector.shape_cast %swap3A_546 : vector<1x16xf32> to vector<16xf32>
        %swap3A_548 = vector.shape_cast %add3A_540 : vector<16xf32> to vector<1x16xf32>
        tpu.vector_store %arg8[%swap3A_544, %swap3A_545], %swap3A_548 {strides = array<i32>} : memref<16x2048xf32, #tpu.memory_space<vmem>>, vector<1x16xf32>,
        %mul3A_549 = arith.constant 16 : i32
        %mul3A_550 = arith.muli %scan3A_475, %mul3A_549 : i32
        %get3A_551 = arith.constant 10 : i32
        %get3A_552 = arith.index_cast %get3A_551 : i32 to index
        %get3A_553 = arith.index_cast %mul3A_550 : i32 to index
        %get3A_554 = tpu.vector_load %arg6[%get3A_552, %get3A_553] {strides = array<i32>} : memref<16x2048xf32, #tpu.memory_space<vmem>>, vector<1x16xf32>,
        %get3A_555 = vector.shape_cast %get3A_554 : vector<1x16xf32> to vector<16xf32>
        %mul3A_556 = arith.mulf %get3A_482, %get3A_307 : vector<16xf32>
        %add3A_557 = arith.addf %get3A_555, %mul3A_556 : vector<16xf32>
        %mul3A_558 = arith.mulf %get3A_489, %get3A_314 : vector<16xf32>
        %add3A_559 = arith.addf %add3A_557, %mul3A_558 : vector<16xf32>
        %mul3A_560 = arith.mulf %get3A_496, %get3A_321 : vector<16xf32>
        %add3A_561 = arith.addf %add3A_559, %mul3A_560 : vector<16xf32>
        %mul3A_562 = arith.mulf %get3A_503, %get3A_328 : vector<16xf32>
        %add3A_563 = arith.addf %add3A_561, %mul3A_562 : vector<16xf32>
        %mul3A_564 = arith.constant 16 : i32
        %mul3A_565 = arith.muli %scan3A_475, %mul3A_564 : i32
        %swap3A_566 = arith.constant 10 : i32
        %swap3A_567 = arith.index_cast %swap3A_566 : i32 to index
        %swap3A_568 = arith.index_cast %mul3A_565 : i32 to index
        %swap3A_569 = tpu.vector_load %arg8[%swap3A_567, %swap3A_568] {strides = array<i32>} : memref<16x2048xf32, #tpu.memory_space<vmem>>, vector<1x16xf32>,
        %swap3A_570 = vector.shape_cast %swap3A_569 : vector<1x16xf32> to vector<16xf32>
        %swap3A_571 = vector.shape_cast %add3A_563 : vector<16xf32> to vector<1x16xf32>
        tpu.vector_store %arg8[%swap3A_567, %swap3A_568], %swap3A_571 {strides = array<i32>} : memref<16x2048xf32, #tpu.memory_space<vmem>>, vector<1x16xf32>,
        %mul3A_572 = arith.constant 16 : i32
        %mul3A_573 = arith.muli %scan3A_475, %mul3A_572 : i32
        %get3A_574 = arith.constant 11 : i32
        %get3A_575 = arith.index_cast %get3A_574 : i32 to index
        %get3A_576 = arith.index_cast %mul3A_573 : i32 to index
        %get3A_577 = tpu.vector_load %arg6[%get3A_575, %get3A_576] {strides = array<i32>} : memref<16x2048xf32, #tpu.memory_space<vmem>>, vector<1x16xf32>,
        %get3A_578 = vector.shape_cast %get3A_577 : vector<1x16xf32> to vector<16xf32>
        %mul3A_579 = arith.mulf %get3A_482, %get3A_335 : vector<16xf32>
        %add3A_580 = arith.addf %get3A_578, %mul3A_579 : vector<16xf32>
        %mul3A_581 = arith.mulf %get3A_489, %get3A_342 : vector<16xf32>
        %add3A_582 = arith.addf %add3A_580, %mul3A_581 : vector<16xf32>
        %mul3A_583 = arith.mulf %get3A_496, %get3A_349 : vector<16xf32>
        %add3A_584 = arith.addf %add3A_582, %mul3A_583 : vector<16xf32>
        %mul3A_585 = arith.mulf %get3A_503, %get3A_356 : vector<16xf32>
        %add3A_586 = arith.addf %add3A_584, %mul3A_585 : vector<16xf32>
        %mul3A_587 = arith.constant 16 : i32
        %mul3A_588 = arith.muli %scan3A_475, %mul3A_587 : i32
        %swap3A_589 = arith.constant 11 : i32
        %swap3A_590 = arith.index_cast %swap3A_589 : i32 to index
        %swap3A_591 = arith.index_cast %mul3A_588 : i32 to index
        %swap3A_592 = tpu.vector_load %arg8[%swap3A_590, %swap3A_591] {strides = array<i32>} : memref<16x2048xf32, #tpu.memory_space<vmem>>, vector<1x16xf32>,
        %swap3A_593 = vector.shape_cast %swap3A_592 : vector<1x16xf32> to vector<16xf32>
        %swap3A_594 = vector.shape_cast %add3A_586 : vector<16xf32> to vector<1x16xf32>
        tpu.vector_store %arg8[%swap3A_590, %swap3A_591], %swap3A_594 {strides = array<i32>} : memref<16x2048xf32, #tpu.memory_space<vmem>>, vector<1x16xf32>,
        %mul3A_595 = arith.constant 16 : i32
        %mul3A_596 = arith.muli %scan3A_475, %mul3A_595 : i32
        %get3A_597 = arith.constant 12 : i32
        %get3A_598 = arith.index_cast %get3A_597 : i32 to index
        %get3A_599 = arith.index_cast %mul3A_596 : i32 to index
        %get3A_600 = tpu.vector_load %arg6[%get3A_598, %get3A_599] {strides = array<i32>} : memref<16x2048xf32, #tpu.memory_space<vmem>>, vector<1x16xf32>,
        %get3A_601 = vector.shape_cast %get3A_600 : vector<1x16xf32> to vector<16xf32>
        %mul3A_602 = arith.mulf %get3A_482, %get3A_363 : vector<16xf32>
        %add3A_603 = arith.addf %get3A_601, %mul3A_602 : vector<16xf32>
        %mul3A_604 = arith.mulf %get3A_489, %get3A_370 : vector<16xf32>
        %add3A_605 = arith.addf %add3A_603, %mul3A_604 : vector<16xf32>
        %mul3A_606 = arith.mulf %get3A_496, %get3A_377 : vector<16xf32>
        %add3A_607 = arith.addf %add3A_605, %mul3A_606 : vector<16xf32>
        %mul3A_608 = arith.mulf %get3A_503, %get3A_384 : vector<16xf32>
        %add3A_609 = arith.addf %add3A_607, %mul3A_608 : vector<16xf32>
        %mul3A_610 = arith.constant 16 : i32
        %mul3A_611 = arith.muli %scan3A_475, %mul3A_610 : i32
        %swap3A_612 = arith.constant 12 : i32
        %swap3A_613 = arith.index_cast %swap3A_612 : i32 to index
        %swap3A_614 = arith.index_cast %mul3A_611 : i32 to index
        %swap3A_615 = tpu.vector_load %arg8[%swap3A_613, %swap3A_614] {strides = array<i32>} : memref<16x2048xf32, #tpu.memory_space<vmem>>, vector<1x16xf32>,
        %swap3A_616 = vector.shape_cast %swap3A_615 : vector<1x16xf32> to vector<16xf32>
        %swap3A_617 = vector.shape_cast %add3A_609 : vector<16xf32> to vector<1x16xf32>
        tpu.vector_store %arg8[%swap3A_613, %swap3A_614], %swap3A_617 {strides = array<i32>} : memref<16x2048xf32, #tpu.memory_space<vmem>>, vector<1x16xf32>,
        %mul3A_618 = arith.constant 16 : i32
        %mul3A_619 = arith.muli %scan3A_475, %mul3A_618 : i32
        %get3A_620 = arith.constant 13 : i32
        %get3A_621 = arith.index_cast %get3A_620 : i32 to index
        %get3A_622 = arith.index_cast %mul3A_619 : i32 to index
        %get3A_623 = tpu.vector_load %arg6[%get3A_621, %get3A_622] {strides = array<i32>} : memref<16x2048xf32, #tpu.memory_space<vmem>>, vector<1x16xf32>,
        %get3A_624 = vector.shape_cast %get3A_623 : vector<1x16xf32> to vector<16xf32>
        %mul3A_625 = arith.mulf %get3A_482, %get3A_391 : vector<16xf32>
        %add3A_626 = arith.addf %get3A_624, %mul3A_625 : vector<16xf32>
        %mul3A_627 = arith.mulf %get3A_489, %get3A_398 : vector<16xf32>
        %add3A_628 = arith.addf %add3A_626, %mul3A_627 : vector<16xf32>
        %mul3A_629 = arith.mulf %get3A_496, %get3A_405 : vector<16xf32>
        %add3A_630 = arith.addf %add3A_628, %mul3A_629 : vector<16xf32>
        %mul3A_631 = arith.mulf %get3A_503, %get3A_412 : vector<16xf32>
        %add3A_632 = arith.addf %add3A_630, %mul3A_631 : vector<16xf32>
        %mul3A_633 = arith.constant 16 : i32
        %mul3A_634 = arith.muli %scan3A_475, %mul3A_633 : i32
        %swap3A_635 = arith.constant 13 : i32
        %swap3A_636 = arith.index_cast %swap3A_635 : i32 to index
        %swap3A_637 = arith.index_cast %mul3A_634 : i32 to index
        %swap3A_638 = tpu.vector_load %arg8[%swap3A_636, %swap3A_637] {strides = array<i32>} : memref<16x2048xf32, #tpu.memory_space<vmem>>, vector<1x16xf32>,
        %swap3A_639 = vector.shape_cast %swap3A_638 : vector<1x16xf32> to vector<16xf32>
        %swap3A_640 = vector.shape_cast %add3A_632 : vector<16xf32> to vector<1x16xf32>
        tpu.vector_store %arg8[%swap3A_636, %swap3A_637], %swap3A_640 {strides = array<i32>} : memref<16x2048xf32, #tpu.memory_space<vmem>>, vector<1x16xf32>,
        %mul3A_641 = arith.constant 16 : i32
        %mul3A_642 = arith.muli %scan3A_475, %mul3A_641 : i32
        %get3A_643 = arith.constant 14 : i32
        %get3A_644 = arith.index_cast %get3A_643 : i32 to index
        %get3A_645 = arith.index_cast %mul3A_642 : i32 to index
        %get3A_646 = tpu.vector_load %arg6[%get3A_644, %get3A_645] {strides = array<i32>} : memref<16x2048xf32, #tpu.memory_space<vmem>>, vector<1x16xf32>,
        %get3A_647 = vector.shape_cast %get3A_646 : vector<1x16xf32> to vector<16xf32>
        %mul3A_648 = arith.mulf %get3A_482, %get3A_419 : vector<16xf32>
        %add3A_649 = arith.addf %get3A_647, %mul3A_648 : vector<16xf32>
        %mul3A_650 = arith.mulf %get3A_489, %get3A_426 : vector<16xf32>
        %add3A_651 = arith.addf %add3A_649, %mul3A_650 : vector<16xf32>
        %mul3A_652 = arith.mulf %get3A_496, %get3A_433 : vector<16xf32>
        %add3A_653 = arith.addf %add3A_651, %mul3A_652 : vector<16xf32>
        %mul3A_654 = arith.mulf %get3A_503, %get3A_440 : vector<16xf32>
        %add3A_655 = arith.addf %add3A_653, %mul3A_654 : vector<16xf32>
        %mul3A_656 = arith.constant 16 : i32
        %mul3A_657 = arith.muli %scan3A_475, %mul3A_656 : i32
        %swap3A_658 = arith.constant 14 : i32
        %swap3A_659 = arith.index_cast %swap3A_658 : i32 to index
        %swap3A_660 = arith.index_cast %mul3A_657 : i32 to index
        %swap3A_661 = tpu.vector_load %arg8[%swap3A_659, %swap3A_660] {strides = array<i32>} : memref<16x2048xf32, #tpu.memory_space<vmem>>, vector<1x16xf32>,
        %swap3A_662 = vector.shape_cast %swap3A_661 : vector<1x16xf32> to vector<16xf32>
        %swap3A_663 = vector.shape_cast %add3A_655 : vector<16xf32> to vector<1x16xf32>
        tpu.vector_store %arg8[%swap3A_659, %swap3A_660], %swap3A_663 {strides = array<i32>} : memref<16x2048xf32, #tpu.memory_space<vmem>>, vector<1x16xf32>,
        %mul3A_664 = arith.constant 16 : i32
        %mul3A_665 = arith.muli %scan3A_475, %mul3A_664 : i32
        %get3A_666 = arith.constant 15 : i32
        %get3A_667 = arith.index_cast %get3A_666 : i32 to index
        %get3A_668 = arith.index_cast %mul3A_665 : i32 to index
        %get3A_669 = tpu.vector_load %arg6[%get3A_667, %get3A_668] {strides = array<i32>} : memref<16x2048xf32, #tpu.memory_space<vmem>>, vector<1x16xf32>,
        %get3A_670 = vector.shape_cast %get3A_669 : vector<1x16xf32> to vector<16xf32>
        %mul3A_671 = arith.mulf %get3A_482, %get3A_447 : vector<16xf32>
        %add3A_672 = arith.addf %get3A_670, %mul3A_671 : vector<16xf32>
        %mul3A_673 = arith.mulf %get3A_489, %get3A_454 : vector<16xf32>
        %add3A_674 = arith.addf %add3A_672, %mul3A_673 : vector<16xf32>
        %mul3A_675 = arith.mulf %get3A_496, %get3A_461 : vector<16xf32>
        %add3A_676 = arith.addf %add3A_674, %mul3A_675 : vector<16xf32>
        %mul3A_677 = arith.mulf %get3A_503, %get3A_468 : vector<16xf32>
        %add3A_678 = arith.addf %add3A_676, %mul3A_677 : vector<16xf32>
        %mul3A_679 = arith.constant 16 : i32
        %mul3A_680 = arith.muli %scan3A_475, %mul3A_679 : i32
        %swap3A_681 = arith.constant 15 : i32
        %swap3A_682 = arith.index_cast %swap3A_681 : i32 to index
        %swap3A_683 = arith.index_cast %mul3A_680 : i32 to index
        %swap3A_684 = tpu.vector_load %arg8[%swap3A_682, %swap3A_683] {strides = array<i32>} : memref<16x2048xf32, #tpu.memory_space<vmem>>, vector<1x16xf32>,
        %swap3A_685 = vector.shape_cast %swap3A_684 : vector<1x16xf32> to vector<16xf32>
        %swap3A_686 = vector.shape_cast %add3A_678 : vector<16xf32> to vector<1x16xf32>
        tpu.vector_store %arg8[%swap3A_682, %swap3A_683], %swap3A_686 {strides = array<i32>} : memref<16x2048xf32, #tpu.memory_space<vmem>>, vector<1x16xf32>,
      }
      %scan3A_474 = arith.constant 128 : i32
      "tpu.region"() ({
        %run_scoped3A = tpu.sem_alloc : memref<!tpu.dma_semaphore, #tpu.memory_space<semaphore_mem>>
        %dma_start3A = arith.constant 0 : i32
        %dma_start3A_475 = arith.constant 0 : i32
        %dma_start3A_476 = tpu.memref_slice %arg5[%add3A_15, %dma_start3A, %dma_start3A_475] : memref<1024x16x4096xf32, #tpu.memory_space<hbm>> -> memref<1x16x2048xf32, #tpu.memory_space<hbm>>
        %dma_start3A_477 = tpu.memref_squeeze %dma_start3A_476 : memref<1x16x2048xf32, #tpu.memory_space<hbm>> -> memref<16x2048xf32, #tpu.memory_space<hbm>>
        %dma_start3A_478 = arith.constant 0 : i32
        %dma_start3A_479 = arith.constant 0 : i32
        %dma_start3A_480 = tpu.memref_slice %arg5[%add3A_15, %dma_start3A_478, %dma_start3A_479] : memref<1024x16x4096xf32, #tpu.memory_space<hbm>> -> memref<1x16x2048xf32, #tpu.memory_space<hbm>>
        %dma_start3A_481 = tpu.memref_squeeze %dma_start3A_480 : memref<1x16x2048xf32, #tpu.memory_space<hbm>> -> memref<16x2048xf32, #tpu.memory_space<hbm>>
        tpu.enqueue_dma source(%arg8 : memref<16x2048xf32, #tpu.memory_space<vmem>>) target(%dma_start3A_481 : memref<16x2048xf32, #tpu.memory_space<hbm>>) target_semaphore(%run_scoped3A : memref<!tpu.dma_semaphore, #tpu.memory_space<semaphore_mem>>)
        %dma_wait3A = arith.constant 0 : i32
        %dma_wait3A_482 = arith.constant 0 : i32
        %dma_wait3A_483 = tpu.memref_slice %arg5[%add3A_15, %dma_wait3A, %dma_wait3A_482] : memref<1024x16x4096xf32, #tpu.memory_space<hbm>> -> memref<1x16x2048xf32, #tpu.memory_space<hbm>>
        %dma_wait3A_484 = tpu.memref_squeeze %dma_wait3A_483 : memref<1x16x2048xf32, #tpu.memory_space<hbm>> -> memref<16x2048xf32, #tpu.memory_space<hbm>>
        %dma_wait3A_485 = arith.constant 0 : i32
        %dma_wait3A_486 = arith.constant 0 : i32
        %dma_wait3A_487 = tpu.memref_slice %arg5[%add3A_15, %dma_wait3A_485, %dma_wait3A_486] : memref<1024x16x4096xf32, #tpu.memory_space<hbm>> -> memref<1x16x2048xf32, #tpu.memory_space<hbm>>
        %dma_wait3A_488 = tpu.memref_squeeze %dma_wait3A_487 : memref<1x16x2048xf32, #tpu.memory_space<hbm>> -> memref<16x2048xf32, #tpu.memory_space<hbm>>
        tpu.wait_dma2 semaphore(%run_scoped3A : memref<!tpu.dma_semaphore, #tpu.memory_space<semaphore_mem>>) src(%arg8 : memref<16x2048xf32, #tpu.memory_space<vmem>>) dst(%dma_wait3A_488 : memref<16x2048xf32, #tpu.memory_space<hbm>>)
        tpu.yield
      }) : () -> ()
    }
    %scan3A_5 = arith.constant 32 : i32
    "tpu.region"() ({
      %run_scoped3A = tpu.sem_alloc : memref<!tpu.dma_semaphore, #tpu.memory_space<semaphore_mem>>
      %dma_start3A = arith.constant 0 : i32
      %dma_start3A_12 = arith.constant 2048 : i32
      %dma_start3A_13 = tpu.memref_slice %arg4[%dma_start3A, %dma_start3A_12] : memref<16x4096xf32, #tpu.memory_space<hbm>> -> memref<16x2048xf32, #tpu.memory_space<hbm>>
      %dma_start3A_14 = arith.constant 0 : i32
      %dma_start3A_15 = arith.constant 2048 : i32
      %dma_start3A_16 = tpu.memref_slice %arg4[%dma_start3A_14, %dma_start3A_15] : memref<16x4096xf32, #tpu.memory_space<hbm>> -> memref<16x2048xf32, #tpu.memory_space<hbm>>
      tpu.enqueue_dma source(%dma_start3A_16 : memref<16x2048xf32, #tpu.memory_space<hbm>>) target(%arg6 : memref<16x2048xf32, #tpu.memory_space<vmem>>) target_semaphore(%run_scoped3A : memref<!tpu.dma_semaphore, #tpu.memory_space<semaphore_mem>>)
      %dma_wait3A = arith.constant 0 : i32
      %dma_wait3A_17 = arith.constant 2048 : i32
      %dma_wait3A_18 = tpu.memref_slice %arg4[%dma_wait3A, %dma_wait3A_17] : memref<16x4096xf32, #tpu.memory_space<hbm>> -> memref<16x2048xf32, #tpu.memory_space<hbm>>
      %dma_wait3A_19 = arith.constant 0 : i32
      %dma_wait3A_20 = arith.constant 2048 : i32
      %dma_wait3A_21 = tpu.memref_slice %arg4[%dma_wait3A_19, %dma_wait3A_20] : memref<16x4096xf32, #tpu.memory_space<hbm>> -> memref<16x2048xf32, #tpu.memory_space<hbm>>
      tpu.wait_dma2 semaphore(%run_scoped3A : memref<!tpu.dma_semaphore, #tpu.memory_space<semaphore_mem>>) src(%dma_wait3A_21 : memref<16x2048xf32, #tpu.memory_space<hbm>>) dst(%arg6 : memref<16x2048xf32, #tpu.memory_space<vmem>>)
      tpu.yield
    }) : () -> ()
    %scan3A_6 = arith.constant 0 : i32
    %scan3A_7 = arith.constant 0 : i32
    %scan3A_8 = arith.constant 32 : i32
    %scan3A_9 = arith.addi %scan3A_7, %scan3A_8 : i32
    %scan3A_10 = arith.constant 1 : i32
    scf.for %scan3A_12 = %scan3A_7 to %scan3A_9 step %scan3A_10  : i32 {
      %mul3A_13 = arith.constant 32 : i32
      %mul3A_14 = arith.muli %add3A, %mul3A_13 : i32
      %add3A_15 = arith.addi %mul3A_14, %scan3A_12 : i32
      "tpu.region"() ({
        %run_scoped3A = tpu.sem_alloc : memref<!tpu.dma_semaphore, #tpu.memory_space<semaphore_mem>>
        %dma_start3A = arith.constant 0 : i32
        %dma_start3A_475 = arith.constant 2048 : i32
        %dma_start3A_476 = tpu.memref_slice %arg2[%add3A_15, %dma_start3A, %dma_start3A_475] : memref<1024x4x4096xf32, #tpu.memory_space<hbm>> -> memref<1x4x2048xf32, #tpu.memory_space<hbm>>
        %dma_start3A_477 = tpu.memref_squeeze %dma_start3A_476 : memref<1x4x2048xf32, #tpu.memory_space<hbm>> -> memref<4x2048xf32, #tpu.memory_space<hbm>>
        %dma_start3A_478 = arith.constant 0 : i32
        %dma_start3A_479 = arith.constant 2048 : i32
        %dma_start3A_480 = tpu.memref_slice %arg2[%add3A_15, %dma_start3A_478, %dma_start3A_479] : memref<1024x4x4096xf32, #tpu.memory_space<hbm>> -> memref<1x4x2048xf32, #tpu.memory_space<hbm>>
        %dma_start3A_481 = tpu.memref_squeeze %dma_start3A_480 : memref<1x4x2048xf32, #tpu.memory_space<hbm>> -> memref<4x2048xf32, #tpu.memory_space<hbm>>
        tpu.enqueue_dma source(%dma_start3A_481 : memref<4x2048xf32, #tpu.memory_space<hbm>>) target(%arg7 : memref<4x2048xf32, #tpu.memory_space<vmem>>) target_semaphore(%run_scoped3A : memref<!tpu.dma_semaphore, #tpu.memory_space<semaphore_mem>>)
        %dma_wait3A = arith.constant 0 : i32
        %dma_wait3A_482 = arith.constant 2048 : i32
        %dma_wait3A_483 = tpu.memref_slice %arg2[%add3A_15, %dma_wait3A, %dma_wait3A_482] : memref<1024x4x4096xf32, #tpu.memory_space<hbm>> -> memref<1x4x2048xf32, #tpu.memory_space<hbm>>
        %dma_wait3A_484 = tpu.memref_squeeze %dma_wait3A_483 : memref<1x4x2048xf32, #tpu.memory_space<hbm>> -> memref<4x2048xf32, #tpu.memory_space<hbm>>
        %dma_wait3A_485 = arith.constant 0 : i32
        %dma_wait3A_486 = arith.constant 2048 : i32
        %dma_wait3A_487 = tpu.memref_slice %arg2[%add3A_15, %dma_wait3A_485, %dma_wait3A_486] : memref<1024x4x4096xf32, #tpu.memory_space<hbm>> -> memref<1x4x2048xf32, #tpu.memory_space<hbm>>
        %dma_wait3A_488 = tpu.memref_squeeze %dma_wait3A_487 : memref<1x4x2048xf32, #tpu.memory_space<hbm>> -> memref<4x2048xf32, #tpu.memory_space<hbm>>
        tpu.wait_dma2 semaphore(%run_scoped3A : memref<!tpu.dma_semaphore, #tpu.memory_space<semaphore_mem>>) src(%dma_wait3A_488 : memref<4x2048xf32, #tpu.memory_space<hbm>>) dst(%arg7 : memref<4x2048xf32, #tpu.memory_space<vmem>>)
        tpu.yield
      }) : () -> ()
      %get3A = arith.constant 0 : i32
      %get3A_16 = arith.constant 0 : i32
      %get3A_17 = arith.index_cast %get3A : i32 to index
      %get3A_18 = arith.index_cast %get3A_16 : i32 to index
      %get3A_19 = arith.constant 0 : index
      %get3A_20 = tpu.vector_load %arg9[%get3A_17, %get3A_18, %get3A_19] {strides = array<i32>} : memref<4x16x16xf32, #tpu.memory_space<vmem>>, vector<1x1x16xf32>,
      %get3A_21 = vector.shape_cast %get3A_20 : vector<1x1x16xf32> to vector<16xf32>
      %get3A_22 = arith.constant 1 : i32
      %get3A_23 = arith.constant 0 : i32
      %get3A_24 = arith.index_cast %get3A_22 : i32 to index
      %get3A_25 = arith.index_cast %get3A_23 : i32 to index
      %get3A_26 = arith.constant 0 : index
      %get3A_27 = tpu.vector_load %arg9[%get3A_24, %get3A_25, %get3A_26] {strides = array<i32>} : memref<4x16x16xf32, #tpu.memory_space<vmem>>, vector<1x1x16xf32>,
      %get3A_28 = vector.shape_cast %get3A_27 : vector<1x1x16xf32> to vector<16xf32>
      %get3A_29 = arith.constant 2 : i32
      %get3A_30 = arith.constant 0 : i32
      %get3A_31 = arith.index_cast %get3A_29 : i32 to index
      %get3A_32 = arith.index_cast %get3A_30 : i32 to index
      %get3A_33 = arith.constant 0 : index
      %get3A_34 = tpu.vector_load %arg9[%get3A_31, %get3A_32, %get3A_33] {strides = array<i32>} : memref<4x16x16xf32, #tpu.memory_space<vmem>>, vector<1x1x16xf32>,
      %get3A_35 = vector.shape_cast %get3A_34 : vector<1x1x16xf32> to vector<16xf32>
      %get3A_36 = arith.constant 3 : i32
      %get3A_37 = arith.constant 0 : i32
      %get3A_38 = arith.index_cast %get3A_36 : i32 to index
      %get3A_39 = arith.index_cast %get3A_37 : i32 to index
      %get3A_40 = arith.constant 0 : index
      %get3A_41 = tpu.vector_load %arg9[%get3A_38, %get3A_39, %get3A_40] {strides = array<i32>} : memref<4x16x16xf32, #tpu.memory_space<vmem>>, vector<1x1x16xf32>,
      %get3A_42 = vector.shape_cast %get3A_41 : vector<1x1x16xf32> to vector<16xf32>
      %get3A_43 = arith.constant 0 : i32
      %get3A_44 = arith.constant 1 : i32
      %get3A_45 = arith.index_cast %get3A_43 : i32 to index
      %get3A_46 = arith.index_cast %get3A_44 : i32 to index
      %get3A_47 = arith.constant 0 : index
      %get3A_48 = tpu.vector_load %arg9[%get3A_45, %get3A_46, %get3A_47] {strides = array<i32>} : memref<4x16x16xf32, #tpu.memory_space<vmem>>, vector<1x1x16xf32>,
      %get3A_49 = vector.shape_cast %get3A_48 : vector<1x1x16xf32> to vector<16xf32>
      %get3A_50 = arith.constant 1 : i32
      %get3A_51 = arith.constant 1 : i32
      %get3A_52 = arith.index_cast %get3A_50 : i32 to index
      %get3A_53 = arith.index_cast %get3A_51 : i32 to index
      %get3A_54 = arith.constant 0 : index
      %get3A_55 = tpu.vector_load %arg9[%get3A_52, %get3A_53, %get3A_54] {strides = array<i32>} : memref<4x16x16xf32, #tpu.memory_space<vmem>>, vector<1x1x16xf32>,
      %get3A_56 = vector.shape_cast %get3A_55 : vector<1x1x16xf32> to vector<16xf32>
      %get3A_57 = arith.constant 2 : i32
      %get3A_58 = arith.constant 1 : i32
      %get3A_59 = arith.index_cast %get3A_57 : i32 to index
      %get3A_60 = arith.index_cast %get3A_58 : i32 to index
      %get3A_61 = arith.constant 0 : index
      %get3A_62 = tpu.vector_load %arg9[%get3A_59, %get3A_60, %get3A_61] {strides = array<i32>} : memref<4x16x16xf32, #tpu.memory_space<vmem>>, vector<1x1x16xf32>,
      %get3A_63 = vector.shape_cast %get3A_62 : vector<1x1x16xf32> to vector<16xf32>
      %get3A_64 = arith.constant 3 : i32
      %get3A_65 = arith.constant 1 : i32
      %get3A_66 = arith.index_cast %get3A_64 : i32 to index
      %get3A_67 = arith.index_cast %get3A_65 : i32 to index
      %get3A_68 = arith.constant 0 : index
      %get3A_69 = tpu.vector_load %arg9[%get3A_66, %get3A_67, %get3A_68] {strides = array<i32>} : memref<4x16x16xf32, #tpu.memory_space<vmem>>, vector<1x1x16xf32>,
      %get3A_70 = vector.shape_cast %get3A_69 : vector<1x1x16xf32> to vector<16xf32>
      %get3A_71 = arith.constant 0 : i32
      %get3A_72 = arith.constant 2 : i32
      %get3A_73 = arith.index_cast %get3A_71 : i32 to index
      %get3A_74 = arith.index_cast %get3A_72 : i32 to index
      %get3A_75 = arith.constant 0 : index
      %get3A_76 = tpu.vector_load %arg9[%get3A_73, %get3A_74, %get3A_75] {strides = array<i32>} : memref<4x16x16xf32, #tpu.memory_space<vmem>>, vector<1x1x16xf32>,
      %get3A_77 = vector.shape_cast %get3A_76 : vector<1x1x16xf32> to vector<16xf32>
      %get3A_78 = arith.constant 1 : i32
      %get3A_79 = arith.constant 2 : i32
      %get3A_80 = arith.index_cast %get3A_78 : i32 to index
      %get3A_81 = arith.index_cast %get3A_79 : i32 to index
      %get3A_82 = arith.constant 0 : index
      %get3A_83 = tpu.vector_load %arg9[%get3A_80, %get3A_81, %get3A_82] {strides = array<i32>} : memref<4x16x16xf32, #tpu.memory_space<vmem>>, vector<1x1x16xf32>,
      %get3A_84 = vector.shape_cast %get3A_83 : vector<1x1x16xf32> to vector<16xf32>
      %get3A_85 = arith.constant 2 : i32
      %get3A_86 = arith.constant 2 : i32
      %get3A_87 = arith.index_cast %get3A_85 : i32 to index
      %get3A_88 = arith.index_cast %get3A_86 : i32 to index
      %get3A_89 = arith.constant 0 : index
      %get3A_90 = tpu.vector_load %arg9[%get3A_87, %get3A_88, %get3A_89] {strides = array<i32>} : memref<4x16x16xf32, #tpu.memory_space<vmem>>, vector<1x1x16xf32>,
      %get3A_91 = vector.shape_cast %get3A_90 : vector<1x1x16xf32> to vector<16xf32>
      %get3A_92 = arith.constant 3 : i32
      %get3A_93 = arith.constant 2 : i32
      %get3A_94 = arith.index_cast %get3A_92 : i32 to index
      %get3A_95 = arith.index_cast %get3A_93 : i32 to index
      %get3A_96 = arith.constant 0 : index
      %get3A_97 = tpu.vector_load %arg9[%get3A_94, %get3A_95, %get3A_96] {strides = array<i32>} : memref<4x16x16xf32, #tpu.memory_space<vmem>>, vector<1x1x16xf32>,
      %get3A_98 = vector.shape_cast %get3A_97 : vector<1x1x16xf32> to vector<16xf32>
      %get3A_99 = arith.constant 0 : i32
      %get3A_100 = arith.constant 3 : i32
      %get3A_101 = arith.index_cast %get3A_99 : i32 to index
      %get3A_102 = arith.index_cast %get3A_100 : i32 to index
      %get3A_103 = arith.constant 0 : index
      %get3A_104 = tpu.vector_load %arg9[%get3A_101, %get3A_102, %get3A_103] {strides = array<i32>} : memref<4x16x16xf32, #tpu.memory_space<vmem>>, vector<1x1x16xf32>,
      %get3A_105 = vector.shape_cast %get3A_104 : vector<1x1x16xf32> to vector<16xf32>
      %get3A_106 = arith.constant 1 : i32
      %get3A_107 = arith.constant 3 : i32
      %get3A_108 = arith.index_cast %get3A_106 : i32 to index
      %get3A_109 = arith.index_cast %get3A_107 : i32 to index
      %get3A_110 = arith.constant 0 : index
      %get3A_111 = tpu.vector_load %arg9[%get3A_108, %get3A_109, %get3A_110] {strides = array<i32>} : memref<4x16x16xf32, #tpu.memory_space<vmem>>, vector<1x1x16xf32>,
      %get3A_112 = vector.shape_cast %get3A_111 : vector<1x1x16xf32> to vector<16xf32>
      %get3A_113 = arith.constant 2 : i32
      %get3A_114 = arith.constant 3 : i32
      %get3A_115 = arith.index_cast %get3A_113 : i32 to index
      %get3A_116 = arith.index_cast %get3A_114 : i32 to index
      %get3A_117 = arith.constant 0 : index
      %get3A_118 = tpu.vector_load %arg9[%get3A_115, %get3A_116, %get3A_117] {strides = array<i32>} : memref<4x16x16xf32, #tpu.memory_space<vmem>>, vector<1x1x16xf32>,
      %get3A_119 = vector.shape_cast %get3A_118 : vector<1x1x16xf32> to vector<16xf32>
      %get3A_120 = arith.constant 3 : i32
      %get3A_121 = arith.constant 3 : i32
      %get3A_122 = arith.index_cast %get3A_120 : i32 to index
      %get3A_123 = arith.index_cast %get3A_121 : i32 to index
      %get3A_124 = arith.constant 0 : index
      %get3A_125 = tpu.vector_load %arg9[%get3A_122, %get3A_123, %get3A_124] {strides = array<i32>} : memref<4x16x16xf32, #tpu.memory_space<vmem>>, vector<1x1x16xf32>,
      %get3A_126 = vector.shape_cast %get3A_125 : vector<1x1x16xf32> to vector<16xf32>
      %get3A_127 = arith.constant 0 : i32
      %get3A_128 = arith.constant 4 : i32
      %get3A_129 = arith.index_cast %get3A_127 : i32 to index
      %get3A_130 = arith.index_cast %get3A_128 : i32 to index
      %get3A_131 = arith.constant 0 : index
      %get3A_132 = tpu.vector_load %arg9[%get3A_129, %get3A_130, %get3A_131] {strides = array<i32>} : memref<4x16x16xf32, #tpu.memory_space<vmem>>, vector<1x1x16xf32>,
      %get3A_133 = vector.shape_cast %get3A_132 : vector<1x1x16xf32> to vector<16xf32>
      %get3A_134 = arith.constant 1 : i32
      %get3A_135 = arith.constant 4 : i32
      %get3A_136 = arith.index_cast %get3A_134 : i32 to index
      %get3A_137 = arith.index_cast %get3A_135 : i32 to index
      %get3A_138 = arith.constant 0 : index
      %get3A_139 = tpu.vector_load %arg9[%get3A_136, %get3A_137, %get3A_138] {strides = array<i32>} : memref<4x16x16xf32, #tpu.memory_space<vmem>>, vector<1x1x16xf32>,
      %get3A_140 = vector.shape_cast %get3A_139 : vector<1x1x16xf32> to vector<16xf32>
      %get3A_141 = arith.constant 2 : i32
      %get3A_142 = arith.constant 4 : i32
      %get3A_143 = arith.index_cast %get3A_141 : i32 to index
      %get3A_144 = arith.index_cast %get3A_142 : i32 to index
      %get3A_145 = arith.constant 0 : index
      %get3A_146 = tpu.vector_load %arg9[%get3A_143, %get3A_144, %get3A_145] {strides = array<i32>} : memref<4x16x16xf32, #tpu.memory_space<vmem>>, vector<1x1x16xf32>,
      %get3A_147 = vector.shape_cast %get3A_146 : vector<1x1x16xf32> to vector<16xf32>
      %get3A_148 = arith.constant 3 : i32
      %get3A_149 = arith.constant 4 : i32
      %get3A_150 = arith.index_cast %get3A_148 : i32 to index
      %get3A_151 = arith.index_cast %get3A_149 : i32 to index
      %get3A_152 = arith.constant 0 : index
      %get3A_153 = tpu.vector_load %arg9[%get3A_150, %get3A_151, %get3A_152] {strides = array<i32>} : memref<4x16x16xf32, #tpu.memory_space<vmem>>, vector<1x1x16xf32>,
      %get3A_154 = vector.shape_cast %get3A_153 : vector<1x1x16xf32> to vector<16xf32>
      %get3A_155 = arith.constant 0 : i32
      %get3A_156 = arith.constant 5 : i32
      %get3A_157 = arith.index_cast %get3A_155 : i32 to index
      %get3A_158 = arith.index_cast %get3A_156 : i32 to index
      %get3A_159 = arith.constant 0 : index
      %get3A_160 = tpu.vector_load %arg9[%get3A_157, %get3A_158, %get3A_159] {strides = array<i32>} : memref<4x16x16xf32, #tpu.memory_space<vmem>>, vector<1x1x16xf32>,
      %get3A_161 = vector.shape_cast %get3A_160 : vector<1x1x16xf32> to vector<16xf32>
      %get3A_162 = arith.constant 1 : i32
      %get3A_163 = arith.constant 5 : i32
      %get3A_164 = arith.index_cast %get3A_162 : i32 to index
      %get3A_165 = arith.index_cast %get3A_163 : i32 to index
      %get3A_166 = arith.constant 0 : index
      %get3A_167 = tpu.vector_load %arg9[%get3A_164, %get3A_165, %get3A_166] {strides = array<i32>} : memref<4x16x16xf32, #tpu.memory_space<vmem>>, vector<1x1x16xf32>,
      %get3A_168 = vector.shape_cast %get3A_167 : vector<1x1x16xf32> to vector<16xf32>
      %get3A_169 = arith.constant 2 : i32
      %get3A_170 = arith.constant 5 : i32
      %get3A_171 = arith.index_cast %get3A_169 : i32 to index
      %get3A_172 = arith.index_cast %get3A_170 : i32 to index
      %get3A_173 = arith.constant 0 : index
      %get3A_174 = tpu.vector_load %arg9[%get3A_171, %get3A_172, %get3A_173] {strides = array<i32>} : memref<4x16x16xf32, #tpu.memory_space<vmem>>, vector<1x1x16xf32>,
      %get3A_175 = vector.shape_cast %get3A_174 : vector<1x1x16xf32> to vector<16xf32>
      %get3A_176 = arith.constant 3 : i32
      %get3A_177 = arith.constant 5 : i32
      %get3A_178 = arith.index_cast %get3A_176 : i32 to index
      %get3A_179 = arith.index_cast %get3A_177 : i32 to index
      %get3A_180 = arith.constant 0 : index
      %get3A_181 = tpu.vector_load %arg9[%get3A_178, %get3A_179, %get3A_180] {strides = array<i32>} : memref<4x16x16xf32, #tpu.memory_space<vmem>>, vector<1x1x16xf32>,
      %get3A_182 = vector.shape_cast %get3A_181 : vector<1x1x16xf32> to vector<16xf32>
      %get3A_183 = arith.constant 0 : i32
      %get3A_184 = arith.constant 6 : i32
      %get3A_185 = arith.index_cast %get3A_183 : i32 to index
      %get3A_186 = arith.index_cast %get3A_184 : i32 to index
      %get3A_187 = arith.constant 0 : index
      %get3A_188 = tpu.vector_load %arg9[%get3A_185, %get3A_186, %get3A_187] {strides = array<i32>} : memref<4x16x16xf32, #tpu.memory_space<vmem>>, vector<1x1x16xf32>,
      %get3A_189 = vector.shape_cast %get3A_188 : vector<1x1x16xf32> to vector<16xf32>
      %get3A_190 = arith.constant 1 : i32
      %get3A_191 = arith.constant 6 : i32
      %get3A_192 = arith.index_cast %get3A_190 : i32 to index
      %get3A_193 = arith.index_cast %get3A_191 : i32 to index
      %get3A_194 = arith.constant 0 : index
      %get3A_195 = tpu.vector_load %arg9[%get3A_192, %get3A_193, %get3A_194] {strides = array<i32>} : memref<4x16x16xf32, #tpu.memory_space<vmem>>, vector<1x1x16xf32>,
      %get3A_196 = vector.shape_cast %get3A_195 : vector<1x1x16xf32> to vector<16xf32>
      %get3A_197 = arith.constant 2 : i32
      %get3A_198 = arith.constant 6 : i32
      %get3A_199 = arith.index_cast %get3A_197 : i32 to index
      %get3A_200 = arith.index_cast %get3A_198 : i32 to index
      %get3A_201 = arith.constant 0 : index
      %get3A_202 = tpu.vector_load %arg9[%get3A_199, %get3A_200, %get3A_201] {strides = array<i32>} : memref<4x16x16xf32, #tpu.memory_space<vmem>>, vector<1x1x16xf32>,
      %get3A_203 = vector.shape_cast %get3A_202 : vector<1x1x16xf32> to vector<16xf32>
      %get3A_204 = arith.constant 3 : i32
      %get3A_205 = arith.constant 6 : i32
      %get3A_206 = arith.index_cast %get3A_204 : i32 to index
      %get3A_207 = arith.index_cast %get3A_205 : i32 to index
      %get3A_208 = arith.constant 0 : index
      %get3A_209 = tpu.vector_load %arg9[%get3A_206, %get3A_207, %get3A_208] {strides = array<i32>} : memref<4x16x16xf32, #tpu.memory_space<vmem>>, vector<1x1x16xf32>,
      %get3A_210 = vector.shape_cast %get3A_209 : vector<1x1x16xf32> to vector<16xf32>
      %get3A_211 = arith.constant 0 : i32
      %get3A_212 = arith.constant 7 : i32
      %get3A_213 = arith.index_cast %get3A_211 : i32 to index
      %get3A_214 = arith.index_cast %get3A_212 : i32 to index
      %get3A_215 = arith.constant 0 : index
      %get3A_216 = tpu.vector_load %arg9[%get3A_213, %get3A_214, %get3A_215] {strides = array<i32>} : memref<4x16x16xf32, #tpu.memory_space<vmem>>, vector<1x1x16xf32>,
      %get3A_217 = vector.shape_cast %get3A_216 : vector<1x1x16xf32> to vector<16xf32>
      %get3A_218 = arith.constant 1 : i32
      %get3A_219 = arith.constant 7 : i32
      %get3A_220 = arith.index_cast %get3A_218 : i32 to index
      %get3A_221 = arith.index_cast %get3A_219 : i32 to index
      %get3A_222 = arith.constant 0 : index
      %get3A_223 = tpu.vector_load %arg9[%get3A_220, %get3A_221, %get3A_222] {strides = array<i32>} : memref<4x16x16xf32, #tpu.memory_space<vmem>>, vector<1x1x16xf32>,
      %get3A_224 = vector.shape_cast %get3A_223 : vector<1x1x16xf32> to vector<16xf32>
      %get3A_225 = arith.constant 2 : i32
      %get3A_226 = arith.constant 7 : i32
      %get3A_227 = arith.index_cast %get3A_225 : i32 to index
      %get3A_228 = arith.index_cast %get3A_226 : i32 to index
      %get3A_229 = arith.constant 0 : index
      %get3A_230 = tpu.vector_load %arg9[%get3A_227, %get3A_228, %get3A_229] {strides = array<i32>} : memref<4x16x16xf32, #tpu.memory_space<vmem>>, vector<1x1x16xf32>,
      %get3A_231 = vector.shape_cast %get3A_230 : vector<1x1x16xf32> to vector<16xf32>
      %get3A_232 = arith.constant 3 : i32
      %get3A_233 = arith.constant 7 : i32
      %get3A_234 = arith.index_cast %get3A_232 : i32 to index
      %get3A_235 = arith.index_cast %get3A_233 : i32 to index
      %get3A_236 = arith.constant 0 : index
      %get3A_237 = tpu.vector_load %arg9[%get3A_234, %get3A_235, %get3A_236] {strides = array<i32>} : memref<4x16x16xf32, #tpu.memory_space<vmem>>, vector<1x1x16xf32>,
      %get3A_238 = vector.shape_cast %get3A_237 : vector<1x1x16xf32> to vector<16xf32>
      %scan3A_239 = arith.constant 0 : i32
      %scan3A_240 = arith.constant 0 : i32
      %scan3A_241 = arith.constant 128 : i32
      %scan3A_242 = arith.addi %scan3A_240, %scan3A_241 : i32
      %scan3A_243 = arith.constant 1 : i32
      scf.for %scan3A_475 = %scan3A_240 to %scan3A_242 step %scan3A_243  : i32 {
        %mul3A_476 = arith.constant 16 : i32
        %mul3A_477 = arith.muli %scan3A_475, %mul3A_476 : i32
        %get3A_478 = arith.constant 0 : i32
        %get3A_479 = arith.index_cast %get3A_478 : i32 to index
        %get3A_480 = arith.index_cast %mul3A_477 : i32 to index
        %get3A_481 = tpu.vector_load %arg7[%get3A_479, %get3A_480] {strides = array<i32>} : memref<4x2048xf32, #tpu.memory_space<vmem>>, vector<1x16xf32>,
        %get3A_482 = vector.shape_cast %get3A_481 : vector<1x16xf32> to vector<16xf32>
        %mul3A_483 = arith.constant 16 : i32
        %mul3A_484 = arith.muli %scan3A_475, %mul3A_483 : i32
        %get3A_485 = arith.constant 1 : i32
        %get3A_486 = arith.index_cast %get3A_485 : i32 to index
        %get3A_487 = arith.index_cast %mul3A_484 : i32 to index
        %get3A_488 = tpu.vector_load %arg7[%get3A_486, %get3A_487] {strides = array<i32>} : memref<4x2048xf32, #tpu.memory_space<vmem>>, vector<1x16xf32>,
        %get3A_489 = vector.shape_cast %get3A_488 : vector<1x16xf32> to vector<16xf32>
        %mul3A_490 = arith.constant 16 : i32
        %mul3A_491 = arith.muli %scan3A_475, %mul3A_490 : i32
        %get3A_492 = arith.constant 2 : i32
        %get3A_493 = arith.index_cast %get3A_492 : i32 to index
        %get3A_494 = arith.index_cast %mul3A_491 : i32 to index
        %get3A_495 = tpu.vector_load %arg7[%get3A_493, %get3A_494] {strides = array<i32>} : memref<4x2048xf32, #tpu.memory_space<vmem>>, vector<1x16xf32>,
        %get3A_496 = vector.shape_cast %get3A_495 : vector<1x16xf32> to vector<16xf32>
        %mul3A_497 = arith.constant 16 : i32
        %mul3A_498 = arith.muli %scan3A_475, %mul3A_497 : i32
        %get3A_499 = arith.constant 3 : i32
        %get3A_500 = arith.index_cast %get3A_499 : i32 to index
        %get3A_501 = arith.index_cast %mul3A_498 : i32 to index
        %get3A_502 = tpu.vector_load %arg7[%get3A_500, %get3A_501] {strides = array<i32>} : memref<4x2048xf32, #tpu.memory_space<vmem>>, vector<1x16xf32>,
        %get3A_503 = vector.shape_cast %get3A_502 : vector<1x16xf32> to vector<16xf32>
        %mul3A_504 = arith.constant 16 : i32
        %mul3A_505 = arith.muli %scan3A_475, %mul3A_504 : i32
        %get3A_506 = arith.constant 0 : i32
        %get3A_507 = arith.index_cast %get3A_506 : i32 to index
        %get3A_508 = arith.index_cast %mul3A_505 : i32 to index
        %get3A_509 = tpu.vector_load %arg6[%get3A_507, %get3A_508] {strides = array<i32>} : memref<16x2048xf32, #tpu.memory_space<vmem>>, vector<1x16xf32>,
        %get3A_510 = vector.shape_cast %get3A_509 : vector<1x16xf32> to vector<16xf32>
        %mul3A_511 = arith.mulf %get3A_482, %get3A_21 : vector<16xf32>
        %add3A_512 = arith.addf %get3A_510, %mul3A_511 : vector<16xf32>
        %mul3A_513 = arith.mulf %get3A_489, %get3A_28 : vector<16xf32>
        %add3A_514 = arith.addf %add3A_512, %mul3A_513 : vector<16xf32>
        %mul3A_515 = arith.mulf %get3A_496, %get3A_35 : vector<16xf32>
        %add3A_516 = arith.addf %add3A_514, %mul3A_515 : vector<16xf32>
        %mul3A_517 = arith.mulf %get3A_503, %get3A_42 : vector<16xf32>
        %add3A_518 = arith.addf %add3A_516, %mul3A_517 : vector<16xf32>
        %mul3A_519 = arith.constant 16 : i32
        %mul3A_520 = arith.muli %scan3A_475, %mul3A_519 : i32
        %swap3A = arith.constant 0 : i32
        %swap3A_521 = arith.index_cast %swap3A : i32 to index
        %swap3A_522 = arith.index_cast %mul3A_520 : i32 to index
        %swap3A_523 = tpu.vector_load %arg8[%swap3A_521, %swap3A_522] {strides = array<i32>} : memref<16x2048xf32, #tpu.memory_space<vmem>>, vector<1x16xf32>,
        %swap3A_524 = vector.shape_cast %swap3A_523 : vector<1x16xf32> to vector<16xf32>
        %swap3A_525 = vector.shape_cast %add3A_518 : vector<16xf32> to vector<1x16xf32>
        tpu.vector_store %arg8[%swap3A_521, %swap3A_522], %swap3A_525 {strides = array<i32>} : memref<16x2048xf32, #tpu.memory_space<vmem>>, vector<1x16xf32>,
        %mul3A_526 = arith.constant 16 : i32
        %mul3A_527 = arith.muli %scan3A_475, %mul3A_526 : i32
        %get3A_528 = arith.constant 1 : i32
        %get3A_529 = arith.index_cast %get3A_528 : i32 to index
        %get3A_530 = arith.index_cast %mul3A_527 : i32 to index
        %get3A_531 = tpu.vector_load %arg6[%get3A_529, %get3A_530] {strides = array<i32>} : memref<16x2048xf32, #tpu.memory_space<vmem>>, vector<1x16xf32>,
        %get3A_532 = vector.shape_cast %get3A_531 : vector<1x16xf32> to vector<16xf32>
        %mul3A_533 = arith.mulf %get3A_482, %get3A_49 : vector<16xf32>
        %add3A_534 = arith.addf %get3A_532, %mul3A_533 : vector<16xf32>
        %mul3A_535 = arith.mulf %get3A_489, %get3A_56 : vector<16xf32>
        %add3A_536 = arith.addf %add3A_534, %mul3A_535 : vector<16xf32>
        %mul3A_537 = arith.mulf %get3A_496, %get3A_63 : vector<16xf32>
        %add3A_538 = arith.addf %add3A_536, %mul3A_537 : vector<16xf32>
        %mul3A_539 = arith.mulf %get3A_503, %get3A_70 : vector<16xf32>
        %add3A_540 = arith.addf %add3A_538, %mul3A_539 : vector<16xf32>
        %mul3A_541 = arith.constant 16 : i32
        %mul3A_542 = arith.muli %scan3A_475, %mul3A_541 : i32
        %swap3A_543 = arith.constant 1 : i32
        %swap3A_544 = arith.index_cast %swap3A_543 : i32 to index
        %swap3A_545 = arith.index_cast %mul3A_542 : i32 to index
        %swap3A_546 = tpu.vector_load %arg8[%swap3A_544, %swap3A_545] {strides = array<i32>} : memref<16x2048xf32, #tpu.memory_space<vmem>>, vector<1x16xf32>,
        %swap3A_547 = vector.shape_cast %swap3A_546 : vector<1x16xf32> to vector<16xf32>
        %swap3A_548 = vector.shape_cast %add3A_540 : vector<16xf32> to vector<1x16xf32>
        tpu.vector_store %arg8[%swap3A_544, %swap3A_545], %swap3A_548 {strides = array<i32>} : memref<16x2048xf32, #tpu.memory_space<vmem>>, vector<1x16xf32>,
        %mul3A_549 = arith.constant 16 : i32
        %mul3A_550 = arith.muli %scan3A_475, %mul3A_549 : i32
        %get3A_551 = arith.constant 2 : i32
        %get3A_552 = arith.index_cast %get3A_551 : i32 to index
        %get3A_553 = arith.index_cast %mul3A_550 : i32 to index
        %get3A_554 = tpu.vector_load %arg6[%get3A_552, %get3A_553] {strides = array<i32>} : memref<16x2048xf32, #tpu.memory_space<vmem>>, vector<1x16xf32>,
        %get3A_555 = vector.shape_cast %get3A_554 : vector<1x16xf32> to vector<16xf32>
        %mul3A_556 = arith.mulf %get3A_482, %get3A_77 : vector<16xf32>
        %add3A_557 = arith.addf %get3A_555, %mul3A_556 : vector<16xf32>
        %mul3A_558 = arith.mulf %get3A_489, %get3A_84 : vector<16xf32>
        %add3A_559 = arith.addf %add3A_557, %mul3A_558 : vector<16xf32>
        %mul3A_560 = arith.mulf %get3A_496, %get3A_91 : vector<16xf32>
        %add3A_561 = arith.addf %add3A_559, %mul3A_560 : vector<16xf32>
        %mul3A_562 = arith.mulf %get3A_503, %get3A_98 : vector<16xf32>
        %add3A_563 = arith.addf %add3A_561, %mul3A_562 : vector<16xf32>
        %mul3A_564 = arith.constant 16 : i32
        %mul3A_565 = arith.muli %scan3A_475, %mul3A_564 : i32
        %swap3A_566 = arith.constant 2 : i32
        %swap3A_567 = arith.index_cast %swap3A_566 : i32 to index
        %swap3A_568 = arith.index_cast %mul3A_565 : i32 to index
        %swap3A_569 = tpu.vector_load %arg8[%swap3A_567, %swap3A_568] {strides = array<i32>} : memref<16x2048xf32, #tpu.memory_space<vmem>>, vector<1x16xf32>,
        %swap3A_570 = vector.shape_cast %swap3A_569 : vector<1x16xf32> to vector<16xf32>
        %swap3A_571 = vector.shape_cast %add3A_563 : vector<16xf32> to vector<1x16xf32>
        tpu.vector_store %arg8[%swap3A_567, %swap3A_568], %swap3A_571 {strides = array<i32>} : memref<16x2048xf32, #tpu.memory_space<vmem>>, vector<1x16xf32>,
        %mul3A_572 = arith.constant 16 : i32
        %mul3A_573 = arith.muli %scan3A_475, %mul3A_572 : i32
        %get3A_574 = arith.constant 3 : i32
        %get3A_575 = arith.index_cast %get3A_574 : i32 to index
        %get3A_576 = arith.index_cast %mul3A_573 : i32 to index
        %get3A_577 = tpu.vector_load %arg6[%get3A_575, %get3A_576] {strides = array<i32>} : memref<16x2048xf32, #tpu.memory_space<vmem>>, vector<1x16xf32>,
        %get3A_578 = vector.shape_cast %get3A_577 : vector<1x16xf32> to vector<16xf32>
        %mul3A_579 = arith.mulf %get3A_482, %get3A_105 : vector<16xf32>
        %add3A_580 = arith.addf %get3A_578, %mul3A_579 : vector<16xf32>
        %mul3A_581 = arith.mulf %get3A_489, %get3A_112 : vector<16xf32>
        %add3A_582 = arith.addf %add3A_580, %mul3A_581 : vector<16xf32>
        %mul3A_583 = arith.mulf %get3A_496, %get3A_119 : vector<16xf32>
        %add3A_584 = arith.addf %add3A_582, %mul3A_583 : vector<16xf32>
        %mul3A_585 = arith.mulf %get3A_503, %get3A_126 : vector<16xf32>
        %add3A_586 = arith.addf %add3A_584, %mul3A_585 : vector<16xf32>
        %mul3A_587 = arith.constant 16 : i32
        %mul3A_588 = arith.muli %scan3A_475, %mul3A_587 : i32
        %swap3A_589 = arith.constant 3 : i32
        %swap3A_590 = arith.index_cast %swap3A_589 : i32 to index
        %swap3A_591 = arith.index_cast %mul3A_588 : i32 to index
        %swap3A_592 = tpu.vector_load %arg8[%swap3A_590, %swap3A_591] {strides = array<i32>} : memref<16x2048xf32, #tpu.memory_space<vmem>>, vector<1x16xf32>,
        %swap3A_593 = vector.shape_cast %swap3A_592 : vector<1x16xf32> to vector<16xf32>
        %swap3A_594 = vector.shape_cast %add3A_586 : vector<16xf32> to vector<1x16xf32>
        tpu.vector_store %arg8[%swap3A_590, %swap3A_591], %swap3A_594 {strides = array<i32>} : memref<16x2048xf32, #tpu.memory_space<vmem>>, vector<1x16xf32>,
        %mul3A_595 = arith.constant 16 : i32
        %mul3A_596 = arith.muli %scan3A_475, %mul3A_595 : i32
        %get3A_597 = arith.constant 4 : i32
        %get3A_598 = arith.index_cast %get3A_597 : i32 to index
        %get3A_599 = arith.index_cast %mul3A_596 : i32 to index
        %get3A_600 = tpu.vector_load %arg6[%get3A_598, %get3A_599] {strides = array<i32>} : memref<16x2048xf32, #tpu.memory_space<vmem>>, vector<1x16xf32>,
        %get3A_601 = vector.shape_cast %get3A_600 : vector<1x16xf32> to vector<16xf32>
        %mul3A_602 = arith.mulf %get3A_482, %get3A_133 : vector<16xf32>
        %add3A_603 = arith.addf %get3A_601, %mul3A_602 : vector<16xf32>
        %mul3A_604 = arith.mulf %get3A_489, %get3A_140 : vector<16xf32>
        %add3A_605 = arith.addf %add3A_603, %mul3A_604 : vector<16xf32>
        %mul3A_606 = arith.mulf %get3A_496, %get3A_147 : vector<16xf32>
        %add3A_607 = arith.addf %add3A_605, %mul3A_606 : vector<16xf32>
        %mul3A_608 = arith.mulf %get3A_503, %get3A_154 : vector<16xf32>
        %add3A_609 = arith.addf %add3A_607, %mul3A_608 : vector<16xf32>
        %mul3A_610 = arith.constant 16 : i32
        %mul3A_611 = arith.muli %scan3A_475, %mul3A_610 : i32
        %swap3A_612 = arith.constant 4 : i32
        %swap3A_613 = arith.index_cast %swap3A_612 : i32 to index
        %swap3A_614 = arith.index_cast %mul3A_611 : i32 to index
        %swap3A_615 = tpu.vector_load %arg8[%swap3A_613, %swap3A_614] {strides = array<i32>} : memref<16x2048xf32, #tpu.memory_space<vmem>>, vector<1x16xf32>,
        %swap3A_616 = vector.shape_cast %swap3A_615 : vector<1x16xf32> to vector<16xf32>
        %swap3A_617 = vector.shape_cast %add3A_609 : vector<16xf32> to vector<1x16xf32>
        tpu.vector_store %arg8[%swap3A_613, %swap3A_614], %swap3A_617 {strides = array<i32>} : memref<16x2048xf32, #tpu.memory_space<vmem>>, vector<1x16xf32>,
        %mul3A_618 = arith.constant 16 : i32
        %mul3A_619 = arith.muli %scan3A_475, %mul3A_618 : i32
        %get3A_620 = arith.constant 5 : i32
        %get3A_621 = arith.index_cast %get3A_620 : i32 to index
        %get3A_622 = arith.index_cast %mul3A_619 : i32 to index
        %get3A_623 = tpu.vector_load %arg6[%get3A_621, %get3A_622] {strides = array<i32>} : memref<16x2048xf32, #tpu.memory_space<vmem>>, vector<1x16xf32>,
        %get3A_624 = vector.shape_cast %get3A_623 : vector<1x16xf32> to vector<16xf32>
        %mul3A_625 = arith.mulf %get3A_482, %get3A_161 : vector<16xf32>
        %add3A_626 = arith.addf %get3A_624, %mul3A_625 : vector<16xf32>
        %mul3A_627 = arith.mulf %get3A_489, %get3A_168 : vector<16xf32>
        %add3A_628 = arith.addf %add3A_626, %mul3A_627 : vector<16xf32>
        %mul3A_629 = arith.mulf %get3A_496, %get3A_175 : vector<16xf32>
        %add3A_630 = arith.addf %add3A_628, %mul3A_629 : vector<16xf32>
        %mul3A_631 = arith.mulf %get3A_503, %get3A_182 : vector<16xf32>
        %add3A_632 = arith.addf %add3A_630, %mul3A_631 : vector<16xf32>
        %mul3A_633 = arith.constant 16 : i32
        %mul3A_634 = arith.muli %scan3A_475, %mul3A_633 : i32
        %swap3A_635 = arith.constant 5 : i32
        %swap3A_636 = arith.index_cast %swap3A_635 : i32 to index
        %swap3A_637 = arith.index_cast %mul3A_634 : i32 to index
        %swap3A_638 = tpu.vector_load %arg8[%swap3A_636, %swap3A_637] {strides = array<i32>} : memref<16x2048xf32, #tpu.memory_space<vmem>>, vector<1x16xf32>,
        %swap3A_639 = vector.shape_cast %swap3A_638 : vector<1x16xf32> to vector<16xf32>
        %swap3A_640 = vector.shape_cast %add3A_632 : vector<16xf32> to vector<1x16xf32>
        tpu.vector_store %arg8[%swap3A_636, %swap3A_637], %swap3A_640 {strides = array<i32>} : memref<16x2048xf32, #tpu.memory_space<vmem>>, vector<1x16xf32>,
        %mul3A_641 = arith.constant 16 : i32
        %mul3A_642 = arith.muli %scan3A_475, %mul3A_641 : i32
        %get3A_643 = arith.constant 6 : i32
        %get3A_644 = arith.index_cast %get3A_643 : i32 to index
        %get3A_645 = arith.index_cast %mul3A_642 : i32 to index
        %get3A_646 = tpu.vector_load %arg6[%get3A_644, %get3A_645] {strides = array<i32>} : memref<16x2048xf32, #tpu.memory_space<vmem>>, vector<1x16xf32>,
        %get3A_647 = vector.shape_cast %get3A_646 : vector<1x16xf32> to vector<16xf32>
        %mul3A_648 = arith.mulf %get3A_482, %get3A_189 : vector<16xf32>
        %add3A_649 = arith.addf %get3A_647, %mul3A_648 : vector<16xf32>
        %mul3A_650 = arith.mulf %get3A_489, %get3A_196 : vector<16xf32>
        %add3A_651 = arith.addf %add3A_649, %mul3A_650 : vector<16xf32>
        %mul3A_652 = arith.mulf %get3A_496, %get3A_203 : vector<16xf32>
        %add3A_653 = arith.addf %add3A_651, %mul3A_652 : vector<16xf32>
        %mul3A_654 = arith.mulf %get3A_503, %get3A_210 : vector<16xf32>
        %add3A_655 = arith.addf %add3A_653, %mul3A_654 : vector<16xf32>
        %mul3A_656 = arith.constant 16 : i32
        %mul3A_657 = arith.muli %scan3A_475, %mul3A_656 : i32
        %swap3A_658 = arith.constant 6 : i32
        %swap3A_659 = arith.index_cast %swap3A_658 : i32 to index
        %swap3A_660 = arith.index_cast %mul3A_657 : i32 to index
        %swap3A_661 = tpu.vector_load %arg8[%swap3A_659, %swap3A_660] {strides = array<i32>} : memref<16x2048xf32, #tpu.memory_space<vmem>>, vector<1x16xf32>,
        %swap3A_662 = vector.shape_cast %swap3A_661 : vector<1x16xf32> to vector<16xf32>
        %swap3A_663 = vector.shape_cast %add3A_655 : vector<16xf32> to vector<1x16xf32>
        tpu.vector_store %arg8[%swap3A_659, %swap3A_660], %swap3A_663 {strides = array<i32>} : memref<16x2048xf32, #tpu.memory_space<vmem>>, vector<1x16xf32>,
        %mul3A_664 = arith.constant 16 : i32
        %mul3A_665 = arith.muli %scan3A_475, %mul3A_664 : i32
        %get3A_666 = arith.constant 7 : i32
        %get3A_667 = arith.index_cast %get3A_666 : i32 to index
        %get3A_668 = arith.index_cast %mul3A_665 : i32 to index
        %get3A_669 = tpu.vector_load %arg6[%get3A_667, %get3A_668] {strides = array<i32>} : memref<16x2048xf32, #tpu.memory_space<vmem>>, vector<1x16xf32>,
        %get3A_670 = vector.shape_cast %get3A_669 : vector<1x16xf32> to vector<16xf32>
        %mul3A_671 = arith.mulf %get3A_482, %get3A_217 : vector<16xf32>
        %add3A_672 = arith.addf %get3A_670, %mul3A_671 : vector<16xf32>
        %mul3A_673 = arith.mulf %get3A_489, %get3A_224 : vector<16xf32>
        %add3A_674 = arith.addf %add3A_672, %mul3A_673 : vector<16xf32>
        %mul3A_675 = arith.mulf %get3A_496, %get3A_231 : vector<16xf32>
        %add3A_676 = arith.addf %add3A_674, %mul3A_675 : vector<16xf32>
        %mul3A_677 = arith.mulf %get3A_503, %get3A_238 : vector<16xf32>
        %add3A_678 = arith.addf %add3A_676, %mul3A_677 : vector<16xf32>
        %mul3A_679 = arith.constant 16 : i32
        %mul3A_680 = arith.muli %scan3A_475, %mul3A_679 : i32
        %swap3A_681 = arith.constant 7 : i32
        %swap3A_682 = arith.index_cast %swap3A_681 : i32 to index
        %swap3A_683 = arith.index_cast %mul3A_680 : i32 to index
        %swap3A_684 = tpu.vector_load %arg8[%swap3A_682, %swap3A_683] {strides = array<i32>} : memref<16x2048xf32, #tpu.memory_space<vmem>>, vector<1x16xf32>,
        %swap3A_685 = vector.shape_cast %swap3A_684 : vector<1x16xf32> to vector<16xf32>
        %swap3A_686 = vector.shape_cast %add3A_678 : vector<16xf32> to vector<1x16xf32>
        tpu.vector_store %arg8[%swap3A_682, %swap3A_683], %swap3A_686 {strides = array<i32>} : memref<16x2048xf32, #tpu.memory_space<vmem>>, vector<1x16xf32>,
      }
      %scan3A_244 = arith.constant 128 : i32
      %get3A_245 = arith.constant 0 : i32
      %get3A_246 = arith.constant 8 : i32
      %get3A_247 = arith.index_cast %get3A_245 : i32 to index
      %get3A_248 = arith.index_cast %get3A_246 : i32 to index
      %get3A_249 = arith.constant 0 : index
      %get3A_250 = tpu.vector_load %arg9[%get3A_247, %get3A_248, %get3A_249] {strides = array<i32>} : memref<4x16x16xf32, #tpu.memory_space<vmem>>, vector<1x1x16xf32>,
      %get3A_251 = vector.shape_cast %get3A_250 : vector<1x1x16xf32> to vector<16xf32>
      %get3A_252 = arith.constant 1 : i32
      %get3A_253 = arith.constant 8 : i32
      %get3A_254 = arith.index_cast %get3A_252 : i32 to index
      %get3A_255 = arith.index_cast %get3A_253 : i32 to index
      %get3A_256 = arith.constant 0 : index
      %get3A_257 = tpu.vector_load %arg9[%get3A_254, %get3A_255, %get3A_256] {strides = array<i32>} : memref<4x16x16xf32, #tpu.memory_space<vmem>>, vector<1x1x16xf32>,
      %get3A_258 = vector.shape_cast %get3A_257 : vector<1x1x16xf32> to vector<16xf32>
      %get3A_259 = arith.constant 2 : i32
      %get3A_260 = arith.constant 8 : i32
      %get3A_261 = arith.index_cast %get3A_259 : i32 to index
      %get3A_262 = arith.index_cast %get3A_260 : i32 to index
      %get3A_263 = arith.constant 0 : index
      %get3A_264 = tpu.vector_load %arg9[%get3A_261, %get3A_262, %get3A_263] {strides = array<i32>} : memref<4x16x16xf32, #tpu.memory_space<vmem>>, vector<1x1x16xf32>,
      %get3A_265 = vector.shape_cast %get3A_264 : vector<1x1x16xf32> to vector<16xf32>
      %get3A_266 = arith.constant 3 : i32
      %get3A_267 = arith.constant 8 : i32
      %get3A_268 = arith.index_cast %get3A_266 : i32 to index
      %get3A_269 = arith.index_cast %get3A_267 : i32 to index
      %get3A_270 = arith.constant 0 : index
      %get3A_271 = tpu.vector_load %arg9[%get3A_268, %get3A_269, %get3A_270] {strides = array<i32>} : memref<4x16x16xf32, #tpu.memory_space<vmem>>, vector<1x1x16xf32>,
      %get3A_272 = vector.shape_cast %get3A_271 : vector<1x1x16xf32> to vector<16xf32>
      %get3A_273 = arith.constant 0 : i32
      %get3A_274 = arith.constant 9 : i32
      %get3A_275 = arith.index_cast %get3A_273 : i32 to index
      %get3A_276 = arith.index_cast %get3A_274 : i32 to index
      %get3A_277 = arith.constant 0 : index
      %get3A_278 = tpu.vector_load %arg9[%get3A_275, %get3A_276, %get3A_277] {strides = array<i32>} : memref<4x16x16xf32, #tpu.memory_space<vmem>>, vector<1x1x16xf32>,
      %get3A_279 = vector.shape_cast %get3A_278 : vector<1x1x16xf32> to vector<16xf32>
      %get3A_280 = arith.constant 1 : i32
      %get3A_281 = arith.constant 9 : i32
      %get3A_282 = arith.index_cast %get3A_280 : i32 to index
      %get3A_283 = arith.index_cast %get3A_281 : i32 to index
      %get3A_284 = arith.constant 0 : index
      %get3A_285 = tpu.vector_load %arg9[%get3A_282, %get3A_283, %get3A_284] {strides = array<i32>} : memref<4x16x16xf32, #tpu.memory_space<vmem>>, vector<1x1x16xf32>,
      %get3A_286 = vector.shape_cast %get3A_285 : vector<1x1x16xf32> to vector<16xf32>
      %get3A_287 = arith.constant 2 : i32
      %get3A_288 = arith.constant 9 : i32
      %get3A_289 = arith.index_cast %get3A_287 : i32 to index
      %get3A_290 = arith.index_cast %get3A_288 : i32 to index
      %get3A_291 = arith.constant 0 : index
      %get3A_292 = tpu.vector_load %arg9[%get3A_289, %get3A_290, %get3A_291] {strides = array<i32>} : memref<4x16x16xf32, #tpu.memory_space<vmem>>, vector<1x1x16xf32>,
      %get3A_293 = vector.shape_cast %get3A_292 : vector<1x1x16xf32> to vector<16xf32>
      %get3A_294 = arith.constant 3 : i32
      %get3A_295 = arith.constant 9 : i32
      %get3A_296 = arith.index_cast %get3A_294 : i32 to index
      %get3A_297 = arith.index_cast %get3A_295 : i32 to index
      %get3A_298 = arith.constant 0 : index
      %get3A_299 = tpu.vector_load %arg9[%get3A_296, %get3A_297, %get3A_298] {strides = array<i32>} : memref<4x16x16xf32, #tpu.memory_space<vmem>>, vector<1x1x16xf32>,
      %get3A_300 = vector.shape_cast %get3A_299 : vector<1x1x16xf32> to vector<16xf32>
      %get3A_301 = arith.constant 0 : i32
      %get3A_302 = arith.constant 10 : i32
      %get3A_303 = arith.index_cast %get3A_301 : i32 to index
      %get3A_304 = arith.index_cast %get3A_302 : i32 to index
      %get3A_305 = arith.constant 0 : index
      %get3A_306 = tpu.vector_load %arg9[%get3A_303, %get3A_304, %get3A_305] {strides = array<i32>} : memref<4x16x16xf32, #tpu.memory_space<vmem>>, vector<1x1x16xf32>,
      %get3A_307 = vector.shape_cast %get3A_306 : vector<1x1x16xf32> to vector<16xf32>
      %get3A_308 = arith.constant 1 : i32
      %get3A_309 = arith.constant 10 : i32
      %get3A_310 = arith.index_cast %get3A_308 : i32 to index
      %get3A_311 = arith.index_cast %get3A_309 : i32 to index
      %get3A_312 = arith.constant 0 : index
      %get3A_313 = tpu.vector_load %arg9[%get3A_310, %get3A_311, %get3A_312] {strides = array<i32>} : memref<4x16x16xf32, #tpu.memory_space<vmem>>, vector<1x1x16xf32>,
      %get3A_314 = vector.shape_cast %get3A_313 : vector<1x1x16xf32> to vector<16xf32>
      %get3A_315 = arith.constant 2 : i32
      %get3A_316 = arith.constant 10 : i32
      %get3A_317 = arith.index_cast %get3A_315 : i32 to index
      %get3A_318 = arith.index_cast %get3A_316 : i32 to index
      %get3A_319 = arith.constant 0 : index
      %get3A_320 = tpu.vector_load %arg9[%get3A_317, %get3A_318, %get3A_319] {strides = array<i32>} : memref<4x16x16xf32, #tpu.memory_space<vmem>>, vector<1x1x16xf32>,
      %get3A_321 = vector.shape_cast %get3A_320 : vector<1x1x16xf32> to vector<16xf32>
      %get3A_322 = arith.constant 3 : i32
      %get3A_323 = arith.constant 10 : i32
      %get3A_324 = arith.index_cast %get3A_322 : i32 to index
      %get3A_325 = arith.index_cast %get3A_323 : i32 to index
      %get3A_326 = arith.constant 0 : index
      %get3A_327 = tpu.vector_load %arg9[%get3A_324, %get3A_325, %get3A_326] {strides = array<i32>} : memref<4x16x16xf32, #tpu.memory_space<vmem>>, vector<1x1x16xf32>,
      %get3A_328 = vector.shape_cast %get3A_327 : vector<1x1x16xf32> to vector<16xf32>
      %get3A_329 = arith.constant 0 : i32
      %get3A_330 = arith.constant 11 : i32
      %get3A_331 = arith.index_cast %get3A_329 : i32 to index
      %get3A_332 = arith.index_cast %get3A_330 : i32 to index
      %get3A_333 = arith.constant 0 : index
      %get3A_334 = tpu.vector_load %arg9[%get3A_331, %get3A_332, %get3A_333] {strides = array<i32>} : memref<4x16x16xf32, #tpu.memory_space<vmem>>, vector<1x1x16xf32>,
      %get3A_335 = vector.shape_cast %get3A_334 : vector<1x1x16xf32> to vector<16xf32>
      %get3A_336 = arith.constant 1 : i32
      %get3A_337 = arith.constant 11 : i32
      %get3A_338 = arith.index_cast %get3A_336 : i32 to index
      %get3A_339 = arith.index_cast %get3A_337 : i32 to index
      %get3A_340 = arith.constant 0 : index
      %get3A_341 = tpu.vector_load %arg9[%get3A_338, %get3A_339, %get3A_340] {strides = array<i32>} : memref<4x16x16xf32, #tpu.memory_space<vmem>>, vector<1x1x16xf32>,
      %get3A_342 = vector.shape_cast %get3A_341 : vector<1x1x16xf32> to vector<16xf32>
      %get3A_343 = arith.constant 2 : i32
      %get3A_344 = arith.constant 11 : i32
      %get3A_345 = arith.index_cast %get3A_343 : i32 to index
      %get3A_346 = arith.index_cast %get3A_344 : i32 to index
      %get3A_347 = arith.constant 0 : index
      %get3A_348 = tpu.vector_load %arg9[%get3A_345, %get3A_346, %get3A_347] {strides = array<i32>} : memref<4x16x16xf32, #tpu.memory_space<vmem>>, vector<1x1x16xf32>,
      %get3A_349 = vector.shape_cast %get3A_348 : vector<1x1x16xf32> to vector<16xf32>
      %get3A_350 = arith.constant 3 : i32
      %get3A_351 = arith.constant 11 : i32
      %get3A_352 = arith.index_cast %get3A_350 : i32 to index
      %get3A_353 = arith.index_cast %get3A_351 : i32 to index
      %get3A_354 = arith.constant 0 : index
      %get3A_355 = tpu.vector_load %arg9[%get3A_352, %get3A_353, %get3A_354] {strides = array<i32>} : memref<4x16x16xf32, #tpu.memory_space<vmem>>, vector<1x1x16xf32>,
      %get3A_356 = vector.shape_cast %get3A_355 : vector<1x1x16xf32> to vector<16xf32>
      %get3A_357 = arith.constant 0 : i32
      %get3A_358 = arith.constant 12 : i32
      %get3A_359 = arith.index_cast %get3A_357 : i32 to index
      %get3A_360 = arith.index_cast %get3A_358 : i32 to index
      %get3A_361 = arith.constant 0 : index
      %get3A_362 = tpu.vector_load %arg9[%get3A_359, %get3A_360, %get3A_361] {strides = array<i32>} : memref<4x16x16xf32, #tpu.memory_space<vmem>>, vector<1x1x16xf32>,
      %get3A_363 = vector.shape_cast %get3A_362 : vector<1x1x16xf32> to vector<16xf32>
      %get3A_364 = arith.constant 1 : i32
      %get3A_365 = arith.constant 12 : i32
      %get3A_366 = arith.index_cast %get3A_364 : i32 to index
      %get3A_367 = arith.index_cast %get3A_365 : i32 to index
      %get3A_368 = arith.constant 0 : index
      %get3A_369 = tpu.vector_load %arg9[%get3A_366, %get3A_367, %get3A_368] {strides = array<i32>} : memref<4x16x16xf32, #tpu.memory_space<vmem>>, vector<1x1x16xf32>,
      %get3A_370 = vector.shape_cast %get3A_369 : vector<1x1x16xf32> to vector<16xf32>
      %get3A_371 = arith.constant 2 : i32
      %get3A_372 = arith.constant 12 : i32
      %get3A_373 = arith.index_cast %get3A_371 : i32 to index
      %get3A_374 = arith.index_cast %get3A_372 : i32 to index
      %get3A_375 = arith.constant 0 : index
      %get3A_376 = tpu.vector_load %arg9[%get3A_373, %get3A_374, %get3A_375] {strides = array<i32>} : memref<4x16x16xf32, #tpu.memory_space<vmem>>, vector<1x1x16xf32>,
      %get3A_377 = vector.shape_cast %get3A_376 : vector<1x1x16xf32> to vector<16xf32>
      %get3A_378 = arith.constant 3 : i32
      %get3A_379 = arith.constant 12 : i32
      %get3A_380 = arith.index_cast %get3A_378 : i32 to index
      %get3A_381 = arith.index_cast %get3A_379 : i32 to index
      %get3A_382 = arith.constant 0 : index
      %get3A_383 = tpu.vector_load %arg9[%get3A_380, %get3A_381, %get3A_382] {strides = array<i32>} : memref<4x16x16xf32, #tpu.memory_space<vmem>>, vector<1x1x16xf32>,
      %get3A_384 = vector.shape_cast %get3A_383 : vector<1x1x16xf32> to vector<16xf32>
      %get3A_385 = arith.constant 0 : i32
      %get3A_386 = arith.constant 13 : i32
      %get3A_387 = arith.index_cast %get3A_385 : i32 to index
      %get3A_388 = arith.index_cast %get3A_386 : i32 to index
      %get3A_389 = arith.constant 0 : index
      %get3A_390 = tpu.vector_load %arg9[%get3A_387, %get3A_388, %get3A_389] {strides = array<i32>} : memref<4x16x16xf32, #tpu.memory_space<vmem>>, vector<1x1x16xf32>,
      %get3A_391 = vector.shape_cast %get3A_390 : vector<1x1x16xf32> to vector<16xf32>
      %get3A_392 = arith.constant 1 : i32
      %get3A_393 = arith.constant 13 : i32
      %get3A_394 = arith.index_cast %get3A_392 : i32 to index
      %get3A_395 = arith.index_cast %get3A_393 : i32 to index
      %get3A_396 = arith.constant 0 : index
      %get3A_397 = tpu.vector_load %arg9[%get3A_394, %get3A_395, %get3A_396] {strides = array<i32>} : memref<4x16x16xf32, #tpu.memory_space<vmem>>, vector<1x1x16xf32>,
      %get3A_398 = vector.shape_cast %get3A_397 : vector<1x1x16xf32> to vector<16xf32>
      %get3A_399 = arith.constant 2 : i32
      %get3A_400 = arith.constant 13 : i32
      %get3A_401 = arith.index_cast %get3A_399 : i32 to index
      %get3A_402 = arith.index_cast %get3A_400 : i32 to index
      %get3A_403 = arith.constant 0 : index
      %get3A_404 = tpu.vector_load %arg9[%get3A_401, %get3A_402, %get3A_403] {strides = array<i32>} : memref<4x16x16xf32, #tpu.memory_space<vmem>>, vector<1x1x16xf32>,
      %get3A_405 = vector.shape_cast %get3A_404 : vector<1x1x16xf32> to vector<16xf32>
      %get3A_406 = arith.constant 3 : i32
      %get3A_407 = arith.constant 13 : i32
      %get3A_408 = arith.index_cast %get3A_406 : i32 to index
      %get3A_409 = arith.index_cast %get3A_407 : i32 to index
      %get3A_410 = arith.constant 0 : index
      %get3A_411 = tpu.vector_load %arg9[%get3A_408, %get3A_409, %get3A_410] {strides = array<i32>} : memref<4x16x16xf32, #tpu.memory_space<vmem>>, vector<1x1x16xf32>,
      %get3A_412 = vector.shape_cast %get3A_411 : vector<1x1x16xf32> to vector<16xf32>
      %get3A_413 = arith.constant 0 : i32
      %get3A_414 = arith.constant 14 : i32
      %get3A_415 = arith.index_cast %get3A_413 : i32 to index
      %get3A_416 = arith.index_cast %get3A_414 : i32 to index
      %get3A_417 = arith.constant 0 : index
      %get3A_418 = tpu.vector_load %arg9[%get3A_415, %get3A_416, %get3A_417] {strides = array<i32>} : memref<4x16x16xf32, #tpu.memory_space<vmem>>, vector<1x1x16xf32>,
      %get3A_419 = vector.shape_cast %get3A_418 : vector<1x1x16xf32> to vector<16xf32>
      %get3A_420 = arith.constant 1 : i32
      %get3A_421 = arith.constant 14 : i32
      %get3A_422 = arith.index_cast %get3A_420 : i32 to index
      %get3A_423 = arith.index_cast %get3A_421 : i32 to index
      %get3A_424 = arith.constant 0 : index
      %get3A_425 = tpu.vector_load %arg9[%get3A_422, %get3A_423, %get3A_424] {strides = array<i32>} : memref<4x16x16xf32, #tpu.memory_space<vmem>>, vector<1x1x16xf32>,
      %get3A_426 = vector.shape_cast %get3A_425 : vector<1x1x16xf32> to vector<16xf32>
      %get3A_427 = arith.constant 2 : i32
      %get3A_428 = arith.constant 14 : i32
      %get3A_429 = arith.index_cast %get3A_427 : i32 to index
      %get3A_430 = arith.index_cast %get3A_428 : i32 to index
      %get3A_431 = arith.constant 0 : index
      %get3A_432 = tpu.vector_load %arg9[%get3A_429, %get3A_430, %get3A_431] {strides = array<i32>} : memref<4x16x16xf32, #tpu.memory_space<vmem>>, vector<1x1x16xf32>,
      %get3A_433 = vector.shape_cast %get3A_432 : vector<1x1x16xf32> to vector<16xf32>
      %get3A_434 = arith.constant 3 : i32
      %get3A_435 = arith.constant 14 : i32
      %get3A_436 = arith.index_cast %get3A_434 : i32 to index
      %get3A_437 = arith.index_cast %get3A_435 : i32 to index
      %get3A_438 = arith.constant 0 : index
      %get3A_439 = tpu.vector_load %arg9[%get3A_436, %get3A_437, %get3A_438] {strides = array<i32>} : memref<4x16x16xf32, #tpu.memory_space<vmem>>, vector<1x1x16xf32>,
      %get3A_440 = vector.shape_cast %get3A_439 : vector<1x1x16xf32> to vector<16xf32>
      %get3A_441 = arith.constant 0 : i32
      %get3A_442 = arith.constant 15 : i32
      %get3A_443 = arith.index_cast %get3A_441 : i32 to index
      %get3A_444 = arith.index_cast %get3A_442 : i32 to index
      %get3A_445 = arith.constant 0 : index
      %get3A_446 = tpu.vector_load %arg9[%get3A_443, %get3A_444, %get3A_445] {strides = array<i32>} : memref<4x16x16xf32, #tpu.memory_space<vmem>>, vector<1x1x16xf32>,
      %get3A_447 = vector.shape_cast %get3A_446 : vector<1x1x16xf32> to vector<16xf32>
      %get3A_448 = arith.constant 1 : i32
      %get3A_449 = arith.constant 15 : i32
      %get3A_450 = arith.index_cast %get3A_448 : i32 to index
      %get3A_451 = arith.index_cast %get3A_449 : i32 to index
      %get3A_452 = arith.constant 0 : index
      %get3A_453 = tpu.vector_load %arg9[%get3A_450, %get3A_451, %get3A_452] {strides = array<i32>} : memref<4x16x16xf32, #tpu.memory_space<vmem>>, vector<1x1x16xf32>,
      %get3A_454 = vector.shape_cast %get3A_453 : vector<1x1x16xf32> to vector<16xf32>
      %get3A_455 = arith.constant 2 : i32
      %get3A_456 = arith.constant 15 : i32
      %get3A_457 = arith.index_cast %get3A_455 : i32 to index
      %get3A_458 = arith.index_cast %get3A_456 : i32 to index
      %get3A_459 = arith.constant 0 : index
      %get3A_460 = tpu.vector_load %arg9[%get3A_457, %get3A_458, %get3A_459] {strides = array<i32>} : memref<4x16x16xf32, #tpu.memory_space<vmem>>, vector<1x1x16xf32>,
      %get3A_461 = vector.shape_cast %get3A_460 : vector<1x1x16xf32> to vector<16xf32>
      %get3A_462 = arith.constant 3 : i32
      %get3A_463 = arith.constant 15 : i32
      %get3A_464 = arith.index_cast %get3A_462 : i32 to index
      %get3A_465 = arith.index_cast %get3A_463 : i32 to index
      %get3A_466 = arith.constant 0 : index
      %get3A_467 = tpu.vector_load %arg9[%get3A_464, %get3A_465, %get3A_466] {strides = array<i32>} : memref<4x16x16xf32, #tpu.memory_space<vmem>>, vector<1x1x16xf32>,
      %get3A_468 = vector.shape_cast %get3A_467 : vector<1x1x16xf32> to vector<16xf32>
      %scan3A_469 = arith.constant 0 : i32
      %scan3A_470 = arith.constant 0 : i32
      %scan3A_471 = arith.constant 128 : i32
      %scan3A_472 = arith.addi %scan3A_470, %scan3A_471 : i32
      %scan3A_473 = arith.constant 1 : i32
      scf.for %scan3A_475 = %scan3A_470 to %scan3A_472 step %scan3A_473  : i32 {
        %mul3A_476 = arith.constant 16 : i32
        %mul3A_477 = arith.muli %scan3A_475, %mul3A_476 : i32
        %get3A_478 = arith.constant 0 : i32
        %get3A_479 = arith.index_cast %get3A_478 : i32 to index
        %get3A_480 = arith.index_cast %mul3A_477 : i32 to index
        %get3A_481 = tpu.vector_load %arg7[%get3A_479, %get3A_480] {strides = array<i32>} : memref<4x2048xf32, #tpu.memory_space<vmem>>, vector<1x16xf32>,
        %get3A_482 = vector.shape_cast %get3A_481 : vector<1x16xf32> to vector<16xf32>
        %mul3A_483 = arith.constant 16 : i32
        %mul3A_484 = arith.muli %scan3A_475, %mul3A_483 : i32
        %get3A_485 = arith.constant 1 : i32
        %get3A_486 = arith.index_cast %get3A_485 : i32 to index
        %get3A_487 = arith.index_cast %mul3A_484 : i32 to index
        %get3A_488 = tpu.vector_load %arg7[%get3A_486, %get3A_487] {strides = array<i32>} : memref<4x2048xf32, #tpu.memory_space<vmem>>, vector<1x16xf32>,
        %get3A_489 = vector.shape_cast %get3A_488 : vector<1x16xf32> to vector<16xf32>
        %mul3A_490 = arith.constant 16 : i32
        %mul3A_491 = arith.muli %scan3A_475, %mul3A_490 : i32
        %get3A_492 = arith.constant 2 : i32
        %get3A_493 = arith.index_cast %get3A_492 : i32 to index
        %get3A_494 = arith.index_cast %mul3A_491 : i32 to index
        %get3A_495 = tpu.vector_load %arg7[%get3A_493, %get3A_494] {strides = array<i32>} : memref<4x2048xf32, #tpu.memory_space<vmem>>, vector<1x16xf32>,
        %get3A_496 = vector.shape_cast %get3A_495 : vector<1x16xf32> to vector<16xf32>
        %mul3A_497 = arith.constant 16 : i32
        %mul3A_498 = arith.muli %scan3A_475, %mul3A_497 : i32
        %get3A_499 = arith.constant 3 : i32
        %get3A_500 = arith.index_cast %get3A_499 : i32 to index
        %get3A_501 = arith.index_cast %mul3A_498 : i32 to index
        %get3A_502 = tpu.vector_load %arg7[%get3A_500, %get3A_501] {strides = array<i32>} : memref<4x2048xf32, #tpu.memory_space<vmem>>, vector<1x16xf32>,
        %get3A_503 = vector.shape_cast %get3A_502 : vector<1x16xf32> to vector<16xf32>
        %mul3A_504 = arith.constant 16 : i32
        %mul3A_505 = arith.muli %scan3A_475, %mul3A_504 : i32
        %get3A_506 = arith.constant 8 : i32
        %get3A_507 = arith.index_cast %get3A_506 : i32 to index
        %get3A_508 = arith.index_cast %mul3A_505 : i32 to index
        %get3A_509 = tpu.vector_load %arg6[%get3A_507, %get3A_508] {strides = array<i32>} : memref<16x2048xf32, #tpu.memory_space<vmem>>, vector<1x16xf32>,
        %get3A_510 = vector.shape_cast %get3A_509 : vector<1x16xf32> to vector<16xf32>
        %mul3A_511 = arith.mulf %get3A_482, %get3A_251 : vector<16xf32>
        %add3A_512 = arith.addf %get3A_510, %mul3A_511 : vector<16xf32>
        %mul3A_513 = arith.mulf %get3A_489, %get3A_258 : vector<16xf32>
        %add3A_514 = arith.addf %add3A_512, %mul3A_513 : vector<16xf32>
        %mul3A_515 = arith.mulf %get3A_496, %get3A_265 : vector<16xf32>
        %add3A_516 = arith.addf %add3A_514, %mul3A_515 : vector<16xf32>
        %mul3A_517 = arith.mulf %get3A_503, %get3A_272 : vector<16xf32>
        %add3A_518 = arith.addf %add3A_516, %mul3A_517 : vector<16xf32>
        %mul3A_519 = arith.constant 16 : i32
        %mul3A_520 = arith.muli %scan3A_475, %mul3A_519 : i32
        %swap3A = arith.constant 8 : i32
        %swap3A_521 = arith.index_cast %swap3A : i32 to index
        %swap3A_522 = arith.index_cast %mul3A_520 : i32 to index
        %swap3A_523 = tpu.vector_load %arg8[%swap3A_521, %swap3A_522] {strides = array<i32>} : memref<16x2048xf32, #tpu.memory_space<vmem>>, vector<1x16xf32>,
        %swap3A_524 = vector.shape_cast %swap3A_523 : vector<1x16xf32> to vector<16xf32>
        %swap3A_525 = vector.shape_cast %add3A_518 : vector<16xf32> to vector<1x16xf32>
        tpu.vector_store %arg8[%swap3A_521, %swap3A_522], %swap3A_525 {strides = array<i32>} : memref<16x2048xf32, #tpu.memory_space<vmem>>, vector<1x16xf32>,
        %mul3A_526 = arith.constant 16 : i32
        %mul3A_527 = arith.muli %scan3A_475, %mul3A_526 : i32
        %get3A_528 = arith.constant 9 : i32
        %get3A_529 = arith.index_cast %get3A_528 : i32 to index
        %get3A_530 = arith.index_cast %mul3A_527 : i32 to index
        %get3A_531 = tpu.vector_load %arg6[%get3A_529, %get3A_530] {strides = array<i32>} : memref<16x2048xf32, #tpu.memory_space<vmem>>, vector<1x16xf32>,
        %get3A_532 = vector.shape_cast %get3A_531 : vector<1x16xf32> to vector<16xf32>
        %mul3A_533 = arith.mulf %get3A_482, %get3A_279 : vector<16xf32>
        %add3A_534 = arith.addf %get3A_532, %mul3A_533 : vector<16xf32>
        %mul3A_535 = arith.mulf %get3A_489, %get3A_286 : vector<16xf32>
        %add3A_536 = arith.addf %add3A_534, %mul3A_535 : vector<16xf32>
        %mul3A_537 = arith.mulf %get3A_496, %get3A_293 : vector<16xf32>
        %add3A_538 = arith.addf %add3A_536, %mul3A_537 : vector<16xf32>
        %mul3A_539 = arith.mulf %get3A_503, %get3A_300 : vector<16xf32>
        %add3A_540 = arith.addf %add3A_538, %mul3A_539 : vector<16xf32>
        %mul3A_541 = arith.constant 16 : i32
        %mul3A_542 = arith.muli %scan3A_475, %mul3A_541 : i32
        %swap3A_543 = arith.constant 9 : i32
        %swap3A_544 = arith.index_cast %swap3A_543 : i32 to index
        %swap3A_545 = arith.index_cast %mul3A_542 : i32 to index
        %swap3A_546 = tpu.vector_load %arg8[%swap3A_544, %swap3A_545] {strides = array<i32>} : memref<16x2048xf32, #tpu.memory_space<vmem>>, vector<1x16xf32>,
        %swap3A_547 = vector.shape_cast %swap3A_546 : vector<1x16xf32> to vector<16xf32>
        %swap3A_548 = vector.shape_cast %add3A_540 : vector<16xf32> to vector<1x16xf32>
        tpu.vector_store %arg8[%swap3A_544, %swap3A_545], %swap3A_548 {strides = array<i32>} : memref<16x2048xf32, #tpu.memory_space<vmem>>, vector<1x16xf32>,
        %mul3A_549 = arith.constant 16 : i32
        %mul3A_550 = arith.muli %scan3A_475, %mul3A_549 : i32
        %get3A_551 = arith.constant 10 : i32
        %get3A_552 = arith.index_cast %get3A_551 : i32 to index
        %get3A_553 = arith.index_cast %mul3A_550 : i32 to index
        %get3A_554 = tpu.vector_load %arg6[%get3A_552, %get3A_553] {strides = array<i32>} : memref<16x2048xf32, #tpu.memory_space<vmem>>, vector<1x16xf32>,
        %get3A_555 = vector.shape_cast %get3A_554 : vector<1x16xf32> to vector<16xf32>
        %mul3A_556 = arith.mulf %get3A_482, %get3A_307 : vector<16xf32>
        %add3A_557 = arith.addf %get3A_555, %mul3A_556 : vector<16xf32>
        %mul3A_558 = arith.mulf %get3A_489, %get3A_314 : vector<16xf32>
        %add3A_559 = arith.addf %add3A_557, %mul3A_558 : vector<16xf32>
        %mul3A_560 = arith.mulf %get3A_496, %get3A_321 : vector<16xf32>
        %add3A_561 = arith.addf %add3A_559, %mul3A_560 : vector<16xf32>
        %mul3A_562 = arith.mulf %get3A_503, %get3A_328 : vector<16xf32>
        %add3A_563 = arith.addf %add3A_561, %mul3A_562 : vector<16xf32>
        %mul3A_564 = arith.constant 16 : i32
        %mul3A_565 = arith.muli %scan3A_475, %mul3A_564 : i32
        %swap3A_566 = arith.constant 10 : i32
        %swap3A_567 = arith.index_cast %swap3A_566 : i32 to index
        %swap3A_568 = arith.index_cast %mul3A_565 : i32 to index
        %swap3A_569 = tpu.vector_load %arg8[%swap3A_567, %swap3A_568] {strides = array<i32>} : memref<16x2048xf32, #tpu.memory_space<vmem>>, vector<1x16xf32>,
        %swap3A_570 = vector.shape_cast %swap3A_569 : vector<1x16xf32> to vector<16xf32>
        %swap3A_571 = vector.shape_cast %add3A_563 : vector<16xf32> to vector<1x16xf32>
        tpu.vector_store %arg8[%swap3A_567, %swap3A_568], %swap3A_571 {strides = array<i32>} : memref<16x2048xf32, #tpu.memory_space<vmem>>, vector<1x16xf32>,
        %mul3A_572 = arith.constant 16 : i32
        %mul3A_573 = arith.muli %scan3A_475, %mul3A_572 : i32
        %get3A_574 = arith.constant 11 : i32
        %get3A_575 = arith.index_cast %get3A_574 : i32 to index
        %get3A_576 = arith.index_cast %mul3A_573 : i32 to index
        %get3A_577 = tpu.vector_load %arg6[%get3A_575, %get3A_576] {strides = array<i32>} : memref<16x2048xf32, #tpu.memory_space<vmem>>, vector<1x16xf32>,
        %get3A_578 = vector.shape_cast %get3A_577 : vector<1x16xf32> to vector<16xf32>
        %mul3A_579 = arith.mulf %get3A_482, %get3A_335 : vector<16xf32>
        %add3A_580 = arith.addf %get3A_578, %mul3A_579 : vector<16xf32>
        %mul3A_581 = arith.mulf %get3A_489, %get3A_342 : vector<16xf32>
        %add3A_582 = arith.addf %add3A_580, %mul3A_581 : vector<16xf32>
        %mul3A_583 = arith.mulf %get3A_496, %get3A_349 : vector<16xf32>
        %add3A_584 = arith.addf %add3A_582, %mul3A_583 : vector<16xf32>
        %mul3A_585 = arith.mulf %get3A_503, %get3A_356 : vector<16xf32>
        %add3A_586 = arith.addf %add3A_584, %mul3A_585 : vector<16xf32>
        %mul3A_587 = arith.constant 16 : i32
        %mul3A_588 = arith.muli %scan3A_475, %mul3A_587 : i32
        %swap3A_589 = arith.constant 11 : i32
        %swap3A_590 = arith.index_cast %swap3A_589 : i32 to index
        %swap3A_591 = arith.index_cast %mul3A_588 : i32 to index
        %swap3A_592 = tpu.vector_load %arg8[%swap3A_590, %swap3A_591] {strides = array<i32>} : memref<16x2048xf32, #tpu.memory_space<vmem>>, vector<1x16xf32>,
        %swap3A_593 = vector.shape_cast %swap3A_592 : vector<1x16xf32> to vector<16xf32>
        %swap3A_594 = vector.shape_cast %add3A_586 : vector<16xf32> to vector<1x16xf32>
        tpu.vector_store %arg8[%swap3A_590, %swap3A_591], %swap3A_594 {strides = array<i32>} : memref<16x2048xf32, #tpu.memory_space<vmem>>, vector<1x16xf32>,
        %mul3A_595 = arith.constant 16 : i32
        %mul3A_596 = arith.muli %scan3A_475, %mul3A_595 : i32
        %get3A_597 = arith.constant 12 : i32
        %get3A_598 = arith.index_cast %get3A_597 : i32 to index
        %get3A_599 = arith.index_cast %mul3A_596 : i32 to index
        %get3A_600 = tpu.vector_load %arg6[%get3A_598, %get3A_599] {strides = array<i32>} : memref<16x2048xf32, #tpu.memory_space<vmem>>, vector<1x16xf32>,
        %get3A_601 = vector.shape_cast %get3A_600 : vector<1x16xf32> to vector<16xf32>
        %mul3A_602 = arith.mulf %get3A_482, %get3A_363 : vector<16xf32>
        %add3A_603 = arith.addf %get3A_601, %mul3A_602 : vector<16xf32>
        %mul3A_604 = arith.mulf %get3A_489, %get3A_370 : vector<16xf32>
        %add3A_605 = arith.addf %add3A_603, %mul3A_604 : vector<16xf32>
        %mul3A_606 = arith.mulf %get3A_496, %get3A_377 : vector<16xf32>
        %add3A_607 = arith.addf %add3A_605, %mul3A_606 : vector<16xf32>
        %mul3A_608 = arith.mulf %get3A_503, %get3A_384 : vector<16xf32>
        %add3A_609 = arith.addf %add3A_607, %mul3A_608 : vector<16xf32>
        %mul3A_610 = arith.constant 16 : i32
        %mul3A_611 = arith.muli %scan3A_475, %mul3A_610 : i32
        %swap3A_612 = arith.constant 12 : i32
        %swap3A_613 = arith.index_cast %swap3A_612 : i32 to index
        %swap3A_614 = arith.index_cast %mul3A_611 : i32 to index
        %swap3A_615 = tpu.vector_load %arg8[%swap3A_613, %swap3A_614] {strides = array<i32>} : memref<16x2048xf32, #tpu.memory_space<vmem>>, vector<1x16xf32>,
        %swap3A_616 = vector.shape_cast %swap3A_615 : vector<1x16xf32> to vector<16xf32>
        %swap3A_617 = vector.shape_cast %add3A_609 : vector<16xf32> to vector<1x16xf32>
        tpu.vector_store %arg8[%swap3A_613, %swap3A_614], %swap3A_617 {strides = array<i32>} : memref<16x2048xf32, #tpu.memory_space<vmem>>, vector<1x16xf32>,
        %mul3A_618 = arith.constant 16 : i32
        %mul3A_619 = arith.muli %scan3A_475, %mul3A_618 : i32
        %get3A_620 = arith.constant 13 : i32
        %get3A_621 = arith.index_cast %get3A_620 : i32 to index
        %get3A_622 = arith.index_cast %mul3A_619 : i32 to index
        %get3A_623 = tpu.vector_load %arg6[%get3A_621, %get3A_622] {strides = array<i32>} : memref<16x2048xf32, #tpu.memory_space<vmem>>, vector<1x16xf32>,
        %get3A_624 = vector.shape_cast %get3A_623 : vector<1x16xf32> to vector<16xf32>
        %mul3A_625 = arith.mulf %get3A_482, %get3A_391 : vector<16xf32>
        %add3A_626 = arith.addf %get3A_624, %mul3A_625 : vector<16xf32>
        %mul3A_627 = arith.mulf %get3A_489, %get3A_398 : vector<16xf32>
        %add3A_628 = arith.addf %add3A_626, %mul3A_627 : vector<16xf32>
        %mul3A_629 = arith.mulf %get3A_496, %get3A_405 : vector<16xf32>
        %add3A_630 = arith.addf %add3A_628, %mul3A_629 : vector<16xf32>
        %mul3A_631 = arith.mulf %get3A_503, %get3A_412 : vector<16xf32>
        %add3A_632 = arith.addf %add3A_630, %mul3A_631 : vector<16xf32>
        %mul3A_633 = arith.constant 16 : i32
        %mul3A_634 = arith.muli %scan3A_475, %mul3A_633 : i32
        %swap3A_635 = arith.constant 13 : i32
        %swap3A_636 = arith.index_cast %swap3A_635 : i32 to index
        %swap3A_637 = arith.index_cast %mul3A_634 : i32 to index
        %swap3A_638 = tpu.vector_load %arg8[%swap3A_636, %swap3A_637] {strides = array<i32>} : memref<16x2048xf32, #tpu.memory_space<vmem>>, vector<1x16xf32>,
        %swap3A_639 = vector.shape_cast %swap3A_638 : vector<1x16xf32> to vector<16xf32>
        %swap3A_640 = vector.shape_cast %add3A_632 : vector<16xf32> to vector<1x16xf32>
        tpu.vector_store %arg8[%swap3A_636, %swap3A_637], %swap3A_640 {strides = array<i32>} : memref<16x2048xf32, #tpu.memory_space<vmem>>, vector<1x16xf32>,
        %mul3A_641 = arith.constant 16 : i32
        %mul3A_642 = arith.muli %scan3A_475, %mul3A_641 : i32
        %get3A_643 = arith.constant 14 : i32
        %get3A_644 = arith.index_cast %get3A_643 : i32 to index
        %get3A_645 = arith.index_cast %mul3A_642 : i32 to index
        %get3A_646 = tpu.vector_load %arg6[%get3A_644, %get3A_645] {strides = array<i32>} : memref<16x2048xf32, #tpu.memory_space<vmem>>, vector<1x16xf32>,
        %get3A_647 = vector.shape_cast %get3A_646 : vector<1x16xf32> to vector<16xf32>
        %mul3A_648 = arith.mulf %get3A_482, %get3A_419 : vector<16xf32>
        %add3A_649 = arith.addf %get3A_647, %mul3A_648 : vector<16xf32>
        %mul3A_650 = arith.mulf %get3A_489, %get3A_426 : vector<16xf32>
        %add3A_651 = arith.addf %add3A_649, %mul3A_650 : vector<16xf32>
        %mul3A_652 = arith.mulf %get3A_496, %get3A_433 : vector<16xf32>
        %add3A_653 = arith.addf %add3A_651, %mul3A_652 : vector<16xf32>
        %mul3A_654 = arith.mulf %get3A_503, %get3A_440 : vector<16xf32>
        %add3A_655 = arith.addf %add3A_653, %mul3A_654 : vector<16xf32>
        %mul3A_656 = arith.constant 16 : i32
        %mul3A_657 = arith.muli %scan3A_475, %mul3A_656 : i32
        %swap3A_658 = arith.constant 14 : i32
        %swap3A_659 = arith.index_cast %swap3A_658 : i32 to index
        %swap3A_660 = arith.index_cast %mul3A_657 : i32 to index
        %swap3A_661 = tpu.vector_load %arg8[%swap3A_659, %swap3A_660] {strides = array<i32>} : memref<16x2048xf32, #tpu.memory_space<vmem>>, vector<1x16xf32>,
        %swap3A_662 = vector.shape_cast %swap3A_661 : vector<1x16xf32> to vector<16xf32>
        %swap3A_663 = vector.shape_cast %add3A_655 : vector<16xf32> to vector<1x16xf32>
        tpu.vector_store %arg8[%swap3A_659, %swap3A_660], %swap3A_663 {strides = array<i32>} : memref<16x2048xf32, #tpu.memory_space<vmem>>, vector<1x16xf32>,
        %mul3A_664 = arith.constant 16 : i32
        %mul3A_665 = arith.muli %scan3A_475, %mul3A_664 : i32
        %get3A_666 = arith.constant 15 : i32
        %get3A_667 = arith.index_cast %get3A_666 : i32 to index
        %get3A_668 = arith.index_cast %mul3A_665 : i32 to index
        %get3A_669 = tpu.vector_load %arg6[%get3A_667, %get3A_668] {strides = array<i32>} : memref<16x2048xf32, #tpu.memory_space<vmem>>, vector<1x16xf32>,
        %get3A_670 = vector.shape_cast %get3A_669 : vector<1x16xf32> to vector<16xf32>
        %mul3A_671 = arith.mulf %get3A_482, %get3A_447 : vector<16xf32>
        %add3A_672 = arith.addf %get3A_670, %mul3A_671 : vector<16xf32>
        %mul3A_673 = arith.mulf %get3A_489, %get3A_454 : vector<16xf32>
        %add3A_674 = arith.addf %add3A_672, %mul3A_673 : vector<16xf32>
        %mul3A_675 = arith.mulf %get3A_496, %get3A_461 : vector<16xf32>
        %add3A_676 = arith.addf %add3A_674, %mul3A_675 : vector<16xf32>
        %mul3A_677 = arith.mulf %get3A_503, %get3A_468 : vector<16xf32>
        %add3A_678 = arith.addf %add3A_676, %mul3A_677 : vector<16xf32>
        %mul3A_679 = arith.constant 16 : i32
        %mul3A_680 = arith.muli %scan3A_475, %mul3A_679 : i32
        %swap3A_681 = arith.constant 15 : i32
        %swap3A_682 = arith.index_cast %swap3A_681 : i32 to index
        %swap3A_683 = arith.index_cast %mul3A_680 : i32 to index
        %swap3A_684 = tpu.vector_load %arg8[%swap3A_682, %swap3A_683] {strides = array<i32>} : memref<16x2048xf32, #tpu.memory_space<vmem>>, vector<1x16xf32>,
        %swap3A_685 = vector.shape_cast %swap3A_684 : vector<1x16xf32> to vector<16xf32>
        %swap3A_686 = vector.shape_cast %add3A_678 : vector<16xf32> to vector<1x16xf32>
        tpu.vector_store %arg8[%swap3A_682, %swap3A_683], %swap3A_686 {strides = array<i32>} : memref<16x2048xf32, #tpu.memory_space<vmem>>, vector<1x16xf32>,
      }
      %scan3A_474 = arith.constant 128 : i32
      "tpu.region"() ({
        %run_scoped3A = tpu.sem_alloc : memref<!tpu.dma_semaphore, #tpu.memory_space<semaphore_mem>>
        %dma_start3A = arith.constant 0 : i32
        %dma_start3A_475 = arith.constant 2048 : i32
        %dma_start3A_476 = tpu.memref_slice %arg5[%add3A_15, %dma_start3A, %dma_start3A_475] : memref<1024x16x4096xf32, #tpu.memory_space<hbm>> -> memref<1x16x2048xf32, #tpu.memory_space<hbm>>
        %dma_start3A_477 = tpu.memref_squeeze %dma_start3A_476 : memref<1x16x2048xf32, #tpu.memory_space<hbm>> -> memref<16x2048xf32, #tpu.memory_space<hbm>>
        %dma_start3A_478 = arith.constant 0 : i32
        %dma_start3A_479 = arith.constant 2048 : i32
        %dma_start3A_480 = tpu.memref_slice %arg5[%add3A_15, %dma_start3A_478, %dma_start3A_479] : memref<1024x16x4096xf32, #tpu.memory_space<hbm>> -> memref<1x16x2048xf32, #tpu.memory_space<hbm>>
        %dma_start3A_481 = tpu.memref_squeeze %dma_start3A_480 : memref<1x16x2048xf32, #tpu.memory_space<hbm>> -> memref<16x2048xf32, #tpu.memory_space<hbm>>
        tpu.enqueue_dma source(%arg8 : memref<16x2048xf32, #tpu.memory_space<vmem>>) target(%dma_start3A_481 : memref<16x2048xf32, #tpu.memory_space<hbm>>) target_semaphore(%run_scoped3A : memref<!tpu.dma_semaphore, #tpu.memory_space<semaphore_mem>>)
        %dma_wait3A = arith.constant 0 : i32
        %dma_wait3A_482 = arith.constant 2048 : i32
        %dma_wait3A_483 = tpu.memref_slice %arg5[%add3A_15, %dma_wait3A, %dma_wait3A_482] : memref<1024x16x4096xf32, #tpu.memory_space<hbm>> -> memref<1x16x2048xf32, #tpu.memory_space<hbm>>
        %dma_wait3A_484 = tpu.memref_squeeze %dma_wait3A_483 : memref<1x16x2048xf32, #tpu.memory_space<hbm>> -> memref<16x2048xf32, #tpu.memory_space<hbm>>
        %dma_wait3A_485 = arith.constant 0 : i32
        %dma_wait3A_486 = arith.constant 2048 : i32
        %dma_wait3A_487 = tpu.memref_slice %arg5[%add3A_15, %dma_wait3A_485, %dma_wait3A_486] : memref<1024x16x4096xf32, #tpu.memory_space<hbm>> -> memref<1x16x2048xf32, #tpu.memory_space<hbm>>
        %dma_wait3A_488 = tpu.memref_squeeze %dma_wait3A_487 : memref<1x16x2048xf32, #tpu.memory_space<hbm>> -> memref<16x2048xf32, #tpu.memory_space<hbm>>
        tpu.wait_dma2 semaphore(%run_scoped3A : memref<!tpu.dma_semaphore, #tpu.memory_space<semaphore_mem>>) src(%arg8 : memref<16x2048xf32, #tpu.memory_space<vmem>>) dst(%dma_wait3A_488 : memref<16x2048xf32, #tpu.memory_space<hbm>>)
        tpu.yield
      }) : () -> ()
    }
    %scan3A_11 = arith.constant 32 : i32
    return
  }
}

</mosaic_0001>

<sc_bundles>
// kernel: kernel.3.cloned.1.call-start
scs
__scs_entry_jumppad:
0x0: {  	(pc) =	sbr.rel $0x88, $3  }
0x1: {  	(tag) =	ssettag $0x0;
	lr =	simm.s32 $0x1  }
0x2: {  	[smem:$0x3F9E] =	sst lr;
	_ =	strace $0xD0000000  }
0x3: {  	_ = 	snop  }
0x4: {  	_ = 	snop  }
0x5: {  	_ = 	snop  }
0x6: {  	_ = 	snop  }
0x7: {  	_ = 	snop  }
__scs_overlays_trampoline_lowered:
0x8: {  	[smem:$0x3FAD] =	sst s0  }
0x9: {  	[smem:$0x3FAE] =	sst s1  }
0xa: {  	[smem:$0x3FAF] =	sst s2  }
0xb: {  	[smem:$0x3FB0] =	sst s3  }
0xc: {  	[smem:$0x3FB1] =	sst s4  }
0xd: {  	[smem:$0x3FB2] =	sst s5  }
0xe: {  	[smem:$0x3FB3] =	sst s6  }
0xf: {  	[smem:$0x3FB4] =	sst s7  }
0x10: {  	[smem:$0x3FB5] =	sst s8  }
0x11: {  	[smem:$0x3FB6] =	sst s9;
	s0 =	simm.s32 @!p0 $0x0  }
0x12: {  	s1 =	sld [smem:$0x3F9C];
	s0 =	simm.s32 @p0 $0x1  }
0x13: {  	[smem:$0x3FB7] =	sst s0;
	s0 =	simm.s32 @!p1 $0x0  }
0x14: {  	s2 =	sld [smem:$0x3F9B];
	s0 =	simm.s32 @p1 $0x1  }
0x15: {  	[smem:$0x3FB8] =	sst s0;
	s0 =	simm.s32 @!p2 $0x0  }
0x16: {  	s3 =	sld [smem:$0x3FDB];
	s0 =	simm.s32 @p2 $0x1  }
0x17: {  	s4 =	simm.s32 $0x1BF5;
	[smem:$0x3FBA] =	sst s0  }
0x18: {  	s0 =	sld [smem:$0x3F9D];
	_ =	swait.ge [sflag:s4], $0x0  }
0x19: {  	s7 =	sld [smem:$0x3F9E]  }
0x1a: {  	s8 =	sadd.s32 $0xFFFFE003, lr  }
0x1b: {  	s9 =	sadd.s32 $0xFFFFFEF7, lr;
	s5 =	simm.s32 $0xFFFFFFFF;
	p2 =	slt.u32 s8, $0xFFFFF086  }
0x1c: {  	p1 =	slt.u32 s9, $0xF7A;
	s5 =	simm.s32 @!p2 $0x0  }
0x1d: {  	s5 =	simm.s32 @p1 $0x1;
	p0 =	seq.s32 s7, s2  }
0x1e: {  	s7 =	smul.u32 @!p0 $0xF7A, s2;
	p2 =	seq.s32 @!p0 s5, $0x0  }
0x1f: {  	s9 =	smul.u32 $0xF7A, s1;
	s8 =	simm.s32 @!p0 $0x1BF5;
	p2 =	por !p2, p0  }
0x20: {  	[sflag:s8] =	ssyncset.s32 @!p0 $0xFFFFF086;
	s6 =	sadd.s32 @!p0 s3, s7;
	s7 =	simm.s32 @!p0 $0x108  }
0x21: {  	s3 =	sadd.s32 s3, s9;
	s6 =	sadd.s32 @!p0 $0x88, s6;
	s7 =	simm.s32 @p2 $0x1082  }
0x22: {  	[simem:s7], [sflag:s8] =	dma.local @!p0 [hbm:s6], $0xF7A  }
0x23: {  	s9 =	sor.u32 $0xD0000000, s2;
	s6 =	simm.s32 $0x108;
	_ =	swait.ge @!p0 [sflag:s8], $0x0  }
0x24: {  	s3 =	sadd.s32 $0x88, s3;
	s6 =	simm.s32 @!p1 $0x1082;
	[sflag:s4] =	ssyncset.s32 $0xFFFFF086  }
0x25: {  	[simem:s6], [sflag:s4] =	dma.local [hbm:s3], $0xF7A  }
0x26: {  	[smem:$0x3F9E] =	sst s1;
	(tag) =	ssettag s2;
	_ =	strace s9  }
0x27: {  	s1 =	sld [smem:$0x3FAE]  }
0x28: {  	s2 =	sld [smem:$0x3FAF]  }
0x29: {  	s4 =	sld [smem:$0x3FB1]  }
0x2a: {  	p0 =	seq.s32 s5, $0x0;
	s5 =	sld [smem:$0x3FB2]  }
0x2b: {  	s6 =	sld [smem:$0x3FB3]  }
0x2c: {  	s7 =	sld [smem:$0x3FB4]  }
0x2d: {  	s3 =	simm.s32 $0x108;
	s8 =	sld [smem:$0x3FB5]  }
0x2e: {  	s3 =	simm.s32 @!p0 $0x1082;
	s9 =	sld [smem:$0x3FB6]  }
0x2f: {  	lr =	sadd.s32 s0, s3;
	s0 =	sld [smem:$0x3FAD]  }
0x30: {  	s3 =	sld [smem:$0x3FB0]  }
0x31: {  	[smem:$0x3FB9] =	sst s10  }
0x32: {  	s10 =	sld [smem:$0x3FB7];
	_ =	sdelay $0x3  }
0x33: {  	p0 =	seq.s32 s10, $0x1;
	s10 =	sld [smem:$0x3FB9];
	_ =	sdelay $0x3  }
0x34: {  	[smem:$0x3FB9] =	sst s10  }
0x35: {  	s10 =	sld [smem:$0x3FB8];
	_ =	sdelay $0x3  }
0x36: {  	p1 =	seq.s32 s10, $0x1;
	s10 =	sld [smem:$0x3FB9];
	_ =	sdelay $0x3  }
0x37: {  	[smem:$0x3FB9] =	sst s10  }
0x38: {  	s10 =	sld [smem:$0x3FBA]  }
0x39: {  	_ = 	snop;
	(pc) =	sbr.ind lr, $3  }
0x3a: {  	_ = 	snop  }
0x3b: {  	_ = 	snop  }
0x3c: {  	p2 =	seq.s32 s10, $0x1;
	s10 =	sld [smem:$0x3FB9]  }
0x3d: {  	_ =	shalt  }
0x3e: {  	_ =	shalt  }
0x3f: {  	_ =	shalt  }
0x40: {  	_ =	shalt  }
0x41: {  	_ =	shalt  }
0x42: {  	_ =	shalt  }
0x43: {  	_ =	shalt  }
0x44: {  	_ =	shalt  }
0x45: {  	_ =	shalt  }
0x46: {  	_ =	shalt  }
0x47: {  	_ =	shalt  }
0x48: {  	_ =	shalt  }
0x49: {  	_ =	shalt  }
0x4a: {  	_ =	shalt  }
0x4b: {  	_ =	shalt  }
0x4c: {  	_ =	shalt  }
0x4d: {  	_ =	shalt  }
0x4e: {  	_ =	shalt  }
0x4f: {  	_ =	shalt  }
0x50: {  	_ =	shalt  }
0x51: {  	_ =	shalt  }
0x52: {  	_ =	shalt  }
0x53: {  	_ =	shalt  }
0x54: {  	_ =	shalt  }
0x55: {  	_ =	shalt  }
0x56: {  	_ =	shalt  }
0x57: {  	_ =	shalt  }
0x58: {  	_ =	shalt  }
0x59: {  	_ =	shalt  }
0x5a: {  	_ =	shalt  }
0x5b: {  	_ =	shalt  }
0x5c: {  	_ =	shalt  }
0x5d: {  	_ =	shalt  }
0x5e: {  	_ =	shalt  }
0x5f: {  	_ =	shalt  }
0x60: {  	_ =	shalt  }
0x61: {  	_ =	shalt  }
0x62: {  	_ =	shalt  }
0x63: {  	_ =	shalt  }
0x64: {  	_ =	shalt  }
0x65: {  	_ =	shalt  }
0x66: {  	_ =	shalt  }
0x67: {  	_ =	shalt  }
0x68: {  	_ =	shalt  }
0x69: {  	_ =	shalt  }
0x6a: {  	_ =	shalt  }
0x6b: {  	_ =	shalt  }
0x6c: {  	_ =	shalt  }
0x6d: {  	_ =	shalt  }
0x6e: {  	_ =	shalt  }
0x6f: {  	_ =	shalt  }
0x70: {  	_ =	shalt  }
0x71: {  	_ =	shalt  }
0x72: {  	_ =	shalt  }
0x73: {  	_ =	shalt  }
0x74: {  	_ =	shalt  }
0x75: {  	_ =	shalt  }
0x76: {  	_ =	shalt  }
0x77: {  	_ =	shalt  }
0x78: {  	_ =	shalt  }
0x79: {  	_ =	shalt  }
0x7a: {  	_ =	shalt  }
0x7b: {  	_ =	shalt  }
0x7c: {  	_ =	shalt  }
0x7d: {  	_ =	shalt  }
0x7e: {  	_ =	shalt  }
0x7f: {  	_ =	shalt  }
0x80: {  	_ =	shalt  }
0x81: {  	_ =	shalt  }
0x82: {  	_ =	shalt  }
0x83: {  	_ =	shalt  }
0x84: {  	_ =	shalt  }
0x85: {  	_ =	shalt  }
0x86: {  	_ =	shalt  }
0x87: {  	_ =	shalt  }
.Lfunc_end0:
.L_simem_size_0:
called_computation_lowered:
.L_overlay_start_0:
0x88: {  	s2 =	sld [smem:$0x3FD9]  }
0x89: {  	s3 =	sld [smem:$0x3FFE];
	_ =	sdelay $0x1  }
0x8a: {  	s1 =	srdreg.scid  }
0x8b: {  	s0 =	sand.u32 $0x1, s1  }
0x8c: {  	s17 =	sshll.u32 s0, $0xA;
	s2 =	sadd.s32 s3, s2  }
0x8d: {  	s2 =	sadd.s32 s2, s17  }
0x8e: {  	[smem:$0x3FC5] =	sst s2  }
0x8f: {  	_ = 	snop  }
0x90: {  	s2 =	sld [smem:$0x3FC9]  }
0x91: {  	s18 =	sld [smem:$0x3FC7]  }
0x92: {  	s4 =	sld [smem:$0x3FD0];
	(tm) =	ssettm $0x1  }
0x93: {  	s5 =	sld [smem:$0x3FFB];
	_ =	sdelay $0x3  }
0x94: {  	_ =	strace s5  }
0x95: {  	s5 =	sld [smem:$0x3FFC];
	_ =	sdelay $0x3  }
0x96: {  	_ =	strace s5  }
0x97: {  	s5 =	sld [smem:$0x3FFD];
	_ =	sdelay $0x3  }
0x98: {  	_ =	strace s5  }
0x99: {  	_ =	strace $0x8FFFFFFF  }
0x9a: {  	s19 =	sld [smem:$0x3FDB];
	_ =	sdelay $0x1  }
0x9b: {  	s6 =	simm.s32 $_scs_section_size  }
0x9c: {  	s7 =	simm.s32 $_size__tile_overlayer_lowered;
	s8 =	simm.s32 $_tile_overlayer_lowered  }
0x9d: {  	s22 =	simm.s32 $0x1BFF;
	s21 =	sshll.u32 s8, $0x1;
	s5 =	sadd.s32 s6, s19  }
0x9e: {  	s9 =	simm.s32 $0x0;
	s20 =	sshll.u32 s7, $0x1;
	s7 =	sadd.s32 s21, s5  }
0x9f: {  	[timem:s9], [sflag:s22] =	dma.local [hbm:s7], s20  }
0xa0: {  	_ =	swait.ge [sflag:s22], s20  }
0xa1: {  	s6 =	ssub.s32 $0x0, s20;
	[sflag:s22] =	ssyncset.done $0x0  }
0xa2: {  	[sflag:s22] =	ssyncadd.s32 s6;
	_ =	sdelay $0x1  }
0xa3: {  	s23 =	simm.s32 $0x1B8B  }
0xa4: {  	_ =	swait.ge [sflag:s23], $0x1  }
0xa5: {  	[sflag:s23] =	ssyncset.done $0x0  }
0xa6: {  	s25 =	simm.s32 $0x1B8E;
	s24 =	sld [smem:$0x3FFE];
	[sflag:s23] =	ssyncadd.s32 $0xFFFFFFFF  }
0xa7: {  	s26 =	simm.s32 $execute0_lowered;
	[smem:$0x3FD2] =	sst s25  }
0xa8: {  	s7 =	sshll.u32 s26, $0x1;
	_ =	strace $0x80000046;
	[dreg:$0x1] =	wrdreg $0xFFFFFFFF  }
0xa9: {  	s28 =	simm.s32 $_size_execute0_lowered;
	s5 =	sadd.s32 s5, s7;
	[dreg:$0x0] =	wrdreg $0x0  }
0xaa: {  	s7 =	sshll.u32 s28, $0x1;
	[dreg:$0x2] =	wrdreg s5  }
0xab: {  	[dreg:$0x3] =	wrdreg s7  }
0xac: {  	[dreg:$0x4] =	wrdreg $0xC0  }
0xad: {  	_ =	task [dreg:s9], $0x5FFFF  }
0xae: {  	[dreg:$0x1] =	wrdreg $0xFFFFFFFF  }
0xaf: {  	[dreg:$0x0] =	wrdreg $0x60  }
0xb0: {  	[dreg:$0x2] =	wrdreg s2  }
0xb1: {  	[dreg:$0x3] =	wrdreg s24  }
0xb2: {  	[dreg:$0x4] =	wrdreg s18  }
0xb3: {  	[dreg:$0x5] =	wrdreg s4  }
0xb4: {  	[dreg:$0x6] =	wrdreg $0x9  }
0xb5: {  	_ =	task.clear_ibuf [dreg:s9], $0x7FFFF;
	_ =	strace $0x90000046  }
0xb6: {  	s29 =	simm.s32 $0x9;
	_ =	strace $0x80000048  }
0xb7: {  	_ =	swait.ge [sflag:s29], $0x1  }
0xb8: {  	[sflag:s29] =	ssyncadd.s32 $0xFFFFFFFF  }
0xb9: {  	_ =	strace $0x90000048  }
0xba: {  	_ =	sfence  }
0xbb: {  	s30 =	sld [smem:$0x0];
	_ =	sdelay $0x2  }
0xbc: {  	s31 =	sshll.u32 s1, $0xD;
	s1 =	sshrl.u32 s1, $0x2  }
0xbd: {  	s3 =	sand.u32 $0x4000, s31;
	s1 =	sadd.s32 s1, s30  }
0xbe: {  	s0 =	sor.u32 s3, s0;
	s1 =	sshll.u32 s1, $0x11  }
0xbf: {  	s0 =	sor.u32 s1, s0  }
0xc0: {  	s0 =	sadd.s32 $0x8F2B, s0  }
0xc1: {  	[sflag:s0] =	ssyncadd.remote.s32 $0x1  }
0xc2: {  	_ =	sfence.sel $0xFFFF  }
0xc3: {  	[dreg:$0x0] =	wrdreg $0xFFFFFFFF;
	(pc) =	sbr.abs _section_cstart, $3  }
0xc4: {  	[dreg:$0x1] =	wrdreg $0xFFFFFFFF  }
0xc5: {  	_ =	task.clear_ibuf [dreg:s9], $0x2FFFF;
	_ =	strace $0x9FFFFFFF  }
0xc6: {  	(tm) =	ssettm $0x7FFFFFFF  }
0xc7: {  	_ =	shalt  }
tec
execute0_lowered:
.L_overlay_start_1:
0x0: {  	(tag) =	ssettag $0x1  }
0x1: {  	s1 =	rddreg [dreg:$0x0]  }
0x2: {  	s5 =	rddreg [dreg:$0x1]  }
0x3: {  	s2 =	rddreg [dreg:$0x2]  }
0x4: {  	s3 =	rddreg [dreg:$0x3]  }
0x5: {  	s0 =	rddreg [dreg:$0x4];
	s4 =	simm.s32 $0x0;
	s6 =	srdreg.scid  }
0x6: {  	s12 =	simm.s32 $0x12000;
	s13 =	simm.s32 $0x1;
	s14 =	simm.s32 $0x4000  }
0x7: {  	s15 =	simm.s32 $0x8000;
	s16 =	simm.s32 $0xA000;
	s17 =	simm.s32 $0x0  }
0x8: {  	[smem:$0x7FF] =	sst s4;
	s7 =	sand.u32 $0x1, s6;
	s6 =	sadd.s32 $0x400, s5  }
0x9: {  	s5 =	stileid.u32;
	_ =	strace $0x80000047;
	s8 =	ssub.s32 $0x2, s7  }
0xa: {  	s10 =	sshll.u32 s5, $0x6;
	s7 =	sshll.u32 s7, $0x5;
	s9 =	sshrl.u32 s8, $0x1  }
0xb: {  	s7 =	sor.u32 s7, s10;
	s10 =	sadd.s32 $0x800, s3;
	s11 =	ssub.s32 s8, s9  }
0xc: {  	s8 =	sadd.s32 $0x800, s2;
	s9 =	sadd.s32 $0x400, s1;
	s11 =	smax.u32 s11, $0x1  }
.LBB2_1:
0xd: {  	[tilespmem:s12], [sflag:$0x1] =	stream.linear.gather [hbm4b:s6+s4], $0x2000, $0x38;
	[tilespmem:$0x14000] =	vst v63  }
0xe: {  	_ =	swait.ge [sflag:s13], $0x2000  }
0xf: {  	[sflag:s13] =	ssyncset.done $0x0  }
0x10: {  	[sflag:s13] =	ssyncadd.s32 $0xFFFFE000  }
0x11: {  	[tilespmem:s4], [sflag:$0x1] =	stream.strided.gather [hbm4b:s2+s14], $0x8000, s15, s14, $0x38;
	[tilespmem:$0x14000] =	vst v63  }
0x12: {  	_ =	swait.ge [sflag:s13], $0x8000  }
0x13: {  	[sflag:s13] =	ssyncset.done $0x0  }
0x14: {  	s18 =	simm.s32 $0x0;
	[sflag:s13] =	ssyncadd.s32 $0xFFFF8000  }
.LBB2_2:
0x15: {  	s19 =	sadd.s32 s7, s18  }
0x16: {  	s20 =	sshll.u32 s19, $0xB  }
0x17: {  	s21 =	simm.s32 $0x0;
	s20 =	sadd.s32 s1, s20  }
0x18: {  	[tilespmem:s15], [sflag:$0x1] =	stream.linear.gather [hbm4b:s20+s21], $0x2000, $0x38;
	[tilespmem:$0x14000] =	vst v63  }
0x19: {  	_ =	swait.ge [sflag:s13], $0x2000  }
0x1a: {  	[sflag:s13] =	ssyncset.done $0x0  }
0x1b: {  	[sflag:s13] =	ssyncadd.s32 $0xFFFFE000  }
0x1c: {  	v8 =	vld [tilespmem:$0x12000]  }
0x1d: {  	v5 =	vld [tilespmem:$0x12800]  }
0x1e: {  	v9 =	vld [tilespmem:$0x13000]  }
0x1f: {  	v0 =	vld [tilespmem:$0x13800]  }
0x20: {  	v10 =	vld [tilespmem:$0x12080]  }
0x21: {  	v11 =	vld [tilespmem:$0x12880]  }
0x22: {  	v7 =	vld [tilespmem:$0x13080]  }
0x23: {  	v4 =	vld [tilespmem:$0x13880]  }
0x24: {  	v12 =	vld [tilespmem:$0x12100]  }
0x25: {  	v13 =	vld [tilespmem:$0x12900]  }
0x26: {  	v14 =	vld [tilespmem:$0x13100]  }
0x27: {  	v1 =	vld [tilespmem:$0x13900]  }
0x28: {  	v15 =	vld [tilespmem:$0x12180]  }
0x29: {  	v16 =	vld [tilespmem:$0x12980]  }
0x2a: {  	v17 =	vld [tilespmem:$0x13180]  }
0x2b: {  	v3 =	vld [tilespmem:$0x13980]  }
0x2c: {  	v18 =	vld [tilespmem:$0x12200]  }
0x2d: {  	v19 =	vld [tilespmem:$0x12A00]  }
0x2e: {  	v20 =	vld [tilespmem:$0x13200]  }
0x2f: {  	v2 =	vld [tilespmem:$0x13A00]  }
0x30: {  	v22 =	vld [tilespmem:$0x12280]  }
0x31: {  	v23 =	vld [tilespmem:$0x12A80]  }
0x32: {  	v21 =	vld [tilespmem:$0x13280]  }
0x33: {  	v6 =	vld [tilespmem:$0x13A80]  }
0x34: {  	s30 =	simm.s32 $0x0;
	v25 =	vld [tilespmem:$0x12B00]  }
0x35: {  	s22 =	sand.u32 $0x70, s21;
	s20 =	sand.u32 $0x3FFFFE00, s30;
	v26 =	vld [tilespmem:$0x12380]  }
0x36: {  	s23 =	sor.u32 s22, s20;
	v27 =	vld [tilespmem:$0x12B80]  }
0x37: {  	s31 =	simm.s32 $0x0;
	v33 =	vld [tilespmem:s23+$0x8000]  }
0x38: {  	s20 =	sand.u32 $0xFFFFFC00, s31;
	v28 =	vld [tilespmem:$0x13380]  }
0x39: {  	s20 =	sor.u32 s22, s20;
	v36 =	vld [tilespmem:s23+$0x8080]  }
0x3a: {  	v24 =	vld [tilespmem:s20+$0x80]  }
0x3b: {  	v30 =	vld [tilespmem:s20+$0x100]  }
0x3c: {  	v34 =	vld [tilespmem:s20+$0x380];
	v35 =	vmul.f32 v33, v8  }
0x3d: {  	v37 =	vld [tilespmem:s23+$0x8100];
	v38 =	vmul.f32 v33, v26;
	v31 =	vmul.f32 v33, v10  }
0x3e: {  	v41 =	vld [tilespmem:s20+$0x0];
	v42 =	vmul.f32 v33, v12;
	v32 =	vmul.f32 v36, v19  }
0x3f: {  	v44 =	vld [tilespmem:s20+$0x280];
	v40 =	vmul.f32 v36, v27;
	v39 =	vmul.f32 v36, v16  }
0x40: {  	v29 =	vld [tilespmem:$0x12300];
	v47 =	vmul.f32 v36, v11;
	v48 =	vmul.f32 v36, v13  }
0x41: {  	v49 =	vld [tilespmem:s20+$0x180];
	v63 =	vmul.f32 v33, v22;
	v50 =	vmul.f32 v36, v23  }
0x42: {  	v52 =	vmul.f32 v37, v14;
	v46 =	vadd.f32 v24, v31;
	v31 =	vld [tilespmem:$0x13300];
	v45 =	vadd.f32 v30, v42  }
0x43: {  	v51 =	vmul.f32 v33, v15;
	v24 =	vld [tilespmem:$0x13B00];
	v42 =	vadd.f32 v34, v38;
	v43 =	vadd.f32 v41, v35  }
0x44: {  	v30 =	vld [tilespmem:$0x13B80];
	v38 =	vmul.f32 v36, v25;
	v35 =	vmul.f32 v37, v20;
	v53 =	vadd.f32 v44, v63  }
0x45: {  	v41 =	vld [tilespmem:s20+$0x200];
	v44 =	vmul.f32 v37, v17;
	v48 =	vadd.f32 v45, v48;
	v45 =	vmul.f32 v37, v28  }
0x46: {  	s22 =	simm.s32 $0x1;
	v34 =	vld [tilespmem:s23+$0x8180];
	v47 =	vadd.f32 v46, v47;
	v46 =	vmul.f32 v33, v18;
	v50 =	vadd.f32 v53, v50  }
.LBB2_3:
0x47: {  	p0 =	sne.s32 s22, $0x7F  }
0x48: {  	v53 =	vmul.f32 v37, v9;
	v48 =	vadd.f32 v48, v52;
	v52 =	vmul.f32 v37, v21;
	s21 =	sadd.s32 $0x10, s21;
	s23 =	smov.u32 s22;
	s22 =	sadd.s32 $0x1, s22  }
0x49: {  	v36 =	vmul.f32 v36, v5;
	v54 =	vmul.f32 v37, v31;
	v49 =	vadd.f32 v49, v51;
	v51 =	vld [tilespmem:s20+$0x300]  }
0x4a: {  	v37 =	vmul.f32 v37, v7;
	v40 =	vadd.f32 v42, v40;
	v50 =	vadd.f32 v50, v52  }
0x4b: {  	v42 =	vmul.f32 v34, v6;
	v33 =	vmul.f32 v33, v29;
	v36 =	vadd.f32 v43, v36  }
0x4c: {  	v37 =	vadd.f32 v47, v37;
	v43 =	vmul.f32 v34, v4;
	v40 =	vadd.f32 v40, v45  }
0x4d: {  	v41 =	vadd.f32 v41, v46;
	v45 =	vmul.f32 v34, v30;
	v39 =	vadd.f32 v49, v39  }
0x4e: {  	v37 =	vadd.f32 v37, v43;
	v43 =	vmul.f32 v34, v2;
	v33 =	vadd.f32 v51, v33  }
0x4f: {  	v36 =	vadd.f32 v36, v53;
	v39 =	vadd.f32 v39, v44;
	v44 =	vmul.f32 v34, v3  }
0x50: {  	v46 =	vmul.f32 v34, v0;
	v32 =	vadd.f32 v41, v32;
	[tilespmem:s20+$0xA080] =	vst v37;
	v37 =	vadd.f32 v40, v45  }
0x51: {  	v39 =	vadd.f32 v39, v44;
	v33 =	vadd.f32 v33, v38;
	v38 =	vmul.f32 v34, v24  }
0x52: {  	v32 =	vadd.f32 v32, v35;
	v36 =	vadd.f32 v36, v46;
	v34 =	vmul.f32 v34, v1;
	[tilespmem:s20+$0xA380] =	vst v37  }
0x53: {  	v35 =	vadd.f32 v50, v42;
	v33 =	vadd.f32 v33, v54;
	[tilespmem:s20+$0xA180] =	vst v39  }
0x54: {  	v32 =	vadd.f32 v32, v43;
	v34 =	vadd.f32 v48, v34;
	[tilespmem:s20+$0xA000] =	vst v36  }
0x55: {  	v33 =	vadd.f32 v33, v38;
	[tilespmem:s20+$0xA280] =	vst v35  }
0x56: {  	s24 =	sshll.u32 s23, $0x6;
	[tilespmem:s20+$0xA100] =	vst v34  }
0x57: {  	s25 =	sand.u32 $0x70, s21;
	s24 =	sand.u32 $0x3FFFFE00, s24;
	[tilespmem:s20+$0xA300] =	vst v33  }
0x58: {  	s23 =	sshll.u32 s23, $0x7;
	s24 =	sor.u32 s25, s24;
	[tilespmem:s20+$0xA200] =	vst v32  }
0x59: {  	s20 =	sand.u32 $0xFFFFFC00, s23;
	v33 =	vld [tilespmem:s24+$0x8000]  }
0x5a: {  	s20 =	sor.u32 s25, s20;
	v36 =	vld [tilespmem:s24+$0x8080]  }
0x5b: {  	v34 =	vld [tilespmem:s20+$0x80]  }
0x5c: {  	v35 =	vld [tilespmem:s20+$0x100]  }
0x5d: {  	v38 =	vld [tilespmem:s20+$0x380]  }
0x5e: {  	v37 =	vld [tilespmem:s24+$0x8100];
	v43 =	vmul.f32 v33, v8;
	v42 =	vmul.f32 v33, v26  }
0x5f: {  	v39 =	vmul.f32 v33, v10;
	v41 =	vmul.f32 v33, v12;
	v44 =	vld [tilespmem:s20+$0x0]  }
0x60: {  	v32 =	vmul.f32 v36, v19;
	v40 =	vmul.f32 v36, v27;
	v45 =	vld [tilespmem:s20+$0x280]  }
0x61: {  	v46 =	vadd.f32 v34, v39;
	v39 =	vmul.f32 v36, v16;
	v35 =	vadd.f32 v35, v41;
	v41 =	vld [tilespmem:s20+$0x200]  }
0x62: {  	v47 =	vmul.f32 v36, v11;
	v48 =	vmul.f32 v36, v13;
	v42 =	vadd.f32 v38, v42  }
.Ltmp0:
0x63: {  	v50 =	vmul.f32 v33, v22;
	v53 =	vmul.f32 v36, v23;
	v34 =	vld [tilespmem:s24+$0x8180];
	(pc) =	sbr.rel @p0 .LBB2_3-.Ltmp0, $4  }
0x64: {  	v38 =	vmul.f32 v36, v25;
	v48 =	vadd.f32 v35, v48;
	v43 =	vadd.f32 v44, v43;
	v49 =	vld [tilespmem:s20+$0x180]  }
0x65: {  	v35 =	vmul.f32 v37, v20;
	v50 =	vadd.f32 v45, v50;
	v45 =	vmul.f32 v37, v28  }
0x66: {  	v47 =	vadd.f32 v46, v47;
	v46 =	vmul.f32 v33, v18;
	v52 =	vmul.f32 v37, v14  }
0x67: {  	v51 =	vmul.f32 v33, v15;
	v44 =	vmul.f32 v37, v17;
	v50 =	vadd.f32 v50, v53  }
0x68: {  	v8 =	vmul.f32 v37, v9;
	v9 =	vadd.f32 v48, v52;
	v10 =	vmul.f32 v37, v21  }
0x69: {  	v5 =	vmul.f32 v36, v5;
	v12 =	vld [tilespmem:s20+$0x300];
	v7 =	vmul.f32 v37, v7;
	v14 =	vadd.f32 v42, v40  }
0x6a: {  	v13 =	vmul.f32 v37, v31;
	v16 =	vadd.f32 v41, v46;
	v11 =	vadd.f32 v49, v51  }
0x6b: {  	v4 =	vmul.f32 v34, v4;
	v10 =	vadd.f32 v50, v10;
	v7 =	vadd.f32 v47, v7  }
0x6c: {  	v15 =	vmul.f32 v33, v29;
	v5 =	vadd.f32 v43, v5;
	v14 =	vadd.f32 v14, v45  }
0x6d: {  	v17 =	vmul.f32 v34, v30;
	v11 =	vadd.f32 v11, v39;
	v4 =	vadd.f32 v7, v4  }
0x6e: {  	v0 =	vmul.f32 v34, v0;
	v5 =	vadd.f32 v5, v8;
	v7 =	vadd.f32 v12, v15  }
0x6f: {  	v3 =	vmul.f32 v34, v3;
	v8 =	vadd.f32 v14, v17;
	v11 =	vadd.f32 v11, v44  }
0x70: {  	v1 =	vmul.f32 v34, v1;
	[tilespmem:s20+$0xA080] =	vst v4;
	v0 =	vadd.f32 v5, v0;
	v4 =	vadd.f32 v7, v38  }
0x71: {  	v6 =	vmul.f32 v34, v6;
	[tilespmem:s20+$0xA380] =	vst v8;
	v3 =	vadd.f32 v11, v3;
	v7 =	vadd.f32 v16, v32  }
0x72: {  	v5 =	vmul.f32 v34, v24;
	[tilespmem:s20+$0xA000] =	vst v0;
	v0 =	vadd.f32 v9, v1;
	v4 =	vadd.f32 v4, v13  }
0x73: {  	v2 =	vmul.f32 v34, v2;
	[tilespmem:s20+$0xA180] =	vst v3;
	v3 =	vadd.f32 v10, v6;
	v6 =	vadd.f32 v7, v35  }
0x74: {  	[tilespmem:s20+$0xA100] =	vst v0;
	v1 =	vadd.f32 v4, v5  }
0x75: {  	[tilespmem:s20+$0xA280] =	vst v3;
	v2 =	vadd.f32 v6, v2  }
0x76: {  	[tilespmem:s20+$0xA300] =	vst v1  }
0x77: {  	[tilespmem:s20+$0xA200] =	vst v2  }
0x78: {  	v31 =	vld [tilespmem:$0x12400]  }
0x79: {  	v30 =	vld [tilespmem:$0x12C00]  }
0x7a: {  	v29 =	vld [tilespmem:$0x13400]  }
0x7b: {  	v28 =	vld [tilespmem:$0x13C00]  }
0x7c: {  	v27 =	vld [tilespmem:$0x12480]  }
0x7d: {  	v26 =	vld [tilespmem:$0x12C80]  }
0x7e: {  	v25 =	vld [tilespmem:$0x13480]  }
0x7f: {  	v24 =	vld [tilespmem:$0x13C80]  }
0x80: {  	v23 =	vld [tilespmem:$0x12500]  }
0x81: {  	v22 =	vld [tilespmem:$0x12D00]  }
0x82: {  	v21 =	vld [tilespmem:$0x13500]  }
0x83: {  	v20 =	vld [tilespmem:$0x13D00]  }
0x84: {  	v19 =	vld [tilespmem:$0x12580]  }
0x85: {  	v18 =	vld [tilespmem:$0x12D80]  }
0x86: {  	v17 =	vld [tilespmem:$0x13580]  }
0x87: {  	v16 =	vld [tilespmem:$0x13D80]  }
0x88: {  	v9 =	vld [tilespmem:$0x12600]  }
0x89: {  	v7 =	vld [tilespmem:$0x12E00]  }
0x8a: {  	s31 =	simm.s32 $0x0;
	s21 =	simm.s32 $0x0;
	v2 =	vld [tilespmem:$0x13600]  }
0x8b: {  	s22 =	simm.s32 $0x0;
	s21 =	sand.u32 $0x3FFFFE00, s21;
	s20 =	sand.u32 $0x70, s31;
	v1 =	vld [tilespmem:$0x13E00]  }
0x8c: {  	s22 =	sand.u32 $0xFFFFFC00, s22;
	v0 =	vld [tilespmem:$0x12680];
	s21 =	sor.u32 s20, s21  }
0x8d: {  	s20 =	sor.u32 s20, s22;
	v32 =	vld [tilespmem:s21+$0x8000]  }
0x8e: {  	s22 =	sor.u32 $0x4000, s20;
	v33 =	vld [tilespmem:s21+$0x8080]  }
0x8f: {  	v4 =	vld [tilespmem:s22+$0x0]  }
0x90: {  	v3 =	vld [tilespmem:$0x12E80]  }
0x91: {  	v34 =	vld [tilespmem:s21+$0x8100]  }
0x92: {  	v14 =	vld [tilespmem:$0x13680];
	v5 =	vmul.f32 v32, v31  }
0x93: {  	v35 =	vld [tilespmem:s21+$0x8180]  }
0x94: {  	v15 =	vld [tilespmem:$0x13E80];
	v4 =	vadd.f32 v4, v5;
	v5 =	vmul.f32 v33, v30  }
0x95: {  	v10 =	vld [tilespmem:$0x12700]  }
0x96: {  	v12 =	vld [tilespmem:$0x12F00];
	v6 =	vmul.f32 v34, v29;
	v5 =	vadd.f32 v4, v5  }
0x97: {  	v11 =	vld [tilespmem:$0x13700]  }
0x98: {  	v13 =	vld [tilespmem:$0x13F00];
	v61 =	vmul.f32 v35, v28;
	v6 =	vadd.f32 v5, v6  }
0x99: {  	v8 =	vld [tilespmem:$0x12F80]  }
0x9a: {  	v4 =	vld [tilespmem:$0x12780];
	v36 =	vadd.f32 v6, v61  }
0x9b: {  	v5 =	vld [tilespmem:$0x13780]  }
0x9c: {  	s23 =	sor.u32 $0x4080, s20;
	v6 =	vld [tilespmem:$0x13F80];
	[tilespmem:s20+$0xE000] =	vst v36  }
0x9d: {  	v36 =	vld [tilespmem:s23+$0x0];
	_ =	sdelay $0x2  }
0x9e: {  	v62 =	vmul.f32 v32, v27;
	_ =	sdelay $0x1  }
0x9f: {  	v63 =	vmul.f32 v33, v26;
	v36 =	vadd.f32 v36, v62;
	_ =	sdelay $0x1  }
0xa0: {  	v40 =	vmul.f32 v34, v25;
	v36 =	vadd.f32 v36, v63;
	_ =	sdelay $0x1  }
0xa1: {  	v41 =	vmul.f32 v35, v24;
	v36 =	vadd.f32 v36, v40;
	_ =	sdelay $0x1  }
0xa2: {  	v36 =	vadd.f32 v36, v41;
	_ =	sdelay $0x1  }
0xa3: {  	s24 =	sor.u32 $0x4100, s20;
	[tilespmem:s20+$0xE080] =	vst v36  }
0xa4: {  	v36 =	vld [tilespmem:s24+$0x0];
	_ =	sdelay $0x2  }
0xa5: {  	v42 =	vmul.f32 v32, v23;
	_ =	sdelay $0x1  }
0xa6: {  	v43 =	vmul.f32 v33, v22;
	v36 =	vadd.f32 v36, v42;
	_ =	sdelay $0x1  }
0xa7: {  	v44 =	vmul.f32 v34, v21;
	v36 =	vadd.f32 v36, v43;
	_ =	sdelay $0x1  }
0xa8: {  	v45 =	vmul.f32 v35, v20;
	v36 =	vadd.f32 v36, v44;
	_ =	sdelay $0x1  }
0xa9: {  	v36 =	vadd.f32 v36, v45;
	_ =	sdelay $0x1  }
0xaa: {  	s25 =	sor.u32 $0x4180, s20;
	[tilespmem:s20+$0xE100] =	vst v36  }
0xab: {  	v36 =	vld [tilespmem:s25+$0x0];
	_ =	sdelay $0x2  }
0xac: {  	v46 =	vmul.f32 v32, v19;
	_ =	sdelay $0x1  }
0xad: {  	v47 =	vmul.f32 v33, v18;
	v36 =	vadd.f32 v36, v46;
	_ =	sdelay $0x1  }
0xae: {  	v48 =	vmul.f32 v34, v17;
	v36 =	vadd.f32 v36, v47;
	_ =	sdelay $0x1  }
0xaf: {  	v49 =	vmul.f32 v35, v16;
	v36 =	vadd.f32 v36, v48;
	_ =	sdelay $0x1  }
0xb0: {  	v36 =	vadd.f32 v36, v49;
	_ =	sdelay $0x1  }
0xb1: {  	s26 =	sor.u32 $0x4200, s20;
	[tilespmem:s20+$0xE180] =	vst v36  }
0xb2: {  	v36 =	vld [tilespmem:s26+$0x0];
	_ =	sdelay $0x2  }
0xb3: {  	v50 =	vmul.f32 v32, v9;
	_ =	sdelay $0x1  }
0xb4: {  	v51 =	vmul.f32 v33, v7;
	v36 =	vadd.f32 v36, v50;
	_ =	sdelay $0x1  }
0xb5: {  	v52 =	vmul.f32 v34, v2;
	v36 =	vadd.f32 v36, v51;
	_ =	sdelay $0x1  }
0xb6: {  	v53 =	vmul.f32 v35, v1;
	v36 =	vadd.f32 v36, v52;
	_ =	sdelay $0x1  }
0xb7: {  	v36 =	vadd.f32 v36, v53;
	_ =	sdelay $0x1  }
0xb8: {  	s28 =	sor.u32 $0x4280, s20;
	[tilespmem:s20+$0xE200] =	vst v36  }
0xb9: {  	v36 =	vld [tilespmem:s28+$0x0];
	_ =	sdelay $0x2  }
0xba: {  	v54 =	vmul.f32 v32, v0;
	_ =	sdelay $0x1  }
0xbb: {  	v55 =	vmul.f32 v33, v3;
	v36 =	vadd.f32 v36, v54;
	_ =	sdelay $0x1  }
0xbc: {  	v56 =	vmul.f32 v34, v14;
	v36 =	vadd.f32 v36, v55;
	_ =	sdelay $0x1  }
0xbd: {  	v57 =	vmul.f32 v35, v15;
	v36 =	vadd.f32 v36, v56;
	_ =	sdelay $0x1  }
0xbe: {  	v36 =	vadd.f32 v36, v57;
	_ =	sdelay $0x1  }
0xbf: {  	s29 =	sor.u32 $0x4300, s20;
	[tilespmem:s20+$0xE280] =	vst v36  }
0xc0: {  	v36 =	vld [tilespmem:s29+$0x0];
	_ =	sdelay $0x2  }
0xc1: {  	v58 =	vmul.f32 v32, v10;
	_ =	sdelay $0x1  }
0xc2: {  	v59 =	vmul.f32 v33, v12;
	v36 =	vadd.f32 v36, v58;
	_ =	sdelay $0x1  }
0xc3: {  	v60 =	vmul.f32 v34, v11;
	v36 =	vadd.f32 v36, v59;
	_ =	sdelay $0x1  }
0xc4: {  	v61 =	vmul.f32 v35, v13;
	v36 =	vadd.f32 v36, v60;
	_ =	sdelay $0x1  }
0xc5: {  	v36 =	vadd.f32 v36, v61;
	_ =	sdelay $0x1  }
0xc6: {  	s30 =	sor.u32 $0x4380, s20;
	[tilespmem:s20+$0xE300] =	vst v36  }
0xc7: {  	v36 =	vld [tilespmem:s30+$0x0];
	_ =	sdelay $0x2  }
0xc8: {  	v32 =	vmul.f32 v32, v4;
	_ =	sdelay $0x1  }
0xc9: {  	v33 =	vmul.f32 v33, v8;
	v32 =	vadd.f32 v36, v32;
	_ =	sdelay $0x1  }
0xca: {  	v62 =	vmul.f32 v34, v5;
	v32 =	vadd.f32 v32, v33;
	_ =	sdelay $0x1  }
0xcb: {  	s21 =	simm.s32 $0x10;
	v63 =	vmul.f32 v35, v6;
	v32 =	vadd.f32 v32, v62  }
0xcc: {  	s31 =	simm.s32 $0x40;
	s23 =	sand.u32 $0x70, s21;
	s25 =	simm.s32 $0x80  }
0xcd: {  	s24 =	simm.s32 $0x2;
	s25 =	sand.u32 $0xFFFFFC00, s25;
	s26 =	sand.u32 $0x3FFFFE00, s31;
	v32 =	vadd.f32 v32, v63  }
.LBB2_5:
0xce: {  	s26 =	sor.u32 s23, s26  }
0xcf: {  	[tilespmem:s20+$0xE380] =	vst v32;
	s20 =	sor.u32 s23, s25;
	s23 =	smov.u32 s24;
	s22 =	sadd.s32 $0x1, s24  }
0xd0: {  	p0 =	sne.s32 s24, $0x7F;
	v32 =	vld [tilespmem:s26+$0x8000];
	s24 =	sor.u32 $0x4000, s20  }
0xd1: {  	v36 =	vld [tilespmem:s24+$0x0]  }
0xd2: {  	v35 =	vld [tilespmem:s26+$0x8080];
	_ =	sdelay $0x1  }
0xd3: {  	v33 =	vld [tilespmem:s26+$0x8100]  }
0xd4: {  	v37 =	vmul.f32 v32, v31  }
0xd5: {  	v34 =	vld [tilespmem:s26+$0x8180]  }
0xd6: {  	v36 =	vadd.f32 v36, v37;
	v37 =	vmul.f32 v35, v30;
	_ =	sdelay $0x1  }
0xd7: {  	v36 =	vadd.f32 v36, v37;
	v37 =	vmul.f32 v33, v29;
	_ =	sdelay $0x1  }
0xd8: {  	v36 =	vadd.f32 v36, v37;
	v37 =	vmul.f32 v34, v28;
	_ =	sdelay $0x1  }
0xd9: {  	v36 =	vadd.f32 v36, v37;
	_ =	sdelay $0x1  }
0xda: {  	s24 =	sor.u32 $0x4080, s20;
	[tilespmem:s20+$0xE000] =	vst v36  }
0xdb: {  	v36 =	vld [tilespmem:s24+$0x0];
	_ =	sdelay $0x2  }
0xdc: {  	v37 =	vmul.f32 v32, v27;
	_ =	sdelay $0x1  }
0xdd: {  	v36 =	vadd.f32 v36, v37;
	v37 =	vmul.f32 v35, v26;
	_ =	sdelay $0x1  }
0xde: {  	v36 =	vadd.f32 v36, v37;
	v37 =	vmul.f32 v33, v25;
	_ =	sdelay $0x1  }
0xdf: {  	v36 =	vadd.f32 v36, v37;
	v37 =	vmul.f32 v34, v24;
	_ =	sdelay $0x1  }
0xe0: {  	v36 =	vadd.f32 v36, v37;
	_ =	sdelay $0x1  }
0xe1: {  	s24 =	sor.u32 $0x4100, s20;
	[tilespmem:s20+$0xE080] =	vst v36  }
0xe2: {  	v36 =	vld [tilespmem:s24+$0x0];
	_ =	sdelay $0x2  }
0xe3: {  	v37 =	vmul.f32 v32, v23;
	_ =	sdelay $0x1  }
0xe4: {  	v36 =	vadd.f32 v36, v37;
	v37 =	vmul.f32 v35, v22;
	_ =	sdelay $0x1  }
0xe5: {  	v36 =	vadd.f32 v36, v37;
	v37 =	vmul.f32 v33, v21;
	_ =	sdelay $0x1  }
0xe6: {  	v36 =	vadd.f32 v36, v37;
	v37 =	vmul.f32 v34, v20;
	_ =	sdelay $0x1  }
0xe7: {  	v36 =	vadd.f32 v36, v37;
	_ =	sdelay $0x1  }
0xe8: {  	s24 =	sor.u32 $0x4180, s20;
	[tilespmem:s20+$0xE100] =	vst v36  }
0xe9: {  	v36 =	vld [tilespmem:s24+$0x0];
	_ =	sdelay $0x2  }
0xea: {  	v37 =	vmul.f32 v32, v19;
	_ =	sdelay $0x1  }
0xeb: {  	v36 =	vadd.f32 v36, v37;
	v37 =	vmul.f32 v35, v18;
	_ =	sdelay $0x1  }
0xec: {  	v36 =	vadd.f32 v36, v37;
	v37 =	vmul.f32 v33, v17;
	_ =	sdelay $0x1  }
0xed: {  	v36 =	vadd.f32 v36, v37;
	v37 =	vmul.f32 v34, v16;
	_ =	sdelay $0x1  }
0xee: {  	v36 =	vadd.f32 v36, v37;
	_ =	sdelay $0x1  }
0xef: {  	s24 =	sor.u32 $0x4200, s20;
	[tilespmem:s20+$0xE180] =	vst v36  }
0xf0: {  	v36 =	vld [tilespmem:s24+$0x0];
	_ =	sdelay $0x2  }
0xf1: {  	v37 =	vmul.f32 v32, v9;
	_ =	sdelay $0x1  }
0xf2: {  	v36 =	vadd.f32 v36, v37;
	v37 =	vmul.f32 v35, v7;
	_ =	sdelay $0x1  }
0xf3: {  	v36 =	vadd.f32 v36, v37;
	v37 =	vmul.f32 v33, v2;
	_ =	sdelay $0x1  }
0xf4: {  	v36 =	vadd.f32 v36, v37;
	v37 =	vmul.f32 v34, v1;
	_ =	sdelay $0x1  }
0xf5: {  	v36 =	vadd.f32 v36, v37;
	_ =	sdelay $0x1  }
0xf6: {  	s24 =	sor.u32 $0x4280, s20;
	[tilespmem:s20+$0xE200] =	vst v36  }
0xf7: {  	v36 =	vld [tilespmem:s24+$0x0];
	_ =	sdelay $0x2  }
0xf8: {  	v37 =	vmul.f32 v32, v0;
	_ =	sdelay $0x1  }
0xf9: {  	v36 =	vadd.f32 v36, v37;
	v37 =	vmul.f32 v35, v3;
	_ =	sdelay $0x1  }
0xfa: {  	v36 =	vadd.f32 v36, v37;
	v37 =	vmul.f32 v33, v14;
	_ =	sdelay $0x1  }
0xfb: {  	v36 =	vadd.f32 v36, v37;
	v37 =	vmul.f32 v34, v15;
	_ =	sdelay $0x1  }
0xfc: {  	v36 =	vadd.f32 v36, v37;
	_ =	sdelay $0x1  }
0xfd: {  	s24 =	sor.u32 $0x4300, s20;
	[tilespmem:s20+$0xE280] =	vst v36  }
0xfe: {  	v36 =	vld [tilespmem:s24+$0x0];
	_ =	sdelay $0x2  }
0xff: {  	v37 =	vmul.f32 v32, v10;
	_ =	sdelay $0x1  }
0x100: {  	v36 =	vadd.f32 v36, v37;
	v37 =	vmul.f32 v35, v12;
	_ =	sdelay $0x1  }
0x101: {  	v36 =	vadd.f32 v36, v37;
	v37 =	vmul.f32 v33, v11;
	_ =	sdelay $0x1  }
0x102: {  	v36 =	vadd.f32 v36, v37;
	v37 =	vmul.f32 v34, v13;
	_ =	sdelay $0x1  }
0x103: {  	v36 =	vadd.f32 v36, v37;
	_ =	sdelay $0x1  }
0x104: {  	s24 =	sor.u32 $0x4380, s20;
	[tilespmem:s20+$0xE300] =	vst v36  }
0x105: {  	v36 =	vld [tilespmem:s24+$0x0];
	_ =	sdelay $0x2  }
0x106: {  	v32 =	vmul.f32 v32, v4;
	_ =	sdelay $0x1  }
0x107: {  	v35 =	vmul.f32 v35, v8;
	v32 =	vadd.f32 v36, v32;
	_ =	sdelay $0x1  }
0x108: {  	v33 =	vmul.f32 v33, v5;
	v32 =	vadd.f32 v32, v35  }
.Ltmp1:
0x109: {  	(pc) =	sbr.rel @p0 .LBB2_5-.Ltmp1, $4  }
0x10a: {  	v32 =	vadd.f32 v32, v33;
	v33 =	vmul.f32 v34, v6  }
0x10b: {  	s25 =	sshll.u32 s23, $0x7  }
0x10c: {  	s21 =	sadd.s32 $0x10, s21;
	s25 =	sand.u32 $0xFFFFFC00, s25;
	s24 =	sshll.u32 s23, $0x6;
	v32 =	vadd.f32 v32, v33  }
0x10d: {  	s23 =	sand.u32 $0x70, s21;
	s26 =	sand.u32 $0x3FFFFE00, s24;
	s24 =	smov.u32 s22  }
0x10e: {  	s22 =	sor.u32 s23, s26;
	[tilespmem:s20+$0xE380] =	vst v32  }
0x10f: {  	s21 =	sor.u32 s23, s25;
	v32 =	vld [tilespmem:s22+$0x8000]  }
0x110: {  	s23 =	sor.u32 $0x4000, s21;
	v34 =	vld [tilespmem:s22+$0x8080]  }
0x111: {  	v33 =	vld [tilespmem:s23+$0x0];
	_ =	sdelay $0x1  }
0x112: {  	v35 =	vld [tilespmem:s22+$0x8100]  }
0x113: {  	v31 =	vmul.f32 v32, v31  }
0x114: {  	v36 =	vld [tilespmem:s22+$0x8180]  }
0x115: {  	v30 =	vmul.f32 v34, v30;
	v31 =	vadd.f32 v33, v31;
	_ =	sdelay $0x1  }
0x116: {  	v29 =	vmul.f32 v35, v29;
	v30 =	vadd.f32 v31, v30;
	_ =	sdelay $0x1  }
0x117: {  	v28 =	vmul.f32 v36, v28;
	v29 =	vadd.f32 v30, v29;
	_ =	sdelay $0x1  }
0x118: {  	v28 =	vadd.f32 v29, v28;
	_ =	sdelay $0x1  }
0x119: {  	s24 =	sor.u32 $0x4080, s21;
	[tilespmem:s21+$0xE000] =	vst v28  }
0x11a: {  	v28 =	vld [tilespmem:s24+$0x0];
	_ =	sdelay $0x2  }
0x11b: {  	v27 =	vmul.f32 v32, v27;
	_ =	sdelay $0x1  }
0x11c: {  	v26 =	vmul.f32 v34, v26;
	v27 =	vadd.f32 v28, v27;
	_ =	sdelay $0x1  }
0x11d: {  	v25 =	vmul.f32 v35, v25;
	v26 =	vadd.f32 v27, v26;
	_ =	sdelay $0x1  }
0x11e: {  	v24 =	vmul.f32 v36, v24;
	v25 =	vadd.f32 v26, v25;
	_ =	sdelay $0x1  }
0x11f: {  	v24 =	vadd.f32 v25, v24;
	_ =	sdelay $0x1  }
0x120: {  	s25 =	sor.u32 $0x4100, s21;
	[tilespmem:s21+$0xE080] =	vst v24  }
0x121: {  	v24 =	vld [tilespmem:s25+$0x0];
	_ =	sdelay $0x2  }
0x122: {  	v23 =	vmul.f32 v32, v23;
	_ =	sdelay $0x1  }
0x123: {  	v22 =	vmul.f32 v34, v22;
	v23 =	vadd.f32 v24, v23;
	_ =	sdelay $0x1  }
0x124: {  	v21 =	vmul.f32 v35, v21;
	v22 =	vadd.f32 v23, v22;
	_ =	sdelay $0x1  }
0x125: {  	v20 =	vmul.f32 v36, v20;
	v21 =	vadd.f32 v22, v21;
	_ =	sdelay $0x1  }
0x126: {  	v20 =	vadd.f32 v21, v20;
	_ =	sdelay $0x1  }
0x127: {  	s26 =	sor.u32 $0x4180, s21;
	[tilespmem:s21+$0xE100] =	vst v20  }
0x128: {  	v20 =	vld [tilespmem:s26+$0x0];
	_ =	sdelay $0x2  }
0x129: {  	v19 =	vmul.f32 v32, v19;
	_ =	sdelay $0x1  }
0x12a: {  	v18 =	vmul.f32 v34, v18;
	v19 =	vadd.f32 v20, v19;
	_ =	sdelay $0x1  }
0x12b: {  	v17 =	vmul.f32 v35, v17;
	v18 =	vadd.f32 v19, v18;
	_ =	sdelay $0x1  }
0x12c: {  	v16 =	vmul.f32 v36, v16;
	v17 =	vadd.f32 v18, v17;
	_ =	sdelay $0x1  }
0x12d: {  	v16 =	vadd.f32 v17, v16;
	_ =	sdelay $0x1  }
0x12e: {  	s28 =	sor.u32 $0x4200, s21;
	[tilespmem:s21+$0xE180] =	vst v16  }
0x12f: {  	v16 =	vld [tilespmem:s28+$0x0];
	_ =	sdelay $0x2  }
0x130: {  	v9 =	vmul.f32 v32, v9;
	_ =	sdelay $0x1  }
0x131: {  	v7 =	vmul.f32 v34, v7;
	v9 =	vadd.f32 v16, v9;
	_ =	sdelay $0x1  }
0x132: {  	v2 =	vmul.f32 v35, v2;
	v7 =	vadd.f32 v9, v7;
	_ =	sdelay $0x1  }
0x133: {  	v1 =	vmul.f32 v36, v1;
	v2 =	vadd.f32 v7, v2;
	_ =	sdelay $0x1  }
0x134: {  	v1 =	vadd.f32 v2, v1;
	_ =	sdelay $0x1  }
0x135: {  	s29 =	sor.u32 $0x4280, s21;
	[tilespmem:s21+$0xE200] =	vst v1  }
0x136: {  	v1 =	vld [tilespmem:s29+$0x0];
	_ =	sdelay $0x2  }
0x137: {  	v0 =	vmul.f32 v32, v0;
	_ =	sdelay $0x1  }
0x138: {  	v53 =	vmul.f32 v34, v3;
	v0 =	vadd.f32 v1, v0;
	_ =	sdelay $0x1  }
0x139: {  	v54 =	vmul.f32 v35, v14;
	v0 =	vadd.f32 v0, v53;
	_ =	sdelay $0x1  }
0x13a: {  	v55 =	vmul.f32 v36, v15;
	v0 =	vadd.f32 v0, v54;
	_ =	sdelay $0x1  }
0x13b: {  	v0 =	vadd.f32 v0, v55;
	_ =	sdelay $0x1  }
0x13c: {  	s30 =	sor.u32 $0x4300, s21;
	[tilespmem:s21+$0xE280] =	vst v0  }
0x13d: {  	v0 =	vld [tilespmem:s30+$0x0];
	_ =	sdelay $0x2  }
0x13e: {  	v56 =	vmul.f32 v32, v10;
	_ =	sdelay $0x1  }
0x13f: {  	v57 =	vmul.f32 v34, v12;
	v0 =	vadd.f32 v0, v56;
	_ =	sdelay $0x1  }
0x140: {  	v58 =	vmul.f32 v35, v11;
	v0 =	vadd.f32 v0, v57;
	_ =	sdelay $0x1  }
0x141: {  	v59 =	vmul.f32 v36, v13;
	v0 =	vadd.f32 v0, v58;
	_ =	sdelay $0x1  }
0x142: {  	v0 =	vadd.f32 v0, v59;
	_ =	sdelay $0x1  }
0x143: {  	s31 =	sor.u32 $0x4380, s21;
	[tilespmem:s21+$0xE300] =	vst v0  }
0x144: {  	v0 =	vld [tilespmem:s31+$0x0];
	_ =	sdelay $0x2  }
0x145: {  	v60 =	vmul.f32 v32, v4;
	_ =	sdelay $0x1  }
0x146: {  	v61 =	vmul.f32 v34, v8;
	v0 =	vadd.f32 v0, v60;
	_ =	sdelay $0x1  }
0x147: {  	v62 =	vmul.f32 v35, v5;
	v0 =	vadd.f32 v0, v61;
	_ =	sdelay $0x1  }
0x148: {  	v63 =	vmul.f32 v36, v6;
	v0 =	vadd.f32 v0, v62;
	_ =	sdelay $0x1  }
0x149: {  	s18 =	sadd.s32 $0x1, s18;
	v0 =	vadd.f32 v0, v63  }
0x14a: {  	s19 =	sshll.u32 s19, $0xD;
	p0 =	sne.s32 s18, $0x20  }
.Ltmp2:
0x14b: {  	s19 =	sadd.s32 s3, s19;
	[tilespmem:s21+$0xE380] =	vst v0;
	(pc) =	sbr.rel @p0 .LBB2_2-.Ltmp2, $4  }
0x14c: {  	[hbm4b:s19+s14] =	stream.strided.scatter [tilespmem:s16], [sflag:$0x1], $0x8000, s15, s14, $0x38;
	[tilespmem:$0x14000] =	vst v63  }
0x14d: {  	_ =	swait.ge [sflag:s13], $0x8000  }
0x14e: {  	[sflag:s13] =	ssyncset.done $0x0  }
0x14f: {  	[sflag:s13] =	ssyncadd.s32 $0xFFFF8000  }
0x150: {  	s18 =	simm.s32 $0x0  }
0x151: {  	[tilespmem:s18], [sflag:$0x1] =	stream.strided.gather [hbm4b:s8+s14], $0x8000, s15, s14, $0x38;
	[tilespmem:$0x14000] =	vst v63  }
0x152: {  	_ =	swait.ge [sflag:s13], $0x8000  }
0x153: {  	[sflag:s13] =	ssyncset.done $0x0  }
0x154: {  	s19 =	simm.s32 $0x0;
	[sflag:s13] =	ssyncadd.s32 $0xFFFF8000  }
.LBB2_8:
0x155: {  	s20 =	sadd.s32 s7, s19  }
0x156: {  	s21 =	sshll.u32 s20, $0xB  }
0x157: {  	s21 =	sadd.s32 s21, s9  }
0x158: {  	[tilespmem:s15], [sflag:$0x1] =	stream.linear.gather [hbm4b:s21+s18], $0x2000, $0x38;
	[tilespmem:$0x14000] =	vst v63  }
0x159: {  	_ =	swait.ge [sflag:s13], $0x2000  }
0x15a: {  	[sflag:s13] =	ssyncset.done $0x0  }
0x15b: {  	[sflag:s13] =	ssyncadd.s32 $0xFFFFE000  }
0x15c: {  	v8 =	vld [tilespmem:$0x12000]  }
0x15d: {  	v5 =	vld [tilespmem:$0x12800]  }
0x15e: {  	v9 =	vld [tilespmem:$0x13000]  }
0x15f: {  	v0 =	vld [tilespmem:$0x13800]  }
0x160: {  	v10 =	vld [tilespmem:$0x12080]  }
0x161: {  	v11 =	vld [tilespmem:$0x12880]  }
0x162: {  	v7 =	vld [tilespmem:$0x13080]  }
0x163: {  	v4 =	vld [tilespmem:$0x13880]  }
0x164: {  	v12 =	vld [tilespmem:$0x12100]  }
0x165: {  	v13 =	vld [tilespmem:$0x12900]  }
0x166: {  	v14 =	vld [tilespmem:$0x13100]  }
0x167: {  	v1 =	vld [tilespmem:$0x13900]  }
0x168: {  	v15 =	vld [tilespmem:$0x12180]  }
0x169: {  	v16 =	vld [tilespmem:$0x12980]  }
0x16a: {  	v17 =	vld [tilespmem:$0x13180]  }
0x16b: {  	v3 =	vld [tilespmem:$0x13980]  }
0x16c: {  	v18 =	vld [tilespmem:$0x12200]  }
0x16d: {  	v19 =	vld [tilespmem:$0x12A00]  }
0x16e: {  	v20 =	vld [tilespmem:$0x13200]  }
0x16f: {  	v2 =	vld [tilespmem:$0x13A00]  }
0x170: {  	v22 =	vld [tilespmem:$0x12280]  }
0x171: {  	v23 =	vld [tilespmem:$0x12A80]  }
0x172: {  	v21 =	vld [tilespmem:$0x13280]  }
0x173: {  	v6 =	vld [tilespmem:$0x13A80]  }
0x174: {  	s30 =	simm.s32 $0x0;
	v25 =	vld [tilespmem:$0x12B00]  }
0x175: {  	s22 =	sand.u32 $0x70, s18;
	s21 =	sand.u32 $0x3FFFFE00, s30;
	v26 =	vld [tilespmem:$0x12380]  }
0x176: {  	s23 =	sor.u32 s22, s21;
	v27 =	vld [tilespmem:$0x12B80]  }
0x177: {  	s31 =	simm.s32 $0x0;
	v33 =	vld [tilespmem:s23+$0x8000]  }
0x178: {  	s21 =	sand.u32 $0xFFFFFC00, s31;
	v28 =	vld [tilespmem:$0x13380]  }
0x179: {  	s21 =	sor.u32 s22, s21;
	v36 =	vld [tilespmem:s23+$0x8080]  }
0x17a: {  	v24 =	vld [tilespmem:s21+$0x80]  }
0x17b: {  	v30 =	vld [tilespmem:s21+$0x100]  }
0x17c: {  	v34 =	vld [tilespmem:s21+$0x380];
	v35 =	vmul.f32 v33, v8  }
0x17d: {  	v37 =	vld [tilespmem:s23+$0x8100];
	v38 =	vmul.f32 v33, v26;
	v31 =	vmul.f32 v33, v10  }
0x17e: {  	v41 =	vld [tilespmem:s21+$0x0];
	v42 =	vmul.f32 v33, v12;
	v32 =	vmul.f32 v36, v19  }
0x17f: {  	v44 =	vld [tilespmem:s21+$0x280];
	v40 =	vmul.f32 v36, v27;
	v39 =	vmul.f32 v36, v16  }
0x180: {  	v29 =	vld [tilespmem:$0x12300];
	v47 =	vmul.f32 v36, v11;
	v48 =	vmul.f32 v36, v13  }
0x181: {  	v49 =	vld [tilespmem:s21+$0x180];
	v63 =	vmul.f32 v33, v22;
	v50 =	vmul.f32 v36, v23  }
0x182: {  	v52 =	vmul.f32 v37, v14;
	v46 =	vadd.f32 v24, v31;
	v31 =	vld [tilespmem:$0x13300];
	v45 =	vadd.f32 v30, v42  }
0x183: {  	v51 =	vmul.f32 v33, v15;
	v24 =	vld [tilespmem:$0x13B00];
	v42 =	vadd.f32 v34, v38;
	v43 =	vadd.f32 v41, v35  }
0x184: {  	v30 =	vld [tilespmem:$0x13B80];
	v38 =	vmul.f32 v36, v25;
	v35 =	vmul.f32 v37, v20;
	v53 =	vadd.f32 v44, v63  }
0x185: {  	v41 =	vld [tilespmem:s21+$0x200];
	v44 =	vmul.f32 v37, v17;
	v48 =	vadd.f32 v45, v48;
	v45 =	vmul.f32 v37, v28  }
0x186: {  	s22 =	simm.s32 $0x1;
	v34 =	vld [tilespmem:s23+$0x8180];
	s23 =	simm.s32 $0x0;
	v47 =	vadd.f32 v46, v47;
	v46 =	vmul.f32 v33, v18;
	v50 =	vadd.f32 v53, v50  }
.LBB2_9:
0x187: {  	p0 =	sne.s32 s22, $0x7F  }
0x188: {  	v53 =	vmul.f32 v37, v9;
	v48 =	vadd.f32 v48, v52;
	v52 =	vmul.f32 v37, v21;
	s23 =	sadd.s32 $0x10, s23;
	s24 =	smov.u32 s22;
	s22 =	sadd.s32 $0x1, s22  }
0x189: {  	v36 =	vmul.f32 v36, v5;
	v54 =	vmul.f32 v37, v31;
	v49 =	vadd.f32 v49, v51;
	v51 =	vld [tilespmem:s21+$0x300]  }
0x18a: {  	v37 =	vmul.f32 v37, v7;
	v40 =	vadd.f32 v42, v40;
	v50 =	vadd.f32 v50, v52  }
0x18b: {  	v42 =	vmul.f32 v34, v6;
	v33 =	vmul.f32 v33, v29;
	v36 =	vadd.f32 v43, v36  }
0x18c: {  	v37 =	vadd.f32 v47, v37;
	v43 =	vmul.f32 v34, v4;
	v40 =	vadd.f32 v40, v45  }
0x18d: {  	v41 =	vadd.f32 v41, v46;
	v45 =	vmul.f32 v34, v30;
	v39 =	vadd.f32 v49, v39  }
0x18e: {  	v37 =	vadd.f32 v37, v43;
	v43 =	vmul.f32 v34, v2;
	v33 =	vadd.f32 v51, v33  }
0x18f: {  	v36 =	vadd.f32 v36, v53;
	v39 =	vadd.f32 v39, v44;
	v44 =	vmul.f32 v34, v3  }
0x190: {  	v46 =	vmul.f32 v34, v0;
	v32 =	vadd.f32 v41, v32;
	[tilespmem:s21+$0xA080] =	vst v37;
	v37 =	vadd.f32 v40, v45  }
0x191: {  	v39 =	vadd.f32 v39, v44;
	v33 =	vadd.f32 v33, v38;
	v38 =	vmul.f32 v34, v24  }
0x192: {  	v32 =	vadd.f32 v32, v35;
	v36 =	vadd.f32 v36, v46;
	v34 =	vmul.f32 v34, v1;
	[tilespmem:s21+$0xA380] =	vst v37  }
0x193: {  	v35 =	vadd.f32 v50, v42;
	v33 =	vadd.f32 v33, v54;
	[tilespmem:s21+$0xA180] =	vst v39  }
0x194: {  	v32 =	vadd.f32 v32, v43;
	v34 =	vadd.f32 v48, v34;
	[tilespmem:s21+$0xA000] =	vst v36  }
0x195: {  	v33 =	vadd.f32 v33, v38;
	[tilespmem:s21+$0xA280] =	vst v35  }
0x196: {  	s25 =	sshll.u32 s24, $0x6;
	[tilespmem:s21+$0xA100] =	vst v34  }
0x197: {  	s26 =	sand.u32 $0x70, s23;
	s25 =	sand.u32 $0x3FFFFE00, s25;
	[tilespmem:s21+$0xA300] =	vst v33  }
0x198: {  	s24 =	sshll.u32 s24, $0x7;
	s25 =	sor.u32 s26, s25;
	[tilespmem:s21+$0xA200] =	vst v32  }
0x199: {  	s21 =	sand.u32 $0xFFFFFC00, s24;
	v33 =	vld [tilespmem:s25+$0x8000]  }
0x19a: {  	s21 =	sor.u32 s26, s21;
	v36 =	vld [tilespmem:s25+$0x8080]  }
0x19b: {  	v34 =	vld [tilespmem:s21+$0x80]  }
0x19c: {  	v35 =	vld [tilespmem:s21+$0x100]  }
0x19d: {  	v38 =	vld [tilespmem:s21+$0x380]  }
0x19e: {  	v37 =	vld [tilespmem:s25+$0x8100];
	v43 =	vmul.f32 v33, v8;
	v42 =	vmul.f32 v33, v26  }
0x19f: {  	v39 =	vmul.f32 v33, v10;
	v41 =	vmul.f32 v33, v12;
	v44 =	vld [tilespmem:s21+$0x0]  }
0x1a0: {  	v32 =	vmul.f32 v36, v19;
	v40 =	vmul.f32 v36, v27;
	v45 =	vld [tilespmem:s21+$0x280]  }
0x1a1: {  	v46 =	vadd.f32 v34, v39;
	v39 =	vmul.f32 v36, v16;
	v35 =	vadd.f32 v35, v41;
	v41 =	vld [tilespmem:s21+$0x200]  }
0x1a2: {  	v47 =	vmul.f32 v36, v11;
	v48 =	vmul.f32 v36, v13;
	v42 =	vadd.f32 v38, v42  }
.Ltmp3:
0x1a3: {  	v50 =	vmul.f32 v33, v22;
	v53 =	vmul.f32 v36, v23;
	v34 =	vld [tilespmem:s25+$0x8180];
	(pc) =	sbr.rel @p0 .LBB2_9-.Ltmp3, $4  }
0x1a4: {  	v38 =	vmul.f32 v36, v25;
	v48 =	vadd.f32 v35, v48;
	v43 =	vadd.f32 v44, v43;
	v49 =	vld [tilespmem:s21+$0x180]  }
0x1a5: {  	v35 =	vmul.f32 v37, v20;
	v50 =	vadd.f32 v45, v50;
	v45 =	vmul.f32 v37, v28  }
0x1a6: {  	v47 =	vadd.f32 v46, v47;
	v46 =	vmul.f32 v33, v18;
	v52 =	vmul.f32 v37, v14  }
0x1a7: {  	v51 =	vmul.f32 v33, v15;
	v44 =	vmul.f32 v37, v17;
	v50 =	vadd.f32 v50, v53  }
0x1a8: {  	v8 =	vmul.f32 v37, v9;
	v9 =	vadd.f32 v48, v52;
	v10 =	vmul.f32 v37, v21  }
0x1a9: {  	v5 =	vmul.f32 v36, v5;
	v12 =	vld [tilespmem:s21+$0x300];
	v7 =	vmul.f32 v37, v7;
	v14 =	vadd.f32 v42, v40  }
0x1aa: {  	v13 =	vmul.f32 v37, v31;
	v16 =	vadd.f32 v41, v46;
	v11 =	vadd.f32 v49, v51  }
0x1ab: {  	v4 =	vmul.f32 v34, v4;
	v10 =	vadd.f32 v50, v10;
	v7 =	vadd.f32 v47, v7  }
0x1ac: {  	v15 =	vmul.f32 v33, v29;
	v5 =	vadd.f32 v43, v5;
	v14 =	vadd.f32 v14, v45  }
0x1ad: {  	v17 =	vmul.f32 v34, v30;
	v11 =	vadd.f32 v11, v39;
	v4 =	vadd.f32 v7, v4  }
0x1ae: {  	v0 =	vmul.f32 v34, v0;
	v5 =	vadd.f32 v5, v8;
	v7 =	vadd.f32 v12, v15  }
0x1af: {  	v3 =	vmul.f32 v34, v3;
	v8 =	vadd.f32 v14, v17;
	v11 =	vadd.f32 v11, v44  }
0x1b0: {  	v1 =	vmul.f32 v34, v1;
	[tilespmem:s21+$0xA080] =	vst v4;
	v0 =	vadd.f32 v5, v0;
	v4 =	vadd.f32 v7, v38  }
0x1b1: {  	v6 =	vmul.f32 v34, v6;
	[tilespmem:s21+$0xA380] =	vst v8;
	v3 =	vadd.f32 v11, v3;
	v7 =	vadd.f32 v16, v32  }
0x1b2: {  	v5 =	vmul.f32 v34, v24;
	[tilespmem:s21+$0xA000] =	vst v0;
	v0 =	vadd.f32 v9, v1;
	v4 =	vadd.f32 v4, v13  }
0x1b3: {  	v2 =	vmul.f32 v34, v2;
	[tilespmem:s21+$0xA180] =	vst v3;
	v3 =	vadd.f32 v10, v6;
	v6 =	vadd.f32 v7, v35  }
0x1b4: {  	[tilespmem:s21+$0xA100] =	vst v0;
	v1 =	vadd.f32 v4, v5  }
0x1b5: {  	[tilespmem:s21+$0xA280] =	vst v3;
	v2 =	vadd.f32 v6, v2  }
0x1b6: {  	[tilespmem:s21+$0xA300] =	vst v1  }
0x1b7: {  	[tilespmem:s21+$0xA200] =	vst v2  }
0x1b8: {  	v31 =	vld [tilespmem:$0x12400]  }
0x1b9: {  	v30 =	vld [tilespmem:$0x12C00]  }
0x1ba: {  	v29 =	vld [tilespmem:$0x13400]  }
0x1bb: {  	v28 =	vld [tilespmem:$0x13C00]  }
0x1bc: {  	v27 =	vld [tilespmem:$0x12480]  }
0x1bd: {  	v26 =	vld [tilespmem:$0x12C80]  }
0x1be: {  	v25 =	vld [tilespmem:$0x13480]  }
0x1bf: {  	v24 =	vld [tilespmem:$0x13C80]  }
0x1c0: {  	v23 =	vld [tilespmem:$0x12500]  }
0x1c1: {  	v22 =	vld [tilespmem:$0x12D00]  }
0x1c2: {  	v21 =	vld [tilespmem:$0x13500]  }
0x1c3: {  	v20 =	vld [tilespmem:$0x13D00]  }
0x1c4: {  	v19 =	vld [tilespmem:$0x12580]  }
0x1c5: {  	v18 =	vld [tilespmem:$0x12D80]  }
0x1c6: {  	v17 =	vld [tilespmem:$0x13580]  }
0x1c7: {  	v16 =	vld [tilespmem:$0x13D80]  }
0x1c8: {  	v9 =	vld [tilespmem:$0x12600]  }
0x1c9: {  	v7 =	vld [tilespmem:$0x12E00]  }
0x1ca: {  	s30 =	simm.s32 $0x0;
	s22 =	simm.s32 $0x0;
	v2 =	vld [tilespmem:$0x13600]  }
0x1cb: {  	s23 =	simm.s32 $0x0;
	s22 =	sand.u32 $0x3FFFFE00, s22;
	s21 =	sand.u32 $0x70, s30;
	v1 =	vld [tilespmem:$0x13E00]  }
0x1cc: {  	s23 =	sand.u32 $0xFFFFFC00, s23;
	v0 =	vld [tilespmem:$0x12680];
	s22 =	sor.u32 s21, s22  }
0x1cd: {  	s21 =	sor.u32 s21, s23;
	v32 =	vld [tilespmem:s22+$0x8000]  }
0x1ce: {  	s23 =	sor.u32 $0x4000, s21;
	v33 =	vld [tilespmem:s22+$0x8080]  }
0x1cf: {  	v4 =	vld [tilespmem:s23+$0x0]  }
0x1d0: {  	v3 =	vld [tilespmem:$0x12E80]  }
0x1d1: {  	v34 =	vld [tilespmem:s22+$0x8100]  }
0x1d2: {  	v14 =	vld [tilespmem:$0x13680];
	v5 =	vmul.f32 v32, v31  }
0x1d3: {  	v35 =	vld [tilespmem:s22+$0x8180]  }
0x1d4: {  	v15 =	vld [tilespmem:$0x13E80];
	v4 =	vadd.f32 v4, v5;
	v5 =	vmul.f32 v33, v30  }
0x1d5: {  	v10 =	vld [tilespmem:$0x12700]  }
0x1d6: {  	v12 =	vld [tilespmem:$0x12F00];
	v6 =	vmul.f32 v34, v29;
	v5 =	vadd.f32 v4, v5  }
0x1d7: {  	v11 =	vld [tilespmem:$0x13700]  }
0x1d8: {  	v13 =	vld [tilespmem:$0x13F00];
	v61 =	vmul.f32 v35, v28;
	v6 =	vadd.f32 v5, v6  }
0x1d9: {  	v8 =	vld [tilespmem:$0x12F80]  }
0x1da: {  	v4 =	vld [tilespmem:$0x12780];
	v36 =	vadd.f32 v6, v61  }
0x1db: {  	v5 =	vld [tilespmem:$0x13780]  }
0x1dc: {  	s31 =	sor.u32 $0x4080, s21;
	v6 =	vld [tilespmem:$0x13F80];
	[tilespmem:s21+$0xE000] =	vst v36  }
0x1dd: {  	v36 =	vld [tilespmem:s31+$0x0];
	_ =	sdelay $0x2  }
0x1de: {  	v62 =	vmul.f32 v32, v27;
	_ =	sdelay $0x1  }
0x1df: {  	v63 =	vmul.f32 v33, v26;
	v36 =	vadd.f32 v36, v62;
	_ =	sdelay $0x1  }
0x1e0: {  	v40 =	vmul.f32 v34, v25;
	v36 =	vadd.f32 v36, v63;
	_ =	sdelay $0x1  }
0x1e1: {  	v41 =	vmul.f32 v35, v24;
	v36 =	vadd.f32 v36, v40;
	_ =	sdelay $0x1  }
0x1e2: {  	v36 =	vadd.f32 v36, v41;
	_ =	sdelay $0x1  }
0x1e3: {  	s23 =	sor.u32 $0x4100, s21;
	[tilespmem:s21+$0xE080] =	vst v36  }
0x1e4: {  	v36 =	vld [tilespmem:s23+$0x0];
	_ =	sdelay $0x2  }
0x1e5: {  	v42 =	vmul.f32 v32, v23;
	_ =	sdelay $0x1  }
0x1e6: {  	v43 =	vmul.f32 v33, v22;
	v36 =	vadd.f32 v36, v42;
	_ =	sdelay $0x1  }
0x1e7: {  	v44 =	vmul.f32 v34, v21;
	v36 =	vadd.f32 v36, v43;
	_ =	sdelay $0x1  }
0x1e8: {  	v45 =	vmul.f32 v35, v20;
	v36 =	vadd.f32 v36, v44;
	_ =	sdelay $0x1  }
0x1e9: {  	v36 =	vadd.f32 v36, v45;
	_ =	sdelay $0x1  }
0x1ea: {  	s24 =	sor.u32 $0x4180, s21;
	[tilespmem:s21+$0xE100] =	vst v36  }
0x1eb: {  	v36 =	vld [tilespmem:s24+$0x0];
	_ =	sdelay $0x2  }
0x1ec: {  	v46 =	vmul.f32 v32, v19;
	_ =	sdelay $0x1  }
0x1ed: {  	v47 =	vmul.f32 v33, v18;
	v36 =	vadd.f32 v36, v46;
	_ =	sdelay $0x1  }
0x1ee: {  	v48 =	vmul.f32 v34, v17;
	v36 =	vadd.f32 v36, v47;
	_ =	sdelay $0x1  }
0x1ef: {  	v49 =	vmul.f32 v35, v16;
	v36 =	vadd.f32 v36, v48;
	_ =	sdelay $0x1  }
0x1f0: {  	v36 =	vadd.f32 v36, v49;
	_ =	sdelay $0x1  }
0x1f1: {  	s25 =	sor.u32 $0x4200, s21;
	[tilespmem:s21+$0xE180] =	vst v36  }
0x1f2: {  	v36 =	vld [tilespmem:s25+$0x0];
	_ =	sdelay $0x2  }
0x1f3: {  	v50 =	vmul.f32 v32, v9;
	_ =	sdelay $0x1  }
0x1f4: {  	v51 =	vmul.f32 v33, v7;
	v36 =	vadd.f32 v36, v50;
	_ =	sdelay $0x1  }
0x1f5: {  	v52 =	vmul.f32 v34, v2;
	v36 =	vadd.f32 v36, v51;
	_ =	sdelay $0x1  }
0x1f6: {  	v53 =	vmul.f32 v35, v1;
	v36 =	vadd.f32 v36, v52;
	_ =	sdelay $0x1  }
0x1f7: {  	v36 =	vadd.f32 v36, v53;
	_ =	sdelay $0x1  }
0x1f8: {  	s26 =	sor.u32 $0x4280, s21;
	[tilespmem:s21+$0xE200] =	vst v36  }
0x1f9: {  	v36 =	vld [tilespmem:s26+$0x0];
	_ =	sdelay $0x2  }
0x1fa: {  	v54 =	vmul.f32 v32, v0;
	_ =	sdelay $0x1  }
0x1fb: {  	v55 =	vmul.f32 v33, v3;
	v36 =	vadd.f32 v36, v54;
	_ =	sdelay $0x1  }
0x1fc: {  	v56 =	vmul.f32 v34, v14;
	v36 =	vadd.f32 v36, v55;
	_ =	sdelay $0x1  }
0x1fd: {  	v57 =	vmul.f32 v35, v15;
	v36 =	vadd.f32 v36, v56;
	_ =	sdelay $0x1  }
0x1fe: {  	v36 =	vadd.f32 v36, v57;
	_ =	sdelay $0x1  }
0x1ff: {  	s29 =	sor.u32 $0x4300, s21;
	[tilespmem:s21+$0xE280] =	vst v36  }
0x200: {  	v36 =	vld [tilespmem:s29+$0x0];
	_ =	sdelay $0x2  }
0x201: {  	v58 =	vmul.f32 v32, v10;
	_ =	sdelay $0x1  }
0x202: {  	v59 =	vmul.f32 v33, v12;
	v36 =	vadd.f32 v36, v58;
	_ =	sdelay $0x1  }
0x203: {  	v60 =	vmul.f32 v34, v11;
	v36 =	vadd.f32 v36, v59;
	_ =	sdelay $0x1  }
0x204: {  	v61 =	vmul.f32 v35, v13;
	v36 =	vadd.f32 v36, v60;
	_ =	sdelay $0x1  }
0x205: {  	v36 =	vadd.f32 v36, v61;
	_ =	sdelay $0x1  }
0x206: {  	s30 =	sor.u32 $0x4380, s21;
	[tilespmem:s21+$0xE300] =	vst v36  }
0x207: {  	v36 =	vld [tilespmem:s30+$0x0];
	_ =	sdelay $0x2  }
0x208: {  	v32 =	vmul.f32 v32, v4;
	_ =	sdelay $0x1  }
0x209: {  	v33 =	vmul.f32 v33, v8;
	v32 =	vadd.f32 v36, v32;
	_ =	sdelay $0x1  }
0x20a: {  	v62 =	vmul.f32 v34, v5;
	v32 =	vadd.f32 v32, v33;
	_ =	sdelay $0x1  }
0x20b: {  	s31 =	simm.s32 $0x40;
	v63 =	vmul.f32 v35, v6;
	v32 =	vadd.f32 v32, v62  }
0x20c: {  	s22 =	simm.s32 $0x10;
	s28 =	sand.u32 $0x3FFFFE00, s31;
	s26 =	simm.s32 $0x80  }
0x20d: {  	s24 =	sand.u32 $0x70, s22;
	s25 =	simm.s32 $0x2;
	s26 =	sand.u32 $0xFFFFFC00, s26;
	v32 =	vadd.f32 v32, v63  }
.LBB2_11:
0x20e: {  	s28 =	sor.u32 s24, s28  }
0x20f: {  	[tilespmem:s21+$0xE380] =	vst v32;
	s21 =	sor.u32 s24, s26;
	s24 =	smov.u32 s25;
	s23 =	sadd.s32 $0x1, s25  }
0x210: {  	p0 =	sne.s32 s25, $0x7F;
	v32 =	vld [tilespmem:s28+$0x8000];
	s25 =	sor.u32 $0x4000, s21  }
0x211: {  	v36 =	vld [tilespmem:s25+$0x0]  }
0x212: {  	v35 =	vld [tilespmem:s28+$0x8080];
	_ =	sdelay $0x1  }
0x213: {  	v33 =	vld [tilespmem:s28+$0x8100]  }
0x214: {  	v37 =	vmul.f32 v32, v31  }
0x215: {  	v34 =	vld [tilespmem:s28+$0x8180]  }
0x216: {  	v36 =	vadd.f32 v36, v37;
	v37 =	vmul.f32 v35, v30;
	_ =	sdelay $0x1  }
0x217: {  	v36 =	vadd.f32 v36, v37;
	v37 =	vmul.f32 v33, v29;
	_ =	sdelay $0x1  }
0x218: {  	v36 =	vadd.f32 v36, v37;
	v37 =	vmul.f32 v34, v28;
	_ =	sdelay $0x1  }
0x219: {  	v36 =	vadd.f32 v36, v37;
	_ =	sdelay $0x1  }
0x21a: {  	s25 =	sor.u32 $0x4080, s21;
	[tilespmem:s21+$0xE000] =	vst v36  }
0x21b: {  	v36 =	vld [tilespmem:s25+$0x0];
	_ =	sdelay $0x2  }
0x21c: {  	v37 =	vmul.f32 v32, v27;
	_ =	sdelay $0x1  }
0x21d: {  	v36 =	vadd.f32 v36, v37;
	v37 =	vmul.f32 v35, v26;
	_ =	sdelay $0x1  }
0x21e: {  	v36 =	vadd.f32 v36, v37;
	v37 =	vmul.f32 v33, v25;
	_ =	sdelay $0x1  }
0x21f: {  	v36 =	vadd.f32 v36, v37;
	v37 =	vmul.f32 v34, v24;
	_ =	sdelay $0x1  }
0x220: {  	v36 =	vadd.f32 v36, v37;
	_ =	sdelay $0x1  }
0x221: {  	s25 =	sor.u32 $0x4100, s21;
	[tilespmem:s21+$0xE080] =	vst v36  }
0x222: {  	v36 =	vld [tilespmem:s25+$0x0];
	_ =	sdelay $0x2  }
0x223: {  	v37 =	vmul.f32 v32, v23;
	_ =	sdelay $0x1  }
0x224: {  	v36 =	vadd.f32 v36, v37;
	v37 =	vmul.f32 v35, v22;
	_ =	sdelay $0x1  }
0x225: {  	v36 =	vadd.f32 v36, v37;
	v37 =	vmul.f32 v33, v21;
	_ =	sdelay $0x1  }
0x226: {  	v36 =	vadd.f32 v36, v37;
	v37 =	vmul.f32 v34, v20;
	_ =	sdelay $0x1  }
0x227: {  	v36 =	vadd.f32 v36, v37;
	_ =	sdelay $0x1  }
0x228: {  	s25 =	sor.u32 $0x4180, s21;
	[tilespmem:s21+$0xE100] =	vst v36  }
0x229: {  	v36 =	vld [tilespmem:s25+$0x0];
	_ =	sdelay $0x2  }
0x22a: {  	v37 =	vmul.f32 v32, v19;
	_ =	sdelay $0x1  }
0x22b: {  	v36 =	vadd.f32 v36, v37;
	v37 =	vmul.f32 v35, v18;
	_ =	sdelay $0x1  }
0x22c: {  	v36 =	vadd.f32 v36, v37;
	v37 =	vmul.f32 v33, v17;
	_ =	sdelay $0x1  }
0x22d: {  	v36 =	vadd.f32 v36, v37;
	v37 =	vmul.f32 v34, v16;
	_ =	sdelay $0x1  }
0x22e: {  	v36 =	vadd.f32 v36, v37;
	_ =	sdelay $0x1  }
0x22f: {  	s25 =	sor.u32 $0x4200, s21;
	[tilespmem:s21+$0xE180] =	vst v36  }
0x230: {  	v36 =	vld [tilespmem:s25+$0x0];
	_ =	sdelay $0x2  }
0x231: {  	v37 =	vmul.f32 v32, v9;
	_ =	sdelay $0x1  }
0x232: {  	v36 =	vadd.f32 v36, v37;
	v37 =	vmul.f32 v35, v7;
	_ =	sdelay $0x1  }
0x233: {  	v36 =	vadd.f32 v36, v37;
	v37 =	vmul.f32 v33, v2;
	_ =	sdelay $0x1  }
0x234: {  	v36 =	vadd.f32 v36, v37;
	v37 =	vmul.f32 v34, v1;
	_ =	sdelay $0x1  }
0x235: {  	v36 =	vadd.f32 v36, v37;
	_ =	sdelay $0x1  }
0x236: {  	s25 =	sor.u32 $0x4280, s21;
	[tilespmem:s21+$0xE200] =	vst v36  }
0x237: {  	v36 =	vld [tilespmem:s25+$0x0];
	_ =	sdelay $0x2  }
0x238: {  	v37 =	vmul.f32 v32, v0;
	_ =	sdelay $0x1  }
0x239: {  	v36 =	vadd.f32 v36, v37;
	v37 =	vmul.f32 v35, v3;
	_ =	sdelay $0x1  }
0x23a: {  	v36 =	vadd.f32 v36, v37;
	v37 =	vmul.f32 v33, v14;
	_ =	sdelay $0x1  }
0x23b: {  	v36 =	vadd.f32 v36, v37;
	v37 =	vmul.f32 v34, v15;
	_ =	sdelay $0x1  }
0x23c: {  	v36 =	vadd.f32 v36, v37;
	_ =	sdelay $0x1  }
0x23d: {  	s25 =	sor.u32 $0x4300, s21;
	[tilespmem:s21+$0xE280] =	vst v36  }
0x23e: {  	v36 =	vld [tilespmem:s25+$0x0];
	_ =	sdelay $0x2  }
0x23f: {  	v37 =	vmul.f32 v32, v10;
	_ =	sdelay $0x1  }
0x240: {  	v36 =	vadd.f32 v36, v37;
	v37 =	vmul.f32 v35, v12;
	_ =	sdelay $0x1  }
0x241: {  	v36 =	vadd.f32 v36, v37;
	v37 =	vmul.f32 v33, v11;
	_ =	sdelay $0x1  }
0x242: {  	v36 =	vadd.f32 v36, v37;
	v37 =	vmul.f32 v34, v13;
	_ =	sdelay $0x1  }
0x243: {  	v36 =	vadd.f32 v36, v37;
	_ =	sdelay $0x1  }
0x244: {  	s25 =	sor.u32 $0x4380, s21;
	[tilespmem:s21+$0xE300] =	vst v36  }
0x245: {  	v36 =	vld [tilespmem:s25+$0x0];
	_ =	sdelay $0x2  }
0x246: {  	v32 =	vmul.f32 v32, v4;
	_ =	sdelay $0x1  }
0x247: {  	v35 =	vmul.f32 v35, v8;
	v32 =	vadd.f32 v36, v32;
	_ =	sdelay $0x1  }
0x248: {  	v33 =	vmul.f32 v33, v5;
	v32 =	vadd.f32 v32, v35  }
.Ltmp4:
0x249: {  	(pc) =	sbr.rel @p0 .LBB2_11-.Ltmp4, $4  }
0x24a: {  	v32 =	vadd.f32 v32, v33;
	v33 =	vmul.f32 v34, v6  }
0x24b: {  	s26 =	sshll.u32 s24, $0x7  }
0x24c: {  	s22 =	sadd.s32 $0x10, s22;
	s26 =	sand.u32 $0xFFFFFC00, s26;
	s25 =	sshll.u32 s24, $0x6;
	v32 =	vadd.f32 v32, v33  }
0x24d: {  	s24 =	sand.u32 $0x70, s22;
	s28 =	sand.u32 $0x3FFFFE00, s25;
	s25 =	smov.u32 s23  }
0x24e: {  	s23 =	sor.u32 s24, s28;
	[tilespmem:s21+$0xE380] =	vst v32  }
0x24f: {  	s22 =	sor.u32 s24, s26;
	v32 =	vld [tilespmem:s23+$0x8000]  }
0x250: {  	s31 =	sor.u32 $0x4000, s22;
	v34 =	vld [tilespmem:s23+$0x8080]  }
0x251: {  	v33 =	vld [tilespmem:s31+$0x0];
	_ =	sdelay $0x1  }
0x252: {  	v35 =	vld [tilespmem:s23+$0x8100]  }
0x253: {  	v31 =	vmul.f32 v32, v31  }
0x254: {  	v36 =	vld [tilespmem:s23+$0x8180]  }
0x255: {  	v30 =	vmul.f32 v34, v30;
	v31 =	vadd.f32 v33, v31;
	_ =	sdelay $0x1  }
0x256: {  	v29 =	vmul.f32 v35, v29;
	v30 =	vadd.f32 v31, v30;
	_ =	sdelay $0x1  }
0x257: {  	v28 =	vmul.f32 v36, v28;
	v29 =	vadd.f32 v30, v29;
	_ =	sdelay $0x1  }
0x258: {  	v28 =	vadd.f32 v29, v28;
	_ =	sdelay $0x1  }
0x259: {  	s24 =	sor.u32 $0x4080, s22;
	[tilespmem:s22+$0xE000] =	vst v28  }
0x25a: {  	v28 =	vld [tilespmem:s24+$0x0];
	_ =	sdelay $0x2  }
0x25b: {  	v27 =	vmul.f32 v32, v27;
	_ =	sdelay $0x1  }
0x25c: {  	v26 =	vmul.f32 v34, v26;
	v27 =	vadd.f32 v28, v27;
	_ =	sdelay $0x1  }
0x25d: {  	v25 =	vmul.f32 v35, v25;
	v26 =	vadd.f32 v27, v26;
	_ =	sdelay $0x1  }
0x25e: {  	v24 =	vmul.f32 v36, v24;
	v25 =	vadd.f32 v26, v25;
	_ =	sdelay $0x1  }
0x25f: {  	v24 =	vadd.f32 v25, v24;
	_ =	sdelay $0x1  }
0x260: {  	s25 =	sor.u32 $0x4100, s22;
	[tilespmem:s22+$0xE080] =	vst v24  }
0x261: {  	v24 =	vld [tilespmem:s25+$0x0];
	_ =	sdelay $0x2  }
0x262: {  	v23 =	vmul.f32 v32, v23;
	_ =	sdelay $0x1  }
0x263: {  	v22 =	vmul.f32 v34, v22;
	v23 =	vadd.f32 v24, v23;
	_ =	sdelay $0x1  }
0x264: {  	v21 =	vmul.f32 v35, v21;
	v22 =	vadd.f32 v23, v22;
	_ =	sdelay $0x1  }
0x265: {  	v20 =	vmul.f32 v36, v20;
	v21 =	vadd.f32 v22, v21;
	_ =	sdelay $0x1  }
0x266: {  	v20 =	vadd.f32 v21, v20;
	_ =	sdelay $0x1  }
0x267: {  	s26 =	sor.u32 $0x4180, s22;
	[tilespmem:s22+$0xE100] =	vst v20  }
0x268: {  	v20 =	vld [tilespmem:s26+$0x0];
	_ =	sdelay $0x2  }
0x269: {  	v19 =	vmul.f32 v32, v19;
	_ =	sdelay $0x1  }
0x26a: {  	v18 =	vmul.f32 v34, v18;
	v19 =	vadd.f32 v20, v19;
	_ =	sdelay $0x1  }
0x26b: {  	v17 =	vmul.f32 v35, v17;
	v18 =	vadd.f32 v19, v18;
	_ =	sdelay $0x1  }
0x26c: {  	v16 =	vmul.f32 v36, v16;
	v17 =	vadd.f32 v18, v17;
	_ =	sdelay $0x1  }
0x26d: {  	v16 =	vadd.f32 v17, v16;
	_ =	sdelay $0x1  }
0x26e: {  	s28 =	sor.u32 $0x4200, s22;
	[tilespmem:s22+$0xE180] =	vst v16  }
0x26f: {  	v16 =	vld [tilespmem:s28+$0x0];
	_ =	sdelay $0x2  }
0x270: {  	v9 =	vmul.f32 v32, v9;
	_ =	sdelay $0x1  }
0x271: {  	v7 =	vmul.f32 v34, v7;
	v9 =	vadd.f32 v16, v9;
	_ =	sdelay $0x1  }
0x272: {  	v2 =	vmul.f32 v35, v2;
	v7 =	vadd.f32 v9, v7;
	_ =	sdelay $0x1  }
0x273: {  	v1 =	vmul.f32 v36, v1;
	v2 =	vadd.f32 v7, v2;
	_ =	sdelay $0x1  }
0x274: {  	v1 =	vadd.f32 v2, v1;
	_ =	sdelay $0x1  }
0x275: {  	s29 =	sor.u32 $0x4280, s22;
	[tilespmem:s22+$0xE200] =	vst v1  }
0x276: {  	v1 =	vld [tilespmem:s29+$0x0];
	_ =	sdelay $0x2  }
0x277: {  	v0 =	vmul.f32 v32, v0;
	_ =	sdelay $0x1  }
0x278: {  	v53 =	vmul.f32 v34, v3;
	v0 =	vadd.f32 v1, v0;
	_ =	sdelay $0x1  }
0x279: {  	v54 =	vmul.f32 v35, v14;
	v0 =	vadd.f32 v0, v53;
	_ =	sdelay $0x1  }
0x27a: {  	v55 =	vmul.f32 v36, v15;
	v0 =	vadd.f32 v0, v54;
	_ =	sdelay $0x1  }
0x27b: {  	v0 =	vadd.f32 v0, v55;
	_ =	sdelay $0x1  }
0x27c: {  	s30 =	sor.u32 $0x4300, s22;
	[tilespmem:s22+$0xE280] =	vst v0  }
0x27d: {  	v0 =	vld [tilespmem:s30+$0x0];
	_ =	sdelay $0x2  }
0x27e: {  	v56 =	vmul.f32 v32, v10;
	_ =	sdelay $0x1  }
0x27f: {  	v57 =	vmul.f32 v34, v12;
	v0 =	vadd.f32 v0, v56;
	_ =	sdelay $0x1  }
0x280: {  	v58 =	vmul.f32 v35, v11;
	v0 =	vadd.f32 v0, v57;
	_ =	sdelay $0x1  }
0x281: {  	v59 =	vmul.f32 v36, v13;
	v0 =	vadd.f32 v0, v58;
	_ =	sdelay $0x1  }
0x282: {  	v0 =	vadd.f32 v0, v59;
	_ =	sdelay $0x1  }
0x283: {  	s31 =	sor.u32 $0x4380, s22;
	[tilespmem:s22+$0xE300] =	vst v0  }
0x284: {  	v0 =	vld [tilespmem:s31+$0x0];
	_ =	sdelay $0x2  }
0x285: {  	v60 =	vmul.f32 v32, v4;
	_ =	sdelay $0x1  }
0x286: {  	v61 =	vmul.f32 v34, v8;
	v0 =	vadd.f32 v0, v60;
	_ =	sdelay $0x1  }
0x287: {  	v62 =	vmul.f32 v35, v5;
	v0 =	vadd.f32 v0, v61;
	_ =	sdelay $0x1  }
0x288: {  	v63 =	vmul.f32 v36, v6;
	v0 =	vadd.f32 v0, v62;
	_ =	sdelay $0x1  }
0x289: {  	s19 =	sadd.s32 $0x1, s19;
	v0 =	vadd.f32 v0, v63  }
0x28a: {  	s20 =	sshll.u32 s20, $0xD;
	p0 =	sne.s32 s19, $0x20  }
.Ltmp5:
0x28b: {  	s20 =	sadd.s32 s20, s10;
	[tilespmem:s22+$0xE380] =	vst v0;
	(pc) =	sbr.rel @p0 .LBB2_8-.Ltmp5, $4  }
0x28c: {  	[hbm4b:s20+s14] =	stream.strided.scatter [tilespmem:s16], [sflag:$0x1], $0x8000, s15, s14, $0x38;
	[tilespmem:$0x14000] =	vst v63  }
0x28d: {  	_ =	swait.ge [sflag:s13], $0x8000  }
0x28e: {  	[sflag:s13] =	ssyncset.done $0x0  }
0x28f: {  	[sflag:s13] =	ssyncadd.s32 $0xFFFF8000  }
0x290: {  	s17 =	sadd.s32 $0x1, s17  }
0x291: {  	p0 =	sne.s32 s17, s11  }
.Ltmp6:
0x292: {  	_ = 	snop;
	(pc) =	sbr.rel @p0 .LBB2_1-.Ltmp6, $1  }
0x293: {  	_ =	sdelay $0x3  }
0x294: {  	_ =	sfence.sel $0x180000  }
0x295: {  	[bflag:$0x0] =	sbarrier.arrive $0xFFFF  }
0x296: {  	p0 =	sne.s32 s5, $0x0;
	_ =	strace $0x90000047  }
0x297: {  	s0 =	sadd.s32 @!p0 $0x100000, s0;
	[bflag:$0x2] =	sbarrier.arrive $0xFFFF  }
0x298: {  	[sflag:s0] =	ssyncadd.tile.s32 @!p0 $0x1;
	_ =	shalt  }
.Lfunc_end2:
_tile_overlayer_lowered:
.L_overlay_start_2:
0x299: {  	(tag) =	ssettag $0x2  }
0x29a: {  	s0 =	rddreg [dreg:$0x0];
	s2 =	stileid.u32  }
0x29b: {  	s1 =	rddreg [dreg:$0x1];
	p0 =	sne.s32 s2, $0x0  }
0x29c: {  	s3 =	rddreg [dreg:$0x2];
	[bflag:$0x3] =	sbarrier.arrive $0xFFFF;
	s2 =	simm.s32 @!p0 $0x1C01  }
0x29d: {  	[timem:s3], [sflag:s2] =	dma.local @!p0 [hbm:s0], s1  }
0x29e: {  	s0 =	simm.s32 @!p0 $0x1  }
0x29f: {  	_ =	swait.ge @!p0 [sflag:s0], s1  }
0x2a0: {  	s1 =	ssub.s32 @!p0 $0x0, s1;
	[sflag:s0] =	ssyncset.done @!p0 $0x0  }
0x2a1: {  	[sflag:s0] =	ssyncadd.s32 @!p0 s1  }
0x2a2: {  	[bflag:$0x3] =	sbarrier.arrive $0xFFFF  }
0x2a3: {  	_ =	shalt  }

</sc_bundles>
